<compile_context>
chip_gen: v7x
topology: tpu7x:2x2x1
jax: 0.10.2.dev20260603
libtpu: 0.0.44.dev20260713+nightly
codegen_flags: <defaults>
</compile_context>

<pallas_src>
import functools

import jax
import jax.numpy as jnp
from jax import lax
from jax.experimental import pallas as pl
from jax.experimental.pallas import tpu as pltpu
from jax.experimental.pallas import tpu_sc as plsc

N = 10000
E = 320000
D = 128
H = 64
O = 2

NC = 2
NS = 16
NW = NC * NS
EPW = E // NW
K = 256
EPADW = 10240
NCHUNK = EPADW // K
NBUF = 4
NTRIP = NCHUNK // NBUF
NPAD = 10240
RPT = NPAD // NS
DPT = NPAD // NS


def _mesh():
    return plsc.VectorSubcoreMesh(
        core_axis_name="c", subcore_axis_name="s", num_cores=NC, num_subcores=NS
    )


@functools.cache
def _make_sc_degree():
    return pl.kernel(
        _sc_degree_body,
        out_type=jax.ShapeDtypeStruct((NC * NPAD,), jnp.float32),
        mesh=_mesh(),
        compiler_params=pltpu.CompilerParams(use_tc_tiling_on_sc=False),
        scratch_types=[
            pltpu.VMEM_SHARED((NPAD,), jnp.float32),
            pltpu.VMEM((NCHUNK, K), jnp.int32),
            pltpu.VMEM((K,), jnp.float32),
            pltpu.VMEM((DPT,), jnp.float32),
        ],
    )


def _sc_degree_body(edges_hbm, zeros_hbm, deg_hbm, acc, colv, ones, iobuf):
    c = lax.axis_index("c")
    s = lax.axis_index("s")
    wid = c * NS + s

    pltpu.sync_copy(zeros_hbm.at[pl.ds(s * DPT, DPT)], iobuf)
    pltpu.sync_copy(iobuf, acc.at[pl.ds(s * DPT, DPT)])

    for i in range(K // 16):
        ones[pl.ds(i * 16, 16)] = jnp.ones((16,), jnp.float32)
    pltpu.sync_copy(edges_hbm.at[1, wid], colv)
    plsc.subcore_barrier()

    def body(j, carry):
        pltpu.sync_copy(ones, acc.at[colv.at[j]], add=True)
        return carry

    lax.fori_loop(0, NCHUNK, body, 0)
    plsc.subcore_barrier()

    pltpu.sync_copy(acc.at[pl.ds(s * DPT, DPT)], iobuf)
    pltpu.sync_copy(iobuf, deg_hbm.at[pl.ds(c * NPAD + s * DPT, DPT)])


@functools.cache
def _make_sc_aggregate():
    return pl.kernel(
        _sc_aggregate_body,
        out_type=jax.ShapeDtypeStruct((NC, NPAD, H), jnp.float32),
        mesh=_mesh(),
        compiler_params=pltpu.CompilerParams(use_tc_tiling_on_sc=False),
        scratch_types=[
            pltpu.VMEM_SHARED((NPAD, H), jnp.float32),
            pltpu.VMEM((NCHUNK, K), jnp.int32),
            pltpu.VMEM((NCHUNK, K), jnp.int32),
        ]
        + [pltpu.VMEM((K, H), jnp.float32) for _ in range(NBUF)]
        + [pltpu.SemaphoreType.DMA for _ in range(NBUF)],
    )


def _sc_aggregate_body(y_hbm, edges_hbm, z_hbm, acc, rowv, colv, *bufsem):
    bufs = bufsem[:NBUF]
    sems = bufsem[NBUF:]
    c = lax.axis_index("c")
    s = lax.axis_index("s")
    wid = c * NS + s

    pltpu.sync_copy(y_hbm.at[pl.ds(s * RPT, RPT)], acc.at[pl.ds(s * RPT, RPT)])

    pltpu.sync_copy(edges_hbm.at[0, wid], rowv)
    pltpu.sync_copy(edges_hbm.at[1, wid], colv)
    plsc.subcore_barrier()

    for b in range(NBUF):
        pltpu.async_copy(y_hbm.at[rowv.at[b]], bufs[b], sems[b])

    def body(i, carry):
        for b in range(NBUF):
            j = i * NBUF + b
            pltpu.make_async_copy(y_hbm.at[rowv.at[j]], bufs[b], sems[b]).wait()
            pltpu.sync_copy(bufs[b], acc.at[colv.at[j]], add=True)
            pltpu.async_copy(y_hbm.at[rowv.at[j + NBUF]], bufs[b], sems[b])
        return carry

    lax.fori_loop(0, NTRIP - 1, body, 0)
    for b in range(NBUF):
        j = (NTRIP - 1) * NBUF + b
        pltpu.make_async_copy(y_hbm.at[rowv.at[j]], bufs[b], sems[b]).wait()
        pltpu.sync_copy(bufs[b], acc.at[colv.at[j]], add=True)
    plsc.subcore_barrier()

    pltpu.sync_copy(acc.at[pl.ds(s * RPT, RPT)], z_hbm.at[c, pl.ds(s * RPT, RPT)])



def _dinv(degs_ref):
    deg = degs_ref[:NPAD] + degs_ref[NPAD:] + 1.0
    return lax.rsqrt(deg)[:N, None]


def _tc_scale_body(x_ref, w_ref, degs_ref, y_ref):
    dinv = _dinv(degs_ref)
    xw = jnp.dot(x_ref[...], w_ref[...], preferred_element_type=jnp.float32)
    y_ref[:N] = dinv * xw
    y_ref[N:] = jnp.zeros((NPAD - N, H), jnp.float32)


def _tc_comb_body(z_ref, y_ref, degs_ref, b_ref, w_ref, yout_ref):
    dinv = _dinv(degs_ref)
    zsum = z_ref[0, :N] + z_ref[1, :N] - y_ref[:N]
    h = jnp.maximum(b_ref[...] + dinv * zsum, 0.0)
    yout_ref[:N] = dinv * jnp.dot(h, w_ref[...], preferred_element_type=jnp.float32)
    yout_ref[N:] = jnp.zeros((NPAD - N, H), jnp.float32)


def _tc_final_body(z_ref, y_ref, degs_ref, b_ref, wm1_ref, bm1_ref, wm2_ref, bm2_ref, out_ref):
    dinv = _dinv(degs_ref)
    zsum = z_ref[0, :N] + z_ref[1, :N] - y_ref[:N]
    h = jnp.maximum(b_ref[...] + dinv * zsum, 0.0)
    m = jnp.maximum(
        jnp.dot(h, wm1_ref[...], preferred_element_type=jnp.float32) + bm1_ref[...],
        0.0,
    )
    out_ref[...] = jnp.dot(m, wm2_ref[...], preferred_element_type=jnp.float32) + bm2_ref[...]



def kernel(x, edge_index, W1, b1, W2, b2, W3, b3, Wm1, bm1, Wm2, bm2):
    npe = EPADW - EPW
    padv = (
        N
        + (jnp.arange(npe, dtype=jnp.int32)[None, :]
           + 15 * jnp.arange(NW, dtype=jnp.int32)[:, None]) % (NPAD - N)
    )
    edges = jnp.concatenate(
        [edge_index.reshape(2, NW, EPW), jnp.broadcast_to(padv, (2, NW, npe))],
        axis=2,
    ).reshape(2, NW, NCHUNK, K)
    zeros = jnp.zeros((NPAD,), jnp.float32)

    degs = _make_sc_degree()(edges, zeros)

    y1 = pl.pallas_call(
        _tc_scale_body,
        out_shape=jax.ShapeDtypeStruct((NPAD, H), jnp.float32),
    )(x, W1, degs)

    z1 = _make_sc_aggregate()(y1, edges)

    y2 = pl.pallas_call(
        _tc_comb_body,
        out_shape=jax.ShapeDtypeStruct((NPAD, H), jnp.float32),
    )(z1, y1, degs, b1, W2)

    z2 = _make_sc_aggregate()(y2, edges)

    y3 = pl.pallas_call(
        _tc_comb_body,
        out_shape=jax.ShapeDtypeStruct((NPAD, H), jnp.float32),
    )(z2, y2, degs, b2, W3)

    z3 = _make_sc_aggregate()(y3, edges)

    out = pl.pallas_call(
        _tc_final_body,
        out_shape=jax.ShapeDtypeStruct((N, O), jnp.float32),
    )(z3, y3, degs, b3, Wm1, bm1, Wm2, bm2)

    return out

# --- scband reference (transcript-rebuilt; emitter-appended) ---
"""Pipeline reference for scband-after-shock-gnn-90159953478465 (READ-ONLY COPY).

The authoritative reference and input builder live on the scoring server;
editing this copy changes nothing except your own understanding.
"""

import jax, jax.numpy as jnp
import numpy as np

N = 10000
E = 320000
D = 128
H = 64
O = 2


def setup_inputs(seed: int = 0) -> dict:
    key = jax.random.key(seed)
    ks = jax.random.split(key, 12)
    x = jax.random.normal(ks[0], (N, D), dtype=jnp.float32)
    edge_index = jax.random.randint(ks[1], (2, E), 0, N, dtype=jnp.int32)
    s = 0.05
    W1 = jax.random.normal(ks[2], (D, H), dtype=jnp.float32) * s
    b1 = jnp.zeros((H,), dtype=jnp.float32)
    W2 = jax.random.normal(ks[3], (H, H), dtype=jnp.float32) * s
    b2 = jnp.zeros((H,), dtype=jnp.float32)
    W3 = jax.random.normal(ks[4], (H, H), dtype=jnp.float32) * s
    b3 = jnp.zeros((H,), dtype=jnp.float32)
    Wm1 = jax.random.normal(ks[5], (H, H), dtype=jnp.float32) * s
    bm1 = jnp.zeros((H,), dtype=jnp.float32)
    Wm2 = jax.random.normal(ks[6], (H, O), dtype=jnp.float32) * s
    bm2 = jnp.zeros((O,), dtype=jnp.float32)
    return {"x": x, "edge_index": edge_index, "W1": W1, "b1": b1, "W2": W2, "b2": b2, "W3": W3, "b3": b3, "Wm1": Wm1, "bm1": bm1, "Wm2": Wm2, "bm2": bm2}


def gcn_conv(x, edge_index, W, b):
    # PyG GCNConv: add self-loops, symmetric normalization D^-1/2 (A+I) D^-1/2 X W + b
    n = x.shape[0]
    row = edge_index[0]
    col = edge_index[1]
    loop = jnp.arange(n, dtype=row.dtype)
    row_f = jnp.concatenate([row, loop])
    col_f = jnp.concatenate([col, loop])
    deg = jnp.zeros((n,), dtype=x.dtype).at[col_f].add(1.0)
    dinv = jnp.where(deg > 0, deg ** -0.5, 0.0)
    norm = dinv[row_f] * dinv[col_f]
    xw = x @ W
    msg = jnp.take(xw, row_f, axis=0) * norm[:, None]
    out = jnp.zeros((n, W.shape[1]), dtype=x.dtype).at[col_f].add(msg)
    return out + b


def reference(x, edge_index, W1, b1, W2, b2, W3, b3, Wm1, bm1, Wm2, bm2):
    # eval mode: dropout is identity; batch is None so no global_mean_pool
    h = jax.nn.relu(gcn_conv(x, edge_index, W1, b1))
    h = jax.nn.relu(gcn_conv(h, edge_index, W2, b2))
    h = jax.nn.relu(gcn_conv(h, edge_index, W3, b3))
    h = jax.nn.relu(h @ Wm1 + bm1)
    return h @ Wm2 + bm2

if __name__ == "__main__":
    import jax
    _d = setup_inputs()
    print(jax.jit(kernel)(*tuple(_d.values())))

</pallas_src>

<mosaic_0001>
#map = affine_map<(d0, d1) -> (0, 0, 0, 0)>
#map1 = affine_map<(d0, d1) -> (0)>
module attributes {stable_mosaic.version = 14 : i64} {
  func.func @_sc_degree_body(%arg0: i32, %arg1: i32, %arg2: memref<2x32x40x256xi32, #tpu.memory_space<hbm>>, %arg3: memref<10240xf32, #tpu.memory_space<hbm>>, %arg4: memref<20480xf32, #tpu.memory_space<hbm>>, %arg5: memref<10240xf32, #tpu.memory_space<vmem_shared>>, %arg6: memref<40x256xi32, #tpu.memory_space<vmem>>, %arg7: memref<256xf32, #tpu.memory_space<vmem>>, %arg8: memref<640xf32, #tpu.memory_space<vmem>>) attributes {dimension_semantics = [#tpu.dimension_semantics<core_parallel>, #tpu.dimension_semantics<subcore_parallel>], iteration_bounds = array<i64: 2, 16>, scalar_prefetch = 0 : i64, scratch_operands = 4 : i64, tpu.core_type = #tpu.core_type<sc_vector_subcore>, window_params = [{transform_indices = #map}, {transform_indices = #map1}, {transform_indices = #map1}]} {
    %mul3A = arith.constant 16 : i32
    %mul3A_0 = arith.muli %arg0, %mul3A : i32
    %add3A = arith.addi %mul3A_0, %arg1 : i32
    %mul3A_1 = arith.constant 640 : i32
    %mul3A_2 = arith.muli %arg1, %mul3A_1 : i32
    "tpu.region"() ({
      %run_scoped3A_112 = tpu.sem_alloc : memref<!tpu.dma_semaphore, #tpu.memory_space<semaphore_mem>>
      %dma_start3A = tpu.memref_slice %arg3[%mul3A_2] : memref<10240xf32, #tpu.memory_space<hbm>> -> memref<640xf32, #tpu.memory_space<hbm>>
      %dma_start3A_113 = tpu.memref_slice %arg3[%mul3A_2] : memref<10240xf32, #tpu.memory_space<hbm>> -> memref<640xf32, #tpu.memory_space<hbm>>
      tpu.enqueue_dma source(%dma_start3A_113 : memref<640xf32, #tpu.memory_space<hbm>>) target(%arg8 : memref<640xf32, #tpu.memory_space<vmem>>) target_semaphore(%run_scoped3A_112 : memref<!tpu.dma_semaphore, #tpu.memory_space<semaphore_mem>>)
      %dma_wait3A = tpu.memref_slice %arg3[%mul3A_2] : memref<10240xf32, #tpu.memory_space<hbm>> -> memref<640xf32, #tpu.memory_space<hbm>>
      %dma_wait3A_114 = tpu.memref_slice %arg3[%mul3A_2] : memref<10240xf32, #tpu.memory_space<hbm>> -> memref<640xf32, #tpu.memory_space<hbm>>
      tpu.wait_dma2 semaphore(%run_scoped3A_112 : memref<!tpu.dma_semaphore, #tpu.memory_space<semaphore_mem>>) src(%dma_wait3A_114 : memref<640xf32, #tpu.memory_space<hbm>>) dst(%arg8 : memref<640xf32, #tpu.memory_space<vmem>>)
      tpu.yield
    }) : () -> ()
    %mul3A_3 = arith.constant 640 : i32
    %mul3A_4 = arith.muli %arg1, %mul3A_3 : i32
    "tpu.region"() ({
      %run_scoped3A_112 = tpu.sem_alloc : memref<!tpu.dma_semaphore, #tpu.memory_space<semaphore_mem>>
      %dma_start3A = tpu.memref_slice %arg5[%mul3A_4] : memref<10240xf32, #tpu.memory_space<vmem_shared>> -> memref<640xf32, #tpu.memory_space<vmem_shared>>
      %dma_start3A_113 = tpu.memref_slice %arg5[%mul3A_4] : memref<10240xf32, #tpu.memory_space<vmem_shared>> -> memref<640xf32, #tpu.memory_space<vmem_shared>>
      tpu.enqueue_dma source(%arg8 : memref<640xf32, #tpu.memory_space<vmem>>) target(%dma_start3A_113 : memref<640xf32, #tpu.memory_space<vmem_shared>>) target_semaphore(%run_scoped3A_112 : memref<!tpu.dma_semaphore, #tpu.memory_space<semaphore_mem>>)
      %dma_wait3A = tpu.memref_slice %arg5[%mul3A_4] : memref<10240xf32, #tpu.memory_space<vmem_shared>> -> memref<640xf32, #tpu.memory_space<vmem_shared>>
      %dma_wait3A_114 = tpu.memref_slice %arg5[%mul3A_4] : memref<10240xf32, #tpu.memory_space<vmem_shared>> -> memref<640xf32, #tpu.memory_space<vmem_shared>>
      tpu.wait_dma2 semaphore(%run_scoped3A_112 : memref<!tpu.dma_semaphore, #tpu.memory_space<semaphore_mem>>) src(%arg8 : memref<640xf32, #tpu.memory_space<vmem>>) dst(%dma_wait3A_114 : memref<640xf32, #tpu.memory_space<vmem_shared>>)
      tpu.yield
    }) : () -> ()
    %broadcast_in_dim3A = arith.constant 1.000000e+00 : f32
    %broadcast_in_dim3A_5 = vector.broadcast %broadcast_in_dim3A : f32 to vector<16xf32>
    %swap3A = arith.constant 0 : index
    %swap3A_6 = tpu.vector_load %arg7[%swap3A] {strides = array<i32>} : memref<256xf32, #tpu.memory_space<vmem>>, vector<16xf32>,
    %swap3A_7 = vector.shape_cast %swap3A_6 : vector<16xf32> to vector<16xf32>
    %swap3A_8 = vector.shape_cast %broadcast_in_dim3A_5 : vector<16xf32> to vector<16xf32>
    tpu.vector_store %arg7[%swap3A], %swap3A_8 {strides = array<i32>} : memref<256xf32, #tpu.memory_space<vmem>>, vector<16xf32>,
    %broadcast_in_dim3A_9 = arith.constant 1.000000e+00 : f32
    %broadcast_in_dim3A_10 = vector.broadcast %broadcast_in_dim3A_9 : f32 to vector<16xf32>
    %swap3A_11 = arith.constant 16 : index
    %swap3A_12 = tpu.vector_load %arg7[%swap3A_11] {strides = array<i32>} : memref<256xf32, #tpu.memory_space<vmem>>, vector<16xf32>,
    %swap3A_13 = vector.shape_cast %swap3A_12 : vector<16xf32> to vector<16xf32>
    %swap3A_14 = vector.shape_cast %broadcast_in_dim3A_10 : vector<16xf32> to vector<16xf32>
    tpu.vector_store %arg7[%swap3A_11], %swap3A_14 {strides = array<i32>} : memref<256xf32, #tpu.memory_space<vmem>>, vector<16xf32>,
    %broadcast_in_dim3A_15 = arith.constant 1.000000e+00 : f32
    %broadcast_in_dim3A_16 = vector.broadcast %broadcast_in_dim3A_15 : f32 to vector<16xf32>
    %swap3A_17 = arith.constant 32 : index
    %swap3A_18 = tpu.vector_load %arg7[%swap3A_17] {strides = array<i32>} : memref<256xf32, #tpu.memory_space<vmem>>, vector<16xf32>,
    %swap3A_19 = vector.shape_cast %swap3A_18 : vector<16xf32> to vector<16xf32>
    %swap3A_20 = vector.shape_cast %broadcast_in_dim3A_16 : vector<16xf32> to vector<16xf32>
    tpu.vector_store %arg7[%swap3A_17], %swap3A_20 {strides = array<i32>} : memref<256xf32, #tpu.memory_space<vmem>>, vector<16xf32>,
    %broadcast_in_dim3A_21 = arith.constant 1.000000e+00 : f32
    %broadcast_in_dim3A_22 = vector.broadcast %broadcast_in_dim3A_21 : f32 to vector<16xf32>
    %swap3A_23 = arith.constant 48 : index
    %swap3A_24 = tpu.vector_load %arg7[%swap3A_23] {strides = array<i32>} : memref<256xf32, #tpu.memory_space<vmem>>, vector<16xf32>,
    %swap3A_25 = vector.shape_cast %swap3A_24 : vector<16xf32> to vector<16xf32>
    %swap3A_26 = vector.shape_cast %broadcast_in_dim3A_22 : vector<16xf32> to vector<16xf32>
    tpu.vector_store %arg7[%swap3A_23], %swap3A_26 {strides = array<i32>} : memref<256xf32, #tpu.memory_space<vmem>>, vector<16xf32>,
    %broadcast_in_dim3A_27 = arith.constant 1.000000e+00 : f32
    %broadcast_in_dim3A_28 = vector.broadcast %broadcast_in_dim3A_27 : f32 to vector<16xf32>
    %swap3A_29 = arith.constant 64 : index
    %swap3A_30 = tpu.vector_load %arg7[%swap3A_29] {strides = array<i32>} : memref<256xf32, #tpu.memory_space<vmem>>, vector<16xf32>,
    %swap3A_31 = vector.shape_cast %swap3A_30 : vector<16xf32> to vector<16xf32>
    %swap3A_32 = vector.shape_cast %broadcast_in_dim3A_28 : vector<16xf32> to vector<16xf32>
    tpu.vector_store %arg7[%swap3A_29], %swap3A_32 {strides = array<i32>} : memref<256xf32, #tpu.memory_space<vmem>>, vector<16xf32>,
    %broadcast_in_dim3A_33 = arith.constant 1.000000e+00 : f32
    %broadcast_in_dim3A_34 = vector.broadcast %broadcast_in_dim3A_33 : f32 to vector<16xf32>
    %swap3A_35 = arith.constant 80 : index
    %swap3A_36 = tpu.vector_load %arg7[%swap3A_35] {strides = array<i32>} : memref<256xf32, #tpu.memory_space<vmem>>, vector<16xf32>,
    %swap3A_37 = vector.shape_cast %swap3A_36 : vector<16xf32> to vector<16xf32>
    %swap3A_38 = vector.shape_cast %broadcast_in_dim3A_34 : vector<16xf32> to vector<16xf32>
    tpu.vector_store %arg7[%swap3A_35], %swap3A_38 {strides = array<i32>} : memref<256xf32, #tpu.memory_space<vmem>>, vector<16xf32>,
    %broadcast_in_dim3A_39 = arith.constant 1.000000e+00 : f32
    %broadcast_in_dim3A_40 = vector.broadcast %broadcast_in_dim3A_39 : f32 to vector<16xf32>
    %swap3A_41 = arith.constant 96 : index
    %swap3A_42 = tpu.vector_load %arg7[%swap3A_41] {strides = array<i32>} : memref<256xf32, #tpu.memory_space<vmem>>, vector<16xf32>,
    %swap3A_43 = vector.shape_cast %swap3A_42 : vector<16xf32> to vector<16xf32>
    %swap3A_44 = vector.shape_cast %broadcast_in_dim3A_40 : vector<16xf32> to vector<16xf32>
    tpu.vector_store %arg7[%swap3A_41], %swap3A_44 {strides = array<i32>} : memref<256xf32, #tpu.memory_space<vmem>>, vector<16xf32>,
    %broadcast_in_dim3A_45 = arith.constant 1.000000e+00 : f32
    %broadcast_in_dim3A_46 = vector.broadcast %broadcast_in_dim3A_45 : f32 to vector<16xf32>
    %swap3A_47 = arith.constant 112 : index
    %swap3A_48 = tpu.vector_load %arg7[%swap3A_47] {strides = array<i32>} : memref<256xf32, #tpu.memory_space<vmem>>, vector<16xf32>,
    %swap3A_49 = vector.shape_cast %swap3A_48 : vector<16xf32> to vector<16xf32>
    %swap3A_50 = vector.shape_cast %broadcast_in_dim3A_46 : vector<16xf32> to vector<16xf32>
    tpu.vector_store %arg7[%swap3A_47], %swap3A_50 {strides = array<i32>} : memref<256xf32, #tpu.memory_space<vmem>>, vector<16xf32>,
    %broadcast_in_dim3A_51 = arith.constant 1.000000e+00 : f32
    %broadcast_in_dim3A_52 = vector.broadcast %broadcast_in_dim3A_51 : f32 to vector<16xf32>
    %swap3A_53 = arith.constant 128 : index
    %swap3A_54 = tpu.vector_load %arg7[%swap3A_53] {strides = array<i32>} : memref<256xf32, #tpu.memory_space<vmem>>, vector<16xf32>,
    %swap3A_55 = vector.shape_cast %swap3A_54 : vector<16xf32> to vector<16xf32>
    %swap3A_56 = vector.shape_cast %broadcast_in_dim3A_52 : vector<16xf32> to vector<16xf32>
    tpu.vector_store %arg7[%swap3A_53], %swap3A_56 {strides = array<i32>} : memref<256xf32, #tpu.memory_space<vmem>>, vector<16xf32>,
    %broadcast_in_dim3A_57 = arith.constant 1.000000e+00 : f32
    %broadcast_in_dim3A_58 = vector.broadcast %broadcast_in_dim3A_57 : f32 to vector<16xf32>
    %swap3A_59 = arith.constant 144 : index
    %swap3A_60 = tpu.vector_load %arg7[%swap3A_59] {strides = array<i32>} : memref<256xf32, #tpu.memory_space<vmem>>, vector<16xf32>,
    %swap3A_61 = vector.shape_cast %swap3A_60 : vector<16xf32> to vector<16xf32>
    %swap3A_62 = vector.shape_cast %broadcast_in_dim3A_58 : vector<16xf32> to vector<16xf32>
    tpu.vector_store %arg7[%swap3A_59], %swap3A_62 {strides = array<i32>} : memref<256xf32, #tpu.memory_space<vmem>>, vector<16xf32>,
    %broadcast_in_dim3A_63 = arith.constant 1.000000e+00 : f32
    %broadcast_in_dim3A_64 = vector.broadcast %broadcast_in_dim3A_63 : f32 to vector<16xf32>
    %swap3A_65 = arith.constant 160 : index
    %swap3A_66 = tpu.vector_load %arg7[%swap3A_65] {strides = array<i32>} : memref<256xf32, #tpu.memory_space<vmem>>, vector<16xf32>,
    %swap3A_67 = vector.shape_cast %swap3A_66 : vector<16xf32> to vector<16xf32>
    %swap3A_68 = vector.shape_cast %broadcast_in_dim3A_64 : vector<16xf32> to vector<16xf32>
    tpu.vector_store %arg7[%swap3A_65], %swap3A_68 {strides = array<i32>} : memref<256xf32, #tpu.memory_space<vmem>>, vector<16xf32>,
    %broadcast_in_dim3A_69 = arith.constant 1.000000e+00 : f32
    %broadcast_in_dim3A_70 = vector.broadcast %broadcast_in_dim3A_69 : f32 to vector<16xf32>
    %swap3A_71 = arith.constant 176 : index
    %swap3A_72 = tpu.vector_load %arg7[%swap3A_71] {strides = array<i32>} : memref<256xf32, #tpu.memory_space<vmem>>, vector<16xf32>,
    %swap3A_73 = vector.shape_cast %swap3A_72 : vector<16xf32> to vector<16xf32>
    %swap3A_74 = vector.shape_cast %broadcast_in_dim3A_70 : vector<16xf32> to vector<16xf32>
    tpu.vector_store %arg7[%swap3A_71], %swap3A_74 {strides = array<i32>} : memref<256xf32, #tpu.memory_space<vmem>>, vector<16xf32>,
    %broadcast_in_dim3A_75 = arith.constant 1.000000e+00 : f32
    %broadcast_in_dim3A_76 = vector.broadcast %broadcast_in_dim3A_75 : f32 to vector<16xf32>
    %swap3A_77 = arith.constant 192 : index
    %swap3A_78 = tpu.vector_load %arg7[%swap3A_77] {strides = array<i32>} : memref<256xf32, #tpu.memory_space<vmem>>, vector<16xf32>,
    %swap3A_79 = vector.shape_cast %swap3A_78 : vector<16xf32> to vector<16xf32>
    %swap3A_80 = vector.shape_cast %broadcast_in_dim3A_76 : vector<16xf32> to vector<16xf32>
    tpu.vector_store %arg7[%swap3A_77], %swap3A_80 {strides = array<i32>} : memref<256xf32, #tpu.memory_space<vmem>>, vector<16xf32>,
    %broadcast_in_dim3A_81 = arith.constant 1.000000e+00 : f32
    %broadcast_in_dim3A_82 = vector.broadcast %broadcast_in_dim3A_81 : f32 to vector<16xf32>
    %swap3A_83 = arith.constant 208 : index
    %swap3A_84 = tpu.vector_load %arg7[%swap3A_83] {strides = array<i32>} : memref<256xf32, #tpu.memory_space<vmem>>, vector<16xf32>,
    %swap3A_85 = vector.shape_cast %swap3A_84 : vector<16xf32> to vector<16xf32>
    %swap3A_86 = vector.shape_cast %broadcast_in_dim3A_82 : vector<16xf32> to vector<16xf32>
    tpu.vector_store %arg7[%swap3A_83], %swap3A_86 {strides = array<i32>} : memref<256xf32, #tpu.memory_space<vmem>>, vector<16xf32>,
    %broadcast_in_dim3A_87 = arith.constant 1.000000e+00 : f32
    %broadcast_in_dim3A_88 = vector.broadcast %broadcast_in_dim3A_87 : f32 to vector<16xf32>
    %swap3A_89 = arith.constant 224 : index
    %swap3A_90 = tpu.vector_load %arg7[%swap3A_89] {strides = array<i32>} : memref<256xf32, #tpu.memory_space<vmem>>, vector<16xf32>,
    %swap3A_91 = vector.shape_cast %swap3A_90 : vector<16xf32> to vector<16xf32>
    %swap3A_92 = vector.shape_cast %broadcast_in_dim3A_88 : vector<16xf32> to vector<16xf32>
    tpu.vector_store %arg7[%swap3A_89], %swap3A_92 {strides = array<i32>} : memref<256xf32, #tpu.memory_space<vmem>>, vector<16xf32>,
    %broadcast_in_dim3A_93 = arith.constant 1.000000e+00 : f32
    %broadcast_in_dim3A_94 = vector.broadcast %broadcast_in_dim3A_93 : f32 to vector<16xf32>
    %swap3A_95 = arith.constant 240 : index
    %swap3A_96 = tpu.vector_load %arg7[%swap3A_95] {strides = array<i32>} : memref<256xf32, #tpu.memory_space<vmem>>, vector<16xf32>,
    %swap3A_97 = vector.shape_cast %swap3A_96 : vector<16xf32> to vector<16xf32>
    %swap3A_98 = vector.shape_cast %broadcast_in_dim3A_94 : vector<16xf32> to vector<16xf32>
    tpu.vector_store %arg7[%swap3A_95], %swap3A_98 {strides = array<i32>} : memref<256xf32, #tpu.memory_space<vmem>>, vector<16xf32>,
    %run_scoped3A = arith.constant 1 : i32
    "tpu.region"() ({
      %run_scoped3A_112 = tpu.sem_alloc : memref<!tpu.dma_semaphore, #tpu.memory_space<semaphore_mem>>
      %dma_start3A = arith.constant 0 : i32
      %dma_start3A_113 = arith.constant 0 : i32
      %dma_start3A_114 = tpu.memref_slice %arg2[%run_scoped3A, %add3A, %dma_start3A, %dma_start3A_113] : memref<2x32x40x256xi32, #tpu.memory_space<hbm>> -> memref<1x1x40x256xi32, #tpu.memory_space<hbm>>
      %dma_start3A_115 = tpu.memref_squeeze %dma_start3A_114 : memref<1x1x40x256xi32, #tpu.memory_space<hbm>> -> memref<40x256xi32, #tpu.memory_space<hbm>>
      %dma_start3A_116 = arith.constant 0 : i32
      %dma_start3A_117 = arith.constant 0 : i32
      %dma_start3A_118 = tpu.memref_slice %arg2[%run_scoped3A, %add3A, %dma_start3A_116, %dma_start3A_117] : memref<2x32x40x256xi32, #tpu.memory_space<hbm>> -> memref<1x1x40x256xi32, #tpu.memory_space<hbm>>
      %dma_start3A_119 = tpu.memref_squeeze %dma_start3A_118 : memref<1x1x40x256xi32, #tpu.memory_space<hbm>> -> memref<40x256xi32, #tpu.memory_space<hbm>>
      tpu.enqueue_dma source(%dma_start3A_119 : memref<40x256xi32, #tpu.memory_space<hbm>>) target(%arg6 : memref<40x256xi32, #tpu.memory_space<vmem>>) target_semaphore(%run_scoped3A_112 : memref<!tpu.dma_semaphore, #tpu.memory_space<semaphore_mem>>)
      %dma_wait3A = arith.constant 0 : i32
      %dma_wait3A_120 = arith.constant 0 : i32
      %dma_wait3A_121 = tpu.memref_slice %arg2[%run_scoped3A, %add3A, %dma_wait3A, %dma_wait3A_120] : memref<2x32x40x256xi32, #tpu.memory_space<hbm>> -> memref<1x1x40x256xi32, #tpu.memory_space<hbm>>
      %dma_wait3A_122 = tpu.memref_squeeze %dma_wait3A_121 : memref<1x1x40x256xi32, #tpu.memory_space<hbm>> -> memref<40x256xi32, #tpu.memory_space<hbm>>
      %dma_wait3A_123 = arith.constant 0 : i32
      %dma_wait3A_124 = arith.constant 0 : i32
      %dma_wait3A_125 = tpu.memref_slice %arg2[%run_scoped3A, %add3A, %dma_wait3A_123, %dma_wait3A_124] : memref<2x32x40x256xi32, #tpu.memory_space<hbm>> -> memref<1x1x40x256xi32, #tpu.memory_space<hbm>>
      %dma_wait3A_126 = tpu.memref_squeeze %dma_wait3A_125 : memref<1x1x40x256xi32, #tpu.memory_space<hbm>> -> memref<40x256xi32, #tpu.memory_space<hbm>>
      tpu.wait_dma2 semaphore(%run_scoped3A_112 : memref<!tpu.dma_semaphore, #tpu.memory_space<semaphore_mem>>) src(%dma_wait3A_126 : memref<40x256xi32, #tpu.memory_space<hbm>>) dst(%arg6 : memref<40x256xi32, #tpu.memory_space<vmem>>)
      tpu.yield
    }) : () -> ()
    %barrier3A = arith.constant 0 : index
    tpu.barrier barrier_id(%barrier3A)
    %scan3A = arith.constant 0 : i32
    %scan3A_99 = arith.constant 0 : i32
    %scan3A_100 = arith.constant 40 : i32
    %scan3A_101 = arith.addi %scan3A_99, %scan3A_100 : i32
    %scan3A_102 = arith.constant 1 : i32
    scf.for %scan3A_112 = %scan3A_99 to %scan3A_101 step %scan3A_102  : i32 {
      "tpu.region"() ({
        %run_scoped3A_113 = tpu.sem_alloc : memref<!tpu.dma_semaphore, #tpu.memory_space<semaphore_mem>>
        %dma_start3A = arith.constant 0 : i32
        %dma_start3A_114 = tpu.memref_slice %arg6[%scan3A_112, %dma_start3A] : memref<40x256xi32, #tpu.memory_space<vmem>> -> memref<1x256xi32, #tpu.memory_space<vmem>>
        %dma_start3A_115 = tpu.memref_squeeze %dma_start3A_114 : memref<1x256xi32, #tpu.memory_space<vmem>> -> memref<256xi32, #tpu.memory_space<vmem>>
        %dma_start3A_116 = arith.constant 0 : i32
        %dma_start3A_117 = tpu.memref_slice %arg5[%dma_start3A_116] : memref<10240xf32, #tpu.memory_space<vmem_shared>> -> memref<10240xf32, #tpu.memory_space<vmem_shared>>
        tpu.enqueue_indirect_dma source(%arg7 : memref<256xf32, #tpu.memory_space<vmem>>) target(%dma_start3A_117 : memref<10240xf32, #tpu.memory_space<vmem_shared>>) offsets(%dma_start3A_115 : memref<256xi32, #tpu.memory_space<vmem>>) semaphore(%run_scoped3A_113 : memref<!tpu.dma_semaphore, #tpu.memory_space<semaphore_mem>>) {add = true}
        %dma_wait3A = arith.constant 0 : i32
        %dma_wait3A_118 = tpu.memref_slice %arg6[%scan3A_112, %dma_wait3A] : memref<40x256xi32, #tpu.memory_space<vmem>> -> memref<1x256xi32, #tpu.memory_space<vmem>>
        %dma_wait3A_119 = tpu.memref_squeeze %dma_wait3A_118 : memref<1x256xi32, #tpu.memory_space<vmem>> -> memref<256xi32, #tpu.memory_space<vmem>>
        %dma_wait3A_120 = arith.constant 0 : i32
        %dma_wait3A_121 = tpu.memref_slice %arg5[%dma_wait3A_120] : memref<10240xf32, #tpu.memory_space<vmem_shared>> -> memref<10240xf32, #tpu.memory_space<vmem_shared>>
        tpu.wait_indirect_dma semaphore(%run_scoped3A_113 : memref<!tpu.dma_semaphore, #tpu.memory_space<semaphore_mem>>) src(%arg7 : memref<256xf32, #tpu.memory_space<vmem>>) dst(%dma_wait3A_121 : memref<10240xf32, #tpu.memory_space<vmem_shared>>)
        tpu.yield
      }) : () -> ()
    }
    %scan3A_103 = arith.constant 40 : i32
    %barrier3A_104 = arith.constant 0 : index
    tpu.barrier barrier_id(%barrier3A_104)
    %mul3A_105 = arith.constant 640 : i32
    %mul3A_106 = arith.muli %arg1, %mul3A_105 : i32
    "tpu.region"() ({
      %run_scoped3A_112 = tpu.sem_alloc : memref<!tpu.dma_semaphore, #tpu.memory_space<semaphore_mem>>
      %dma_start3A = tpu.memref_slice %arg5[%mul3A_106] : memref<10240xf32, #tpu.memory_space<vmem_shared>> -> memref<640xf32, #tpu.memory_space<vmem_shared>>
      %dma_start3A_113 = tpu.memref_slice %arg5[%mul3A_106] : memref<10240xf32, #tpu.memory_space<vmem_shared>> -> memref<640xf32, #tpu.memory_space<vmem_shared>>
      tpu.enqueue_dma source(%dma_start3A_113 : memref<640xf32, #tpu.memory_space<vmem_shared>>) target(%arg8 : memref<640xf32, #tpu.memory_space<vmem>>) target_semaphore(%run_scoped3A_112 : memref<!tpu.dma_semaphore, #tpu.memory_space<semaphore_mem>>)
      %dma_wait3A = tpu.memref_slice %arg5[%mul3A_106] : memref<10240xf32, #tpu.memory_space<vmem_shared>> -> memref<640xf32, #tpu.memory_space<vmem_shared>>
      %dma_wait3A_114 = tpu.memref_slice %arg5[%mul3A_106] : memref<10240xf32, #tpu.memory_space<vmem_shared>> -> memref<640xf32, #tpu.memory_space<vmem_shared>>
      tpu.wait_dma2 semaphore(%run_scoped3A_112 : memref<!tpu.dma_semaphore, #tpu.memory_space<semaphore_mem>>) src(%dma_wait3A_114 : memref<640xf32, #tpu.memory_space<vmem_shared>>) dst(%arg8 : memref<640xf32, #tpu.memory_space<vmem>>)
      tpu.yield
    }) : () -> ()
    %mul3A_107 = arith.constant 10240 : i32
    %mul3A_108 = arith.muli %arg0, %mul3A_107 : i32
    %mul3A_109 = arith.constant 640 : i32
    %mul3A_110 = arith.muli %arg1, %mul3A_109 : i32
    %add3A_111 = arith.addi %mul3A_108, %mul3A_110 : i32
    "tpu.region"() ({
      %run_scoped3A_112 = tpu.sem_alloc : memref<!tpu.dma_semaphore, #tpu.memory_space<semaphore_mem>>
      %dma_start3A = tpu.memref_slice %arg4[%add3A_111] : memref<20480xf32, #tpu.memory_space<hbm>> -> memref<640xf32, #tpu.memory_space<hbm>>
      %dma_start3A_113 = tpu.memref_slice %arg4[%add3A_111] : memref<20480xf32, #tpu.memory_space<hbm>> -> memref<640xf32, #tpu.memory_space<hbm>>
      tpu.enqueue_dma source(%arg8 : memref<640xf32, #tpu.memory_space<vmem>>) target(%dma_start3A_113 : memref<640xf32, #tpu.memory_space<hbm>>) target_semaphore(%run_scoped3A_112 : memref<!tpu.dma_semaphore, #tpu.memory_space<semaphore_mem>>)
      %dma_wait3A = tpu.memref_slice %arg4[%add3A_111] : memref<20480xf32, #tpu.memory_space<hbm>> -> memref<640xf32, #tpu.memory_space<hbm>>
      %dma_wait3A_114 = tpu.memref_slice %arg4[%add3A_111] : memref<20480xf32, #tpu.memory_space<hbm>> -> memref<640xf32, #tpu.memory_space<hbm>>
      tpu.wait_dma2 semaphore(%run_scoped3A_112 : memref<!tpu.dma_semaphore, #tpu.memory_space<semaphore_mem>>) src(%arg8 : memref<640xf32, #tpu.memory_space<vmem>>) dst(%dma_wait3A_114 : memref<640xf32, #tpu.memory_space<hbm>>)
      tpu.yield
    }) : () -> ()
    return
  }
}

#map = affine_map<(d0, d1) -> (0, 0)>
#map1 = affine_map<(d0, d1) -> (0, 0, 0, 0)>
#map2 = affine_map<(d0, d1) -> (0, 0, 0)>
module attributes {stable_mosaic.version = 14 : i64} {
  func.func @_sc_aggregate_body(%arg0: i32, %arg1: i32, %arg2: memref<10240x64xf32, #tpu.memory_space<hbm>>, %arg3: memref<2x32x40x256xi32, #tpu.memory_space<hbm>>, %arg4: memref<2x10240x64xf32, #tpu.memory_space<hbm>>, %arg5: memref<10240x64xf32, #tpu.memory_space<vmem_shared>>, %arg6: memref<40x256xi32, #tpu.memory_space<vmem>>, %arg7: memref<40x256xi32, #tpu.memory_space<vmem>>, %arg8: memref<256x64xf32, #tpu.memory_space<vmem>>, %arg9: memref<256x64xf32, #tpu.memory_space<vmem>>, %arg10: memref<256x64xf32, #tpu.memory_space<vmem>>, %arg11: memref<256x64xf32, #tpu.memory_space<vmem>>, %arg12: memref<!tpu.dma_semaphore, #tpu.memory_space<semaphore_mem>>, %arg13: memref<!tpu.dma_semaphore, #tpu.memory_space<semaphore_mem>>, %arg14: memref<!tpu.dma_semaphore, #tpu.memory_space<semaphore_mem>>, %arg15: memref<!tpu.dma_semaphore, #tpu.memory_space<semaphore_mem>>) attributes {dimension_semantics = [#tpu.dimension_semantics<core_parallel>, #tpu.dimension_semantics<subcore_parallel>], iteration_bounds = array<i64: 2, 16>, scalar_prefetch = 0 : i64, scratch_operands = 11 : i64, tpu.core_type = #tpu.core_type<sc_vector_subcore>, window_params = [{transform_indices = #map}, {transform_indices = #map1}, {transform_indices = #map2}]} {
    %mul3A = arith.constant 16 : i32
    %mul3A_0 = arith.muli %arg0, %mul3A : i32
    %add3A = arith.addi %mul3A_0, %arg1 : i32
    %mul3A_1 = arith.constant 640 : i32
    %mul3A_2 = arith.muli %arg1, %mul3A_1 : i32
    %mul3A_3 = arith.constant 640 : i32
    %mul3A_4 = arith.muli %arg1, %mul3A_3 : i32
    "tpu.region"() ({
      %run_scoped3A_74 = tpu.sem_alloc : memref<!tpu.dma_semaphore, #tpu.memory_space<semaphore_mem>>
      %dma_start3A_75 = arith.constant 0 : i32
      %dma_start3A_76 = tpu.memref_slice %arg5[%mul3A_4, %dma_start3A_75] : memref<10240x64xf32, #tpu.memory_space<vmem_shared>> -> memref<640x64xf32, #tpu.memory_space<vmem_shared>>
      %dma_start3A_77 = arith.constant 0 : i32
      %dma_start3A_78 = tpu.memref_slice %arg2[%mul3A_2, %dma_start3A_77] : memref<10240x64xf32, #tpu.memory_space<hbm>> -> memref<640x64xf32, #tpu.memory_space<hbm>>
      tpu.enqueue_dma source(%dma_start3A_78 : memref<640x64xf32, #tpu.memory_space<hbm>>) target(%dma_start3A_76 : memref<640x64xf32, #tpu.memory_space<vmem_shared>>) target_semaphore(%run_scoped3A_74 : memref<!tpu.dma_semaphore, #tpu.memory_space<semaphore_mem>>)
      %dma_wait3A_79 = arith.constant 0 : i32
      %dma_wait3A_80 = tpu.memref_slice %arg5[%mul3A_4, %dma_wait3A_79] : memref<10240x64xf32, #tpu.memory_space<vmem_shared>> -> memref<640x64xf32, #tpu.memory_space<vmem_shared>>
      %dma_wait3A_81 = arith.constant 0 : i32
      %dma_wait3A_82 = tpu.memref_slice %arg2[%mul3A_2, %dma_wait3A_81] : memref<10240x64xf32, #tpu.memory_space<hbm>> -> memref<640x64xf32, #tpu.memory_space<hbm>>
      tpu.wait_dma2 semaphore(%run_scoped3A_74 : memref<!tpu.dma_semaphore, #tpu.memory_space<semaphore_mem>>) src(%dma_wait3A_82 : memref<640x64xf32, #tpu.memory_space<hbm>>) dst(%dma_wait3A_80 : memref<640x64xf32, #tpu.memory_space<vmem_shared>>)
      tpu.yield
    }) : () -> ()
    %run_scoped3A = arith.constant 0 : i32
    "tpu.region"() ({
      %run_scoped3A_74 = tpu.sem_alloc : memref<!tpu.dma_semaphore, #tpu.memory_space<semaphore_mem>>
      %dma_start3A_75 = arith.constant 0 : i32
      %dma_start3A_76 = arith.constant 0 : i32
      %dma_start3A_77 = tpu.memref_slice %arg3[%run_scoped3A, %add3A, %dma_start3A_75, %dma_start3A_76] : memref<2x32x40x256xi32, #tpu.memory_space<hbm>> -> memref<1x1x40x256xi32, #tpu.memory_space<hbm>>
      %dma_start3A_78 = tpu.memref_squeeze %dma_start3A_77 : memref<1x1x40x256xi32, #tpu.memory_space<hbm>> -> memref<40x256xi32, #tpu.memory_space<hbm>>
      %dma_start3A_79 = arith.constant 0 : i32
      %dma_start3A_80 = arith.constant 0 : i32
      %dma_start3A_81 = tpu.memref_slice %arg3[%run_scoped3A, %add3A, %dma_start3A_79, %dma_start3A_80] : memref<2x32x40x256xi32, #tpu.memory_space<hbm>> -> memref<1x1x40x256xi32, #tpu.memory_space<hbm>>
      %dma_start3A_82 = tpu.memref_squeeze %dma_start3A_81 : memref<1x1x40x256xi32, #tpu.memory_space<hbm>> -> memref<40x256xi32, #tpu.memory_space<hbm>>
      tpu.enqueue_dma source(%dma_start3A_82 : memref<40x256xi32, #tpu.memory_space<hbm>>) target(%arg6 : memref<40x256xi32, #tpu.memory_space<vmem>>) target_semaphore(%run_scoped3A_74 : memref<!tpu.dma_semaphore, #tpu.memory_space<semaphore_mem>>)
      %dma_wait3A_83 = arith.constant 0 : i32
      %dma_wait3A_84 = arith.constant 0 : i32
      %dma_wait3A_85 = tpu.memref_slice %arg3[%run_scoped3A, %add3A, %dma_wait3A_83, %dma_wait3A_84] : memref<2x32x40x256xi32, #tpu.memory_space<hbm>> -> memref<1x1x40x256xi32, #tpu.memory_space<hbm>>
      %dma_wait3A_86 = tpu.memref_squeeze %dma_wait3A_85 : memref<1x1x40x256xi32, #tpu.memory_space<hbm>> -> memref<40x256xi32, #tpu.memory_space<hbm>>
      %dma_wait3A_87 = arith.constant 0 : i32
      %dma_wait3A_88 = arith.constant 0 : i32
      %dma_wait3A_89 = tpu.memref_slice %arg3[%run_scoped3A, %add3A, %dma_wait3A_87, %dma_wait3A_88] : memref<2x32x40x256xi32, #tpu.memory_space<hbm>> -> memref<1x1x40x256xi32, #tpu.memory_space<hbm>>
      %dma_wait3A_90 = tpu.memref_squeeze %dma_wait3A_89 : memref<1x1x40x256xi32, #tpu.memory_space<hbm>> -> memref<40x256xi32, #tpu.memory_space<hbm>>
      tpu.wait_dma2 semaphore(%run_scoped3A_74 : memref<!tpu.dma_semaphore, #tpu.memory_space<semaphore_mem>>) src(%dma_wait3A_90 : memref<40x256xi32, #tpu.memory_space<hbm>>) dst(%arg6 : memref<40x256xi32, #tpu.memory_space<vmem>>)
      tpu.yield
    }) : () -> ()
    %run_scoped3A_5 = arith.constant 1 : i32
    "tpu.region"() ({
      %run_scoped3A_74 = tpu.sem_alloc : memref<!tpu.dma_semaphore, #tpu.memory_space<semaphore_mem>>
      %dma_start3A_75 = arith.constant 0 : i32
      %dma_start3A_76 = arith.constant 0 : i32
      %dma_start3A_77 = tpu.memref_slice %arg3[%run_scoped3A_5, %add3A, %dma_start3A_75, %dma_start3A_76] : memref<2x32x40x256xi32, #tpu.memory_space<hbm>> -> memref<1x1x40x256xi32, #tpu.memory_space<hbm>>
      %dma_start3A_78 = tpu.memref_squeeze %dma_start3A_77 : memref<1x1x40x256xi32, #tpu.memory_space<hbm>> -> memref<40x256xi32, #tpu.memory_space<hbm>>
      %dma_start3A_79 = arith.constant 0 : i32
      %dma_start3A_80 = arith.constant 0 : i32
      %dma_start3A_81 = tpu.memref_slice %arg3[%run_scoped3A_5, %add3A, %dma_start3A_79, %dma_start3A_80] : memref<2x32x40x256xi32, #tpu.memory_space<hbm>> -> memref<1x1x40x256xi32, #tpu.memory_space<hbm>>
      %dma_start3A_82 = tpu.memref_squeeze %dma_start3A_81 : memref<1x1x40x256xi32, #tpu.memory_space<hbm>> -> memref<40x256xi32, #tpu.memory_space<hbm>>
      tpu.enqueue_dma source(%dma_start3A_82 : memref<40x256xi32, #tpu.memory_space<hbm>>) target(%arg7 : memref<40x256xi32, #tpu.memory_space<vmem>>) target_semaphore(%run_scoped3A_74 : memref<!tpu.dma_semaphore, #tpu.memory_space<semaphore_mem>>)
      %dma_wait3A_83 = arith.constant 0 : i32
      %dma_wait3A_84 = arith.constant 0 : i32
      %dma_wait3A_85 = tpu.memref_slice %arg3[%run_scoped3A_5, %add3A, %dma_wait3A_83, %dma_wait3A_84] : memref<2x32x40x256xi32, #tpu.memory_space<hbm>> -> memref<1x1x40x256xi32, #tpu.memory_space<hbm>>
      %dma_wait3A_86 = tpu.memref_squeeze %dma_wait3A_85 : memref<1x1x40x256xi32, #tpu.memory_space<hbm>> -> memref<40x256xi32, #tpu.memory_space<hbm>>
      %dma_wait3A_87 = arith.constant 0 : i32
      %dma_wait3A_88 = arith.constant 0 : i32
      %dma_wait3A_89 = tpu.memref_slice %arg3[%run_scoped3A_5, %add3A, %dma_wait3A_87, %dma_wait3A_88] : memref<2x32x40x256xi32, #tpu.memory_space<hbm>> -> memref<1x1x40x256xi32, #tpu.memory_space<hbm>>
      %dma_wait3A_90 = tpu.memref_squeeze %dma_wait3A_89 : memref<1x1x40x256xi32, #tpu.memory_space<hbm>> -> memref<40x256xi32, #tpu.memory_space<hbm>>
      tpu.wait_dma2 semaphore(%run_scoped3A_74 : memref<!tpu.dma_semaphore, #tpu.memory_space<semaphore_mem>>) src(%dma_wait3A_90 : memref<40x256xi32, #tpu.memory_space<hbm>>) dst(%arg7 : memref<40x256xi32, #tpu.memory_space<vmem>>)
      tpu.yield
    }) : () -> ()
    %barrier3A = arith.constant 0 : index
    tpu.barrier barrier_id(%barrier3A)
    %dma_start3A = arith.constant 0 : i32
    %dma_start3A_6 = arith.constant 0 : i32
    %dma_start3A_7 = tpu.memref_slice %arg6[%dma_start3A, %dma_start3A_6] : memref<40x256xi32, #tpu.memory_space<vmem>> -> memref<1x256xi32, #tpu.memory_space<vmem>>
    %dma_start3A_8 = tpu.memref_squeeze %dma_start3A_7 : memref<1x256xi32, #tpu.memory_space<vmem>> -> memref<256xi32, #tpu.memory_space<vmem>>
    %dma_start3A_9 = arith.constant 0 : i32
    %dma_start3A_10 = arith.constant 0 : i32
    %dma_start3A_11 = tpu.memref_slice %arg2[%dma_start3A_9, %dma_start3A_10] : memref<10240x64xf32, #tpu.memory_space<hbm>> -> memref<10240x64xf32, #tpu.memory_space<hbm>>
    tpu.enqueue_indirect_dma source(%dma_start3A_11 : memref<10240x64xf32, #tpu.memory_space<hbm>>) target(%arg8 : memref<256x64xf32, #tpu.memory_space<vmem>>) offsets(%dma_start3A_8 : memref<256xi32, #tpu.memory_space<vmem>>) semaphore(%arg12 : memref<!tpu.dma_semaphore, #tpu.memory_space<semaphore_mem>>)
    %dma_start3A_12 = arith.constant 1 : i32
    %dma_start3A_13 = arith.constant 0 : i32
    %dma_start3A_14 = tpu.memref_slice %arg6[%dma_start3A_12, %dma_start3A_13] : memref<40x256xi32, #tpu.memory_space<vmem>> -> memref<1x256xi32, #tpu.memory_space<vmem>>
    %dma_start3A_15 = tpu.memref_squeeze %dma_start3A_14 : memref<1x256xi32, #tpu.memory_space<vmem>> -> memref<256xi32, #tpu.memory_space<vmem>>
    %dma_start3A_16 = arith.constant 0 : i32
    %dma_start3A_17 = arith.constant 0 : i32
    %dma_start3A_18 = tpu.memref_slice %arg2[%dma_start3A_16, %dma_start3A_17] : memref<10240x64xf32, #tpu.memory_space<hbm>> -> memref<10240x64xf32, #tpu.memory_space<hbm>>
    tpu.enqueue_indirect_dma source(%dma_start3A_18 : memref<10240x64xf32, #tpu.memory_space<hbm>>) target(%arg9 : memref<256x64xf32, #tpu.memory_space<vmem>>) offsets(%dma_start3A_15 : memref<256xi32, #tpu.memory_space<vmem>>) semaphore(%arg13 : memref<!tpu.dma_semaphore, #tpu.memory_space<semaphore_mem>>)
    %dma_start3A_19 = arith.constant 2 : i32
    %dma_start3A_20 = arith.constant 0 : i32
    %dma_start3A_21 = tpu.memref_slice %arg6[%dma_start3A_19, %dma_start3A_20] : memref<40x256xi32, #tpu.memory_space<vmem>> -> memref<1x256xi32, #tpu.memory_space<vmem>>
    %dma_start3A_22 = tpu.memref_squeeze %dma_start3A_21 : memref<1x256xi32, #tpu.memory_space<vmem>> -> memref<256xi32, #tpu.memory_space<vmem>>
    %dma_start3A_23 = arith.constant 0 : i32
    %dma_start3A_24 = arith.constant 0 : i32
    %dma_start3A_25 = tpu.memref_slice %arg2[%dma_start3A_23, %dma_start3A_24] : memref<10240x64xf32, #tpu.memory_space<hbm>> -> memref<10240x64xf32, #tpu.memory_space<hbm>>
    tpu.enqueue_indirect_dma source(%dma_start3A_25 : memref<10240x64xf32, #tpu.memory_space<hbm>>) target(%arg10 : memref<256x64xf32, #tpu.memory_space<vmem>>) offsets(%dma_start3A_22 : memref<256xi32, #tpu.memory_space<vmem>>) semaphore(%arg14 : memref<!tpu.dma_semaphore, #tpu.memory_space<semaphore_mem>>)
    %dma_start3A_26 = arith.constant 3 : i32
    %dma_start3A_27 = arith.constant 0 : i32
    %dma_start3A_28 = tpu.memref_slice %arg6[%dma_start3A_26, %dma_start3A_27] : memref<40x256xi32, #tpu.memory_space<vmem>> -> memref<1x256xi32, #tpu.memory_space<vmem>>
    %dma_start3A_29 = tpu.memref_squeeze %dma_start3A_28 : memref<1x256xi32, #tpu.memory_space<vmem>> -> memref<256xi32, #tpu.memory_space<vmem>>
    %dma_start3A_30 = arith.constant 0 : i32
    %dma_start3A_31 = arith.constant 0 : i32
    %dma_start3A_32 = tpu.memref_slice %arg2[%dma_start3A_30, %dma_start3A_31] : memref<10240x64xf32, #tpu.memory_space<hbm>> -> memref<10240x64xf32, #tpu.memory_space<hbm>>
    tpu.enqueue_indirect_dma source(%dma_start3A_32 : memref<10240x64xf32, #tpu.memory_space<hbm>>) target(%arg11 : memref<256x64xf32, #tpu.memory_space<vmem>>) offsets(%dma_start3A_29 : memref<256xi32, #tpu.memory_space<vmem>>) semaphore(%arg15 : memref<!tpu.dma_semaphore, #tpu.memory_space<semaphore_mem>>)
    %scan3A = arith.constant 0 : i32
    %scan3A_33 = arith.constant 0 : i32
    %scan3A_34 = arith.constant 9 : i32
    %scan3A_35 = arith.addi %scan3A_33, %scan3A_34 : i32
    %scan3A_36 = arith.constant 1 : i32
    scf.for %scan3A_74 = %scan3A_33 to %scan3A_35 step %scan3A_36  : i32 {
      %mul3A_75 = arith.constant 4 : i32
      %mul3A_76 = arith.muli %scan3A_74, %mul3A_75 : i32
      %add3A_77 = arith.constant 0 : i32
      %add3A_78 = arith.addi %mul3A_76, %add3A_77 : i32
      %dma_wait3A_79 = arith.constant 0 : i32
      %dma_wait3A_80 = tpu.memref_slice %arg6[%add3A_78, %dma_wait3A_79] : memref<40x256xi32, #tpu.memory_space<vmem>> -> memref<1x256xi32, #tpu.memory_space<vmem>>
      %dma_wait3A_81 = tpu.memref_squeeze %dma_wait3A_80 : memref<1x256xi32, #tpu.memory_space<vmem>> -> memref<256xi32, #tpu.memory_space<vmem>>
      %dma_wait3A_82 = arith.constant 0 : i32
      %dma_wait3A_83 = arith.constant 0 : i32
      %dma_wait3A_84 = tpu.memref_slice %arg2[%dma_wait3A_82, %dma_wait3A_83] : memref<10240x64xf32, #tpu.memory_space<hbm>> -> memref<10240x64xf32, #tpu.memory_space<hbm>>
      tpu.wait_indirect_dma semaphore(%arg12 : memref<!tpu.dma_semaphore, #tpu.memory_space<semaphore_mem>>) src(%dma_wait3A_84 : memref<10240x64xf32, #tpu.memory_space<hbm>>) dst(%arg8 : memref<256x64xf32, #tpu.memory_space<vmem>>)
      "tpu.region"() ({
        %run_scoped3A_147 = tpu.sem_alloc : memref<!tpu.dma_semaphore, #tpu.memory_space<semaphore_mem>>
        %dma_start3A_148 = arith.constant 0 : i32
        %dma_start3A_149 = tpu.memref_slice %arg7[%add3A_78, %dma_start3A_148] : memref<40x256xi32, #tpu.memory_space<vmem>> -> memref<1x256xi32, #tpu.memory_space<vmem>>
        %dma_start3A_150 = tpu.memref_squeeze %dma_start3A_149 : memref<1x256xi32, #tpu.memory_space<vmem>> -> memref<256xi32, #tpu.memory_space<vmem>>
        %dma_start3A_151 = arith.constant 0 : i32
        %dma_start3A_152 = arith.constant 0 : i32
        %dma_start3A_153 = tpu.memref_slice %arg5[%dma_start3A_151, %dma_start3A_152] : memref<10240x64xf32, #tpu.memory_space<vmem_shared>> -> memref<10240x64xf32, #tpu.memory_space<vmem_shared>>
        tpu.enqueue_indirect_dma source(%arg8 : memref<256x64xf32, #tpu.memory_space<vmem>>) target(%dma_start3A_153 : memref<10240x64xf32, #tpu.memory_space<vmem_shared>>) offsets(%dma_start3A_150 : memref<256xi32, #tpu.memory_space<vmem>>) semaphore(%run_scoped3A_147 : memref<!tpu.dma_semaphore, #tpu.memory_space<semaphore_mem>>) {add = true}
        %dma_wait3A_154 = arith.constant 0 : i32
        %dma_wait3A_155 = tpu.memref_slice %arg7[%add3A_78, %dma_wait3A_154] : memref<40x256xi32, #tpu.memory_space<vmem>> -> memref<1x256xi32, #tpu.memory_space<vmem>>
        %dma_wait3A_156 = tpu.memref_squeeze %dma_wait3A_155 : memref<1x256xi32, #tpu.memory_space<vmem>> -> memref<256xi32, #tpu.memory_space<vmem>>
        %dma_wait3A_157 = arith.constant 0 : i32
        %dma_wait3A_158 = arith.constant 0 : i32
        %dma_wait3A_159 = tpu.memref_slice %arg5[%dma_wait3A_157, %dma_wait3A_158] : memref<10240x64xf32, #tpu.memory_space<vmem_shared>> -> memref<10240x64xf32, #tpu.memory_space<vmem_shared>>
        tpu.wait_indirect_dma semaphore(%run_scoped3A_147 : memref<!tpu.dma_semaphore, #tpu.memory_space<semaphore_mem>>) src(%arg8 : memref<256x64xf32, #tpu.memory_space<vmem>>) dst(%dma_wait3A_159 : memref<10240x64xf32, #tpu.memory_space<vmem_shared>>)
        tpu.yield
      }) : () -> ()
      %add3A_85 = arith.constant 4 : i32
      %add3A_86 = arith.addi %add3A_78, %add3A_85 : i32
      %dma_start3A_87 = arith.constant 0 : i32
      %dma_start3A_88 = tpu.memref_slice %arg6[%add3A_86, %dma_start3A_87] : memref<40x256xi32, #tpu.memory_space<vmem>> -> memref<1x256xi32, #tpu.memory_space<vmem>>
      %dma_start3A_89 = tpu.memref_squeeze %dma_start3A_88 : memref<1x256xi32, #tpu.memory_space<vmem>> -> memref<256xi32, #tpu.memory_space<vmem>>
      %dma_start3A_90 = arith.constant 0 : i32
      %dma_start3A_91 = arith.constant 0 : i32
      %dma_start3A_92 = tpu.memref_slice %arg2[%dma_start3A_90, %dma_start3A_91] : memref<10240x64xf32, #tpu.memory_space<hbm>> -> memref<10240x64xf32, #tpu.memory_space<hbm>>
      tpu.enqueue_indirect_dma source(%dma_start3A_92 : memref<10240x64xf32, #tpu.memory_space<hbm>>) target(%arg8 : memref<256x64xf32, #tpu.memory_space<vmem>>) offsets(%dma_start3A_89 : memref<256xi32, #tpu.memory_space<vmem>>) semaphore(%arg12 : memref<!tpu.dma_semaphore, #tpu.memory_space<semaphore_mem>>)
      %mul3A_93 = arith.constant 4 : i32
      %mul3A_94 = arith.muli %scan3A_74, %mul3A_93 : i32
      %add3A_95 = arith.constant 1 : i32
      %add3A_96 = arith.addi %mul3A_94, %add3A_95 : i32
      %dma_wait3A_97 = arith.constant 0 : i32
      %dma_wait3A_98 = tpu.memref_slice %arg6[%add3A_96, %dma_wait3A_97] : memref<40x256xi32, #tpu.memory_space<vmem>> -> memref<1x256xi32, #tpu.memory_space<vmem>>
      %dma_wait3A_99 = tpu.memref_squeeze %dma_wait3A_98 : memref<1x256xi32, #tpu.memory_space<vmem>> -> memref<256xi32, #tpu.memory_space<vmem>>
      %dma_wait3A_100 = arith.constant 0 : i32
      %dma_wait3A_101 = arith.constant 0 : i32
      %dma_wait3A_102 = tpu.memref_slice %arg2[%dma_wait3A_100, %dma_wait3A_101] : memref<10240x64xf32, #tpu.memory_space<hbm>> -> memref<10240x64xf32, #tpu.memory_space<hbm>>
      tpu.wait_indirect_dma semaphore(%arg13 : memref<!tpu.dma_semaphore, #tpu.memory_space<semaphore_mem>>) src(%dma_wait3A_102 : memref<10240x64xf32, #tpu.memory_space<hbm>>) dst(%arg9 : memref<256x64xf32, #tpu.memory_space<vmem>>)
      "tpu.region"() ({
        %run_scoped3A_147 = tpu.sem_alloc : memref<!tpu.dma_semaphore, #tpu.memory_space<semaphore_mem>>
        %dma_start3A_148 = arith.constant 0 : i32
        %dma_start3A_149 = tpu.memref_slice %arg7[%add3A_96, %dma_start3A_148] : memref<40x256xi32, #tpu.memory_space<vmem>> -> memref<1x256xi32, #tpu.memory_space<vmem>>
        %dma_start3A_150 = tpu.memref_squeeze %dma_start3A_149 : memref<1x256xi32, #tpu.memory_space<vmem>> -> memref<256xi32, #tpu.memory_space<vmem>>
        %dma_start3A_151 = arith.constant 0 : i32
        %dma_start3A_152 = arith.constant 0 : i32
        %dma_start3A_153 = tpu.memref_slice %arg5[%dma_start3A_151, %dma_start3A_152] : memref<10240x64xf32, #tpu.memory_space<vmem_shared>> -> memref<10240x64xf32, #tpu.memory_space<vmem_shared>>
        tpu.enqueue_indirect_dma source(%arg9 : memref<256x64xf32, #tpu.memory_space<vmem>>) target(%dma_start3A_153 : memref<10240x64xf32, #tpu.memory_space<vmem_shared>>) offsets(%dma_start3A_150 : memref<256xi32, #tpu.memory_space<vmem>>) semaphore(%run_scoped3A_147 : memref<!tpu.dma_semaphore, #tpu.memory_space<semaphore_mem>>) {add = true}
        %dma_wait3A_154 = arith.constant 0 : i32
        %dma_wait3A_155 = tpu.memref_slice %arg7[%add3A_96, %dma_wait3A_154] : memref<40x256xi32, #tpu.memory_space<vmem>> -> memref<1x256xi32, #tpu.memory_space<vmem>>
        %dma_wait3A_156 = tpu.memref_squeeze %dma_wait3A_155 : memref<1x256xi32, #tpu.memory_space<vmem>> -> memref<256xi32, #tpu.memory_space<vmem>>
        %dma_wait3A_157 = arith.constant 0 : i32
        %dma_wait3A_158 = arith.constant 0 : i32
        %dma_wait3A_159 = tpu.memref_slice %arg5[%dma_wait3A_157, %dma_wait3A_158] : memref<10240x64xf32, #tpu.memory_space<vmem_shared>> -> memref<10240x64xf32, #tpu.memory_space<vmem_shared>>
        tpu.wait_indirect_dma semaphore(%run_scoped3A_147 : memref<!tpu.dma_semaphore, #tpu.memory_space<semaphore_mem>>) src(%arg9 : memref<256x64xf32, #tpu.memory_space<vmem>>) dst(%dma_wait3A_159 : memref<10240x64xf32, #tpu.memory_space<vmem_shared>>)
        tpu.yield
      }) : () -> ()
      %add3A_103 = arith.constant 4 : i32
      %add3A_104 = arith.addi %add3A_96, %add3A_103 : i32
      %dma_start3A_105 = arith.constant 0 : i32
      %dma_start3A_106 = tpu.memref_slice %arg6[%add3A_104, %dma_start3A_105] : memref<40x256xi32, #tpu.memory_space<vmem>> -> memref<1x256xi32, #tpu.memory_space<vmem>>
      %dma_start3A_107 = tpu.memref_squeeze %dma_start3A_106 : memref<1x256xi32, #tpu.memory_space<vmem>> -> memref<256xi32, #tpu.memory_space<vmem>>
      %dma_start3A_108 = arith.constant 0 : i32
      %dma_start3A_109 = arith.constant 0 : i32
      %dma_start3A_110 = tpu.memref_slice %arg2[%dma_start3A_108, %dma_start3A_109] : memref<10240x64xf32, #tpu.memory_space<hbm>> -> memref<10240x64xf32, #tpu.memory_space<hbm>>
      tpu.enqueue_indirect_dma source(%dma_start3A_110 : memref<10240x64xf32, #tpu.memory_space<hbm>>) target(%arg9 : memref<256x64xf32, #tpu.memory_space<vmem>>) offsets(%dma_start3A_107 : memref<256xi32, #tpu.memory_space<vmem>>) semaphore(%arg13 : memref<!tpu.dma_semaphore, #tpu.memory_space<semaphore_mem>>)
      %mul3A_111 = arith.constant 4 : i32
      %mul3A_112 = arith.muli %scan3A_74, %mul3A_111 : i32
      %add3A_113 = arith.constant 2 : i32
      %add3A_114 = arith.addi %mul3A_112, %add3A_113 : i32
      %dma_wait3A_115 = arith.constant 0 : i32
      %dma_wait3A_116 = tpu.memref_slice %arg6[%add3A_114, %dma_wait3A_115] : memref<40x256xi32, #tpu.memory_space<vmem>> -> memref<1x256xi32, #tpu.memory_space<vmem>>
      %dma_wait3A_117 = tpu.memref_squeeze %dma_wait3A_116 : memref<1x256xi32, #tpu.memory_space<vmem>> -> memref<256xi32, #tpu.memory_space<vmem>>
      %dma_wait3A_118 = arith.constant 0 : i32
      %dma_wait3A_119 = arith.constant 0 : i32
      %dma_wait3A_120 = tpu.memref_slice %arg2[%dma_wait3A_118, %dma_wait3A_119] : memref<10240x64xf32, #tpu.memory_space<hbm>> -> memref<10240x64xf32, #tpu.memory_space<hbm>>
      tpu.wait_indirect_dma semaphore(%arg14 : memref<!tpu.dma_semaphore, #tpu.memory_space<semaphore_mem>>) src(%dma_wait3A_120 : memref<10240x64xf32, #tpu.memory_space<hbm>>) dst(%arg10 : memref<256x64xf32, #tpu.memory_space<vmem>>)
      "tpu.region"() ({
        %run_scoped3A_147 = tpu.sem_alloc : memref<!tpu.dma_semaphore, #tpu.memory_space<semaphore_mem>>
        %dma_start3A_148 = arith.constant 0 : i32
        %dma_start3A_149 = tpu.memref_slice %arg7[%add3A_114, %dma_start3A_148] : memref<40x256xi32, #tpu.memory_space<vmem>> -> memref<1x256xi32, #tpu.memory_space<vmem>>
        %dma_start3A_150 = tpu.memref_squeeze %dma_start3A_149 : memref<1x256xi32, #tpu.memory_space<vmem>> -> memref<256xi32, #tpu.memory_space<vmem>>
        %dma_start3A_151 = arith.constant 0 : i32
        %dma_start3A_152 = arith.constant 0 : i32
        %dma_start3A_153 = tpu.memref_slice %arg5[%dma_start3A_151, %dma_start3A_152] : memref<10240x64xf32, #tpu.memory_space<vmem_shared>> -> memref<10240x64xf32, #tpu.memory_space<vmem_shared>>
        tpu.enqueue_indirect_dma source(%arg10 : memref<256x64xf32, #tpu.memory_space<vmem>>) target(%dma_start3A_153 : memref<10240x64xf32, #tpu.memory_space<vmem_shared>>) offsets(%dma_start3A_150 : memref<256xi32, #tpu.memory_space<vmem>>) semaphore(%run_scoped3A_147 : memref<!tpu.dma_semaphore, #tpu.memory_space<semaphore_mem>>) {add = true}
        %dma_wait3A_154 = arith.constant 0 : i32
        %dma_wait3A_155 = tpu.memref_slice %arg7[%add3A_114, %dma_wait3A_154] : memref<40x256xi32, #tpu.memory_space<vmem>> -> memref<1x256xi32, #tpu.memory_space<vmem>>
        %dma_wait3A_156 = tpu.memref_squeeze %dma_wait3A_155 : memref<1x256xi32, #tpu.memory_space<vmem>> -> memref<256xi32, #tpu.memory_space<vmem>>
        %dma_wait3A_157 = arith.constant 0 : i32
        %dma_wait3A_158 = arith.constant 0 : i32
        %dma_wait3A_159 = tpu.memref_slice %arg5[%dma_wait3A_157, %dma_wait3A_158] : memref<10240x64xf32, #tpu.memory_space<vmem_shared>> -> memref<10240x64xf32, #tpu.memory_space<vmem_shared>>
        tpu.wait_indirect_dma semaphore(%run_scoped3A_147 : memref<!tpu.dma_semaphore, #tpu.memory_space<semaphore_mem>>) src(%arg10 : memref<256x64xf32, #tpu.memory_space<vmem>>) dst(%dma_wait3A_159 : memref<10240x64xf32, #tpu.memory_space<vmem_shared>>)
        tpu.yield
      }) : () -> ()
      %add3A_121 = arith.constant 4 : i32
      %add3A_122 = arith.addi %add3A_114, %add3A_121 : i32
      %dma_start3A_123 = arith.constant 0 : i32
      %dma_start3A_124 = tpu.memref_slice %arg6[%add3A_122, %dma_start3A_123] : memref<40x256xi32, #tpu.memory_space<vmem>> -> memref<1x256xi32, #tpu.memory_space<vmem>>
      %dma_start3A_125 = tpu.memref_squeeze %dma_start3A_124 : memref<1x256xi32, #tpu.memory_space<vmem>> -> memref<256xi32, #tpu.memory_space<vmem>>
      %dma_start3A_126 = arith.constant 0 : i32
      %dma_start3A_127 = arith.constant 0 : i32
      %dma_start3A_128 = tpu.memref_slice %arg2[%dma_start3A_126, %dma_start3A_127] : memref<10240x64xf32, #tpu.memory_space<hbm>> -> memref<10240x64xf32, #tpu.memory_space<hbm>>
      tpu.enqueue_indirect_dma source(%dma_start3A_128 : memref<10240x64xf32, #tpu.memory_space<hbm>>) target(%arg10 : memref<256x64xf32, #tpu.memory_space<vmem>>) offsets(%dma_start3A_125 : memref<256xi32, #tpu.memory_space<vmem>>) semaphore(%arg14 : memref<!tpu.dma_semaphore, #tpu.memory_space<semaphore_mem>>)
      %mul3A_129 = arith.constant 4 : i32
      %mul3A_130 = arith.muli %scan3A_74, %mul3A_129 : i32
      %add3A_131 = arith.constant 3 : i32
      %add3A_132 = arith.addi %mul3A_130, %add3A_131 : i32
      %dma_wait3A_133 = arith.constant 0 : i32
      %dma_wait3A_134 = tpu.memref_slice %arg6[%add3A_132, %dma_wait3A_133] : memref<40x256xi32, #tpu.memory_space<vmem>> -> memref<1x256xi32, #tpu.memory_space<vmem>>
      %dma_wait3A_135 = tpu.memref_squeeze %dma_wait3A_134 : memref<1x256xi32, #tpu.memory_space<vmem>> -> memref<256xi32, #tpu.memory_space<vmem>>
      %dma_wait3A_136 = arith.constant 0 : i32
      %dma_wait3A_137 = arith.constant 0 : i32
      %dma_wait3A_138 = tpu.memref_slice %arg2[%dma_wait3A_136, %dma_wait3A_137] : memref<10240x64xf32, #tpu.memory_space<hbm>> -> memref<10240x64xf32, #tpu.memory_space<hbm>>
      tpu.wait_indirect_dma semaphore(%arg15 : memref<!tpu.dma_semaphore, #tpu.memory_space<semaphore_mem>>) src(%dma_wait3A_138 : memref<10240x64xf32, #tpu.memory_space<hbm>>) dst(%arg11 : memref<256x64xf32, #tpu.memory_space<vmem>>)
      "tpu.region"() ({
        %run_scoped3A_147 = tpu.sem_alloc : memref<!tpu.dma_semaphore, #tpu.memory_space<semaphore_mem>>
        %dma_start3A_148 = arith.constant 0 : i32
        %dma_start3A_149 = tpu.memref_slice %arg7[%add3A_132, %dma_start3A_148] : memref<40x256xi32, #tpu.memory_space<vmem>> -> memref<1x256xi32, #tpu.memory_space<vmem>>
        %dma_start3A_150 = tpu.memref_squeeze %dma_start3A_149 : memref<1x256xi32, #tpu.memory_space<vmem>> -> memref<256xi32, #tpu.memory_space<vmem>>
        %dma_start3A_151 = arith.constant 0 : i32
        %dma_start3A_152 = arith.constant 0 : i32
        %dma_start3A_153 = tpu.memref_slice %arg5[%dma_start3A_151, %dma_start3A_152] : memref<10240x64xf32, #tpu.memory_space<vmem_shared>> -> memref<10240x64xf32, #tpu.memory_space<vmem_shared>>
        tpu.enqueue_indirect_dma source(%arg11 : memref<256x64xf32, #tpu.memory_space<vmem>>) target(%dma_start3A_153 : memref<10240x64xf32, #tpu.memory_space<vmem_shared>>) offsets(%dma_start3A_150 : memref<256xi32, #tpu.memory_space<vmem>>) semaphore(%run_scoped3A_147 : memref<!tpu.dma_semaphore, #tpu.memory_space<semaphore_mem>>) {add = true}
        %dma_wait3A_154 = arith.constant 0 : i32
        %dma_wait3A_155 = tpu.memref_slice %arg7[%add3A_132, %dma_wait3A_154] : memref<40x256xi32, #tpu.memory_space<vmem>> -> memref<1x256xi32, #tpu.memory_space<vmem>>
        %dma_wait3A_156 = tpu.memref_squeeze %dma_wait3A_155 : memref<1x256xi32, #tpu.memory_space<vmem>> -> memref<256xi32, #tpu.memory_space<vmem>>
        %dma_wait3A_157 = arith.constant 0 : i32
        %dma_wait3A_158 = arith.constant 0 : i32
        %dma_wait3A_159 = tpu.memref_slice %arg5[%dma_wait3A_157, %dma_wait3A_158] : memref<10240x64xf32, #tpu.memory_space<vmem_shared>> -> memref<10240x64xf32, #tpu.memory_space<vmem_shared>>
        tpu.wait_indirect_dma semaphore(%run_scoped3A_147 : memref<!tpu.dma_semaphore, #tpu.memory_space<semaphore_mem>>) src(%arg11 : memref<256x64xf32, #tpu.memory_space<vmem>>) dst(%dma_wait3A_159 : memref<10240x64xf32, #tpu.memory_space<vmem_shared>>)
        tpu.yield
      }) : () -> ()
      %add3A_139 = arith.constant 4 : i32
      %add3A_140 = arith.addi %add3A_132, %add3A_139 : i32
      %dma_start3A_141 = arith.constant 0 : i32
      %dma_start3A_142 = tpu.memref_slice %arg6[%add3A_140, %dma_start3A_141] : memref<40x256xi32, #tpu.memory_space<vmem>> -> memref<1x256xi32, #tpu.memory_space<vmem>>
      %dma_start3A_143 = tpu.memref_squeeze %dma_start3A_142 : memref<1x256xi32, #tpu.memory_space<vmem>> -> memref<256xi32, #tpu.memory_space<vmem>>
      %dma_start3A_144 = arith.constant 0 : i32
      %dma_start3A_145 = arith.constant 0 : i32
      %dma_start3A_146 = tpu.memref_slice %arg2[%dma_start3A_144, %dma_start3A_145] : memref<10240x64xf32, #tpu.memory_space<hbm>> -> memref<10240x64xf32, #tpu.memory_space<hbm>>
      tpu.enqueue_indirect_dma source(%dma_start3A_146 : memref<10240x64xf32, #tpu.memory_space<hbm>>) target(%arg11 : memref<256x64xf32, #tpu.memory_space<vmem>>) offsets(%dma_start3A_143 : memref<256xi32, #tpu.memory_space<vmem>>) semaphore(%arg15 : memref<!tpu.dma_semaphore, #tpu.memory_space<semaphore_mem>>)
    }
    %scan3A_37 = arith.constant 9 : i32
    %dma_wait3A = arith.constant 36 : i32
    %dma_wait3A_38 = arith.constant 0 : i32
    %dma_wait3A_39 = tpu.memref_slice %arg6[%dma_wait3A, %dma_wait3A_38] : memref<40x256xi32, #tpu.memory_space<vmem>> -> memref<1x256xi32, #tpu.memory_space<vmem>>
    %dma_wait3A_40 = tpu.memref_squeeze %dma_wait3A_39 : memref<1x256xi32, #tpu.memory_space<vmem>> -> memref<256xi32, #tpu.memory_space<vmem>>
    %dma_wait3A_41 = arith.constant 0 : i32
    %dma_wait3A_42 = arith.constant 0 : i32
    %dma_wait3A_43 = tpu.memref_slice %arg2[%dma_wait3A_41, %dma_wait3A_42] : memref<10240x64xf32, #tpu.memory_space<hbm>> -> memref<10240x64xf32, #tpu.memory_space<hbm>>
    tpu.wait_indirect_dma semaphore(%arg12 : memref<!tpu.dma_semaphore, #tpu.memory_space<semaphore_mem>>) src(%dma_wait3A_43 : memref<10240x64xf32, #tpu.memory_space<hbm>>) dst(%arg8 : memref<256x64xf32, #tpu.memory_space<vmem>>)
    %run_scoped3A_44 = arith.constant 36 : i32
    "tpu.region"() ({
      %run_scoped3A_74 = tpu.sem_alloc : memref<!tpu.dma_semaphore, #tpu.memory_space<semaphore_mem>>
      %dma_start3A_75 = arith.constant 0 : i32
      %dma_start3A_76 = tpu.memref_slice %arg7[%run_scoped3A_44, %dma_start3A_75] : memref<40x256xi32, #tpu.memory_space<vmem>> -> memref<1x256xi32, #tpu.memory_space<vmem>>
      %dma_start3A_77 = tpu.memref_squeeze %dma_start3A_76 : memref<1x256xi32, #tpu.memory_space<vmem>> -> memref<256xi32, #tpu.memory_space<vmem>>
      %dma_start3A_78 = arith.constant 0 : i32
      %dma_start3A_79 = arith.constant 0 : i32
      %dma_start3A_80 = tpu.memref_slice %arg5[%dma_start3A_78, %dma_start3A_79] : memref<10240x64xf32, #tpu.memory_space<vmem_shared>> -> memref<10240x64xf32, #tpu.memory_space<vmem_shared>>
      tpu.enqueue_indirect_dma source(%arg8 : memref<256x64xf32, #tpu.memory_space<vmem>>) target(%dma_start3A_80 : memref<10240x64xf32, #tpu.memory_space<vmem_shared>>) offsets(%dma_start3A_77 : memref<256xi32, #tpu.memory_space<vmem>>) semaphore(%run_scoped3A_74 : memref<!tpu.dma_semaphore, #tpu.memory_space<semaphore_mem>>) {add = true}
      %dma_wait3A_81 = arith.constant 0 : i32
      %dma_wait3A_82 = tpu.memref_slice %arg7[%run_scoped3A_44, %dma_wait3A_81] : memref<40x256xi32, #tpu.memory_space<vmem>> -> memref<1x256xi32, #tpu.memory_space<vmem>>
      %dma_wait3A_83 = tpu.memref_squeeze %dma_wait3A_82 : memref<1x256xi32, #tpu.memory_space<vmem>> -> memref<256xi32, #tpu.memory_space<vmem>>
      %dma_wait3A_84 = arith.constant 0 : i32
      %dma_wait3A_85 = arith.constant 0 : i32
      %dma_wait3A_86 = tpu.memref_slice %arg5[%dma_wait3A_84, %dma_wait3A_85] : memref<10240x64xf32, #tpu.memory_space<vmem_shared>> -> memref<10240x64xf32, #tpu.memory_space<vmem_shared>>
      tpu.wait_indirect_dma semaphore(%run_scoped3A_74 : memref<!tpu.dma_semaphore, #tpu.memory_space<semaphore_mem>>) src(%arg8 : memref<256x64xf32, #tpu.memory_space<vmem>>) dst(%dma_wait3A_86 : memref<10240x64xf32, #tpu.memory_space<vmem_shared>>)
      tpu.yield
    }) : () -> ()
    %dma_wait3A_45 = arith.constant 37 : i32
    %dma_wait3A_46 = arith.constant 0 : i32
    %dma_wait3A_47 = tpu.memref_slice %arg6[%dma_wait3A_45, %dma_wait3A_46] : memref<40x256xi32, #tpu.memory_space<vmem>> -> memref<1x256xi32, #tpu.memory_space<vmem>>
    %dma_wait3A_48 = tpu.memref_squeeze %dma_wait3A_47 : memref<1x256xi32, #tpu.memory_space<vmem>> -> memref<256xi32, #tpu.memory_space<vmem>>
    %dma_wait3A_49 = arith.constant 0 : i32
    %dma_wait3A_50 = arith.constant 0 : i32
    %dma_wait3A_51 = tpu.memref_slice %arg2[%dma_wait3A_49, %dma_wait3A_50] : memref<10240x64xf32, #tpu.memory_space<hbm>> -> memref<10240x64xf32, #tpu.memory_space<hbm>>
    tpu.wait_indirect_dma semaphore(%arg13 : memref<!tpu.dma_semaphore, #tpu.memory_space<semaphore_mem>>) src(%dma_wait3A_51 : memref<10240x64xf32, #tpu.memory_space<hbm>>) dst(%arg9 : memref<256x64xf32, #tpu.memory_space<vmem>>)
    %run_scoped3A_52 = arith.constant 37 : i32
    "tpu.region"() ({
      %run_scoped3A_74 = tpu.sem_alloc : memref<!tpu.dma_semaphore, #tpu.memory_space<semaphore_mem>>
      %dma_start3A_75 = arith.constant 0 : i32
      %dma_start3A_76 = tpu.memref_slice %arg7[%run_scoped3A_52, %dma_start3A_75] : memref<40x256xi32, #tpu.memory_space<vmem>> -> memref<1x256xi32, #tpu.memory_space<vmem>>
      %dma_start3A_77 = tpu.memref_squeeze %dma_start3A_76 : memref<1x256xi32, #tpu.memory_space<vmem>> -> memref<256xi32, #tpu.memory_space<vmem>>
      %dma_start3A_78 = arith.constant 0 : i32
      %dma_start3A_79 = arith.constant 0 : i32
      %dma_start3A_80 = tpu.memref_slice %arg5[%dma_start3A_78, %dma_start3A_79] : memref<10240x64xf32, #tpu.memory_space<vmem_shared>> -> memref<10240x64xf32, #tpu.memory_space<vmem_shared>>
      tpu.enqueue_indirect_dma source(%arg9 : memref<256x64xf32, #tpu.memory_space<vmem>>) target(%dma_start3A_80 : memref<10240x64xf32, #tpu.memory_space<vmem_shared>>) offsets(%dma_start3A_77 : memref<256xi32, #tpu.memory_space<vmem>>) semaphore(%run_scoped3A_74 : memref<!tpu.dma_semaphore, #tpu.memory_space<semaphore_mem>>) {add = true}
      %dma_wait3A_81 = arith.constant 0 : i32
      %dma_wait3A_82 = tpu.memref_slice %arg7[%run_scoped3A_52, %dma_wait3A_81] : memref<40x256xi32, #tpu.memory_space<vmem>> -> memref<1x256xi32, #tpu.memory_space<vmem>>
      %dma_wait3A_83 = tpu.memref_squeeze %dma_wait3A_82 : memref<1x256xi32, #tpu.memory_space<vmem>> -> memref<256xi32, #tpu.memory_space<vmem>>
      %dma_wait3A_84 = arith.constant 0 : i32
      %dma_wait3A_85 = arith.constant 0 : i32
      %dma_wait3A_86 = tpu.memref_slice %arg5[%dma_wait3A_84, %dma_wait3A_85] : memref<10240x64xf32, #tpu.memory_space<vmem_shared>> -> memref<10240x64xf32, #tpu.memory_space<vmem_shared>>
      tpu.wait_indirect_dma semaphore(%run_scoped3A_74 : memref<!tpu.dma_semaphore, #tpu.memory_space<semaphore_mem>>) src(%arg9 : memref<256x64xf32, #tpu.memory_space<vmem>>) dst(%dma_wait3A_86 : memref<10240x64xf32, #tpu.memory_space<vmem_shared>>)
      tpu.yield
    }) : () -> ()
    %dma_wait3A_53 = arith.constant 38 : i32
    %dma_wait3A_54 = arith.constant 0 : i32
    %dma_wait3A_55 = tpu.memref_slice %arg6[%dma_wait3A_53, %dma_wait3A_54] : memref<40x256xi32, #tpu.memory_space<vmem>> -> memref<1x256xi32, #tpu.memory_space<vmem>>
    %dma_wait3A_56 = tpu.memref_squeeze %dma_wait3A_55 : memref<1x256xi32, #tpu.memory_space<vmem>> -> memref<256xi32, #tpu.memory_space<vmem>>
    %dma_wait3A_57 = arith.constant 0 : i32
    %dma_wait3A_58 = arith.constant 0 : i32
    %dma_wait3A_59 = tpu.memref_slice %arg2[%dma_wait3A_57, %dma_wait3A_58] : memref<10240x64xf32, #tpu.memory_space<hbm>> -> memref<10240x64xf32, #tpu.memory_space<hbm>>
    tpu.wait_indirect_dma semaphore(%arg14 : memref<!tpu.dma_semaphore, #tpu.memory_space<semaphore_mem>>) src(%dma_wait3A_59 : memref<10240x64xf32, #tpu.memory_space<hbm>>) dst(%arg10 : memref<256x64xf32, #tpu.memory_space<vmem>>)
    %run_scoped3A_60 = arith.constant 38 : i32
    "tpu.region"() ({
      %run_scoped3A_74 = tpu.sem_alloc : memref<!tpu.dma_semaphore, #tpu.memory_space<semaphore_mem>>
      %dma_start3A_75 = arith.constant 0 : i32
      %dma_start3A_76 = tpu.memref_slice %arg7[%run_scoped3A_60, %dma_start3A_75] : memref<40x256xi32, #tpu.memory_space<vmem>> -> memref<1x256xi32, #tpu.memory_space<vmem>>
      %dma_start3A_77 = tpu.memref_squeeze %dma_start3A_76 : memref<1x256xi32, #tpu.memory_space<vmem>> -> memref<256xi32, #tpu.memory_space<vmem>>
      %dma_start3A_78 = arith.constant 0 : i32
      %dma_start3A_79 = arith.constant 0 : i32
      %dma_start3A_80 = tpu.memref_slice %arg5[%dma_start3A_78, %dma_start3A_79] : memref<10240x64xf32, #tpu.memory_space<vmem_shared>> -> memref<10240x64xf32, #tpu.memory_space<vmem_shared>>
      tpu.enqueue_indirect_dma source(%arg10 : memref<256x64xf32, #tpu.memory_space<vmem>>) target(%dma_start3A_80 : memref<10240x64xf32, #tpu.memory_space<vmem_shared>>) offsets(%dma_start3A_77 : memref<256xi32, #tpu.memory_space<vmem>>) semaphore(%run_scoped3A_74 : memref<!tpu.dma_semaphore, #tpu.memory_space<semaphore_mem>>) {add = true}
      %dma_wait3A_81 = arith.constant 0 : i32
      %dma_wait3A_82 = tpu.memref_slice %arg7[%run_scoped3A_60, %dma_wait3A_81] : memref<40x256xi32, #tpu.memory_space<vmem>> -> memref<1x256xi32, #tpu.memory_space<vmem>>
      %dma_wait3A_83 = tpu.memref_squeeze %dma_wait3A_82 : memref<1x256xi32, #tpu.memory_space<vmem>> -> memref<256xi32, #tpu.memory_space<vmem>>
      %dma_wait3A_84 = arith.constant 0 : i32
      %dma_wait3A_85 = arith.constant 0 : i32
      %dma_wait3A_86 = tpu.memref_slice %arg5[%dma_wait3A_84, %dma_wait3A_85] : memref<10240x64xf32, #tpu.memory_space<vmem_shared>> -> memref<10240x64xf32, #tpu.memory_space<vmem_shared>>
      tpu.wait_indirect_dma semaphore(%run_scoped3A_74 : memref<!tpu.dma_semaphore, #tpu.memory_space<semaphore_mem>>) src(%arg10 : memref<256x64xf32, #tpu.memory_space<vmem>>) dst(%dma_wait3A_86 : memref<10240x64xf32, #tpu.memory_space<vmem_shared>>)
      tpu.yield
    }) : () -> ()
    %dma_wait3A_61 = arith.constant 39 : i32
    %dma_wait3A_62 = arith.constant 0 : i32
    %dma_wait3A_63 = tpu.memref_slice %arg6[%dma_wait3A_61, %dma_wait3A_62] : memref<40x256xi32, #tpu.memory_space<vmem>> -> memref<1x256xi32, #tpu.memory_space<vmem>>
    %dma_wait3A_64 = tpu.memref_squeeze %dma_wait3A_63 : memref<1x256xi32, #tpu.memory_space<vmem>> -> memref<256xi32, #tpu.memory_space<vmem>>
    %dma_wait3A_65 = arith.constant 0 : i32
    %dma_wait3A_66 = arith.constant 0 : i32
    %dma_wait3A_67 = tpu.memref_slice %arg2[%dma_wait3A_65, %dma_wait3A_66] : memref<10240x64xf32, #tpu.memory_space<hbm>> -> memref<10240x64xf32, #tpu.memory_space<hbm>>
    tpu.wait_indirect_dma semaphore(%arg15 : memref<!tpu.dma_semaphore, #tpu.memory_space<semaphore_mem>>) src(%dma_wait3A_67 : memref<10240x64xf32, #tpu.memory_space<hbm>>) dst(%arg11 : memref<256x64xf32, #tpu.memory_space<vmem>>)
    %run_scoped3A_68 = arith.constant 39 : i32
    "tpu.region"() ({
      %run_scoped3A_74 = tpu.sem_alloc : memref<!tpu.dma_semaphore, #tpu.memory_space<semaphore_mem>>
      %dma_start3A_75 = arith.constant 0 : i32
      %dma_start3A_76 = tpu.memref_slice %arg7[%run_scoped3A_68, %dma_start3A_75] : memref<40x256xi32, #tpu.memory_space<vmem>> -> memref<1x256xi32, #tpu.memory_space<vmem>>
      %dma_start3A_77 = tpu.memref_squeeze %dma_start3A_76 : memref<1x256xi32, #tpu.memory_space<vmem>> -> memref<256xi32, #tpu.memory_space<vmem>>
      %dma_start3A_78 = arith.constant 0 : i32
      %dma_start3A_79 = arith.constant 0 : i32
      %dma_start3A_80 = tpu.memref_slice %arg5[%dma_start3A_78, %dma_start3A_79] : memref<10240x64xf32, #tpu.memory_space<vmem_shared>> -> memref<10240x64xf32, #tpu.memory_space<vmem_shared>>
      tpu.enqueue_indirect_dma source(%arg11 : memref<256x64xf32, #tpu.memory_space<vmem>>) target(%dma_start3A_80 : memref<10240x64xf32, #tpu.memory_space<vmem_shared>>) offsets(%dma_start3A_77 : memref<256xi32, #tpu.memory_space<vmem>>) semaphore(%run_scoped3A_74 : memref<!tpu.dma_semaphore, #tpu.memory_space<semaphore_mem>>) {add = true}
      %dma_wait3A_81 = arith.constant 0 : i32
      %dma_wait3A_82 = tpu.memref_slice %arg7[%run_scoped3A_68, %dma_wait3A_81] : memref<40x256xi32, #tpu.memory_space<vmem>> -> memref<1x256xi32, #tpu.memory_space<vmem>>
      %dma_wait3A_83 = tpu.memref_squeeze %dma_wait3A_82 : memref<1x256xi32, #tpu.memory_space<vmem>> -> memref<256xi32, #tpu.memory_space<vmem>>
      %dma_wait3A_84 = arith.constant 0 : i32
      %dma_wait3A_85 = arith.constant 0 : i32
      %dma_wait3A_86 = tpu.memref_slice %arg5[%dma_wait3A_84, %dma_wait3A_85] : memref<10240x64xf32, #tpu.memory_space<vmem_shared>> -> memref<10240x64xf32, #tpu.memory_space<vmem_shared>>
      tpu.wait_indirect_dma semaphore(%run_scoped3A_74 : memref<!tpu.dma_semaphore, #tpu.memory_space<semaphore_mem>>) src(%arg11 : memref<256x64xf32, #tpu.memory_space<vmem>>) dst(%dma_wait3A_86 : memref<10240x64xf32, #tpu.memory_space<vmem_shared>>)
      tpu.yield
    }) : () -> ()
    %barrier3A_69 = arith.constant 0 : index
    tpu.barrier barrier_id(%barrier3A_69)
    %mul3A_70 = arith.constant 640 : i32
    %mul3A_71 = arith.muli %arg1, %mul3A_70 : i32
    %mul3A_72 = arith.constant 640 : i32
    %mul3A_73 = arith.muli %arg1, %mul3A_72 : i32
    "tpu.region"() ({
      %run_scoped3A_74 = tpu.sem_alloc : memref<!tpu.dma_semaphore, #tpu.memory_space<semaphore_mem>>
      %dma_start3A_75 = arith.constant 0 : i32
      %dma_start3A_76 = tpu.memref_slice %arg4[%arg0, %mul3A_73, %dma_start3A_75] : memref<2x10240x64xf32, #tpu.memory_space<hbm>> -> memref<1x640x64xf32, #tpu.memory_space<hbm>>
      %dma_start3A_77 = tpu.memref_squeeze %dma_start3A_76 : memref<1x640x64xf32, #tpu.memory_space<hbm>> -> memref<640x64xf32, #tpu.memory_space<hbm>>
      %dma_start3A_78 = arith.constant 0 : i32
      %dma_start3A_79 = tpu.memref_slice %arg5[%mul3A_71, %dma_start3A_78] : memref<10240x64xf32, #tpu.memory_space<vmem_shared>> -> memref<640x64xf32, #tpu.memory_space<vmem_shared>>
      tpu.enqueue_dma source(%dma_start3A_79 : memref<640x64xf32, #tpu.memory_space<vmem_shared>>) target(%dma_start3A_77 : memref<640x64xf32, #tpu.memory_space<hbm>>) target_semaphore(%run_scoped3A_74 : memref<!tpu.dma_semaphore, #tpu.memory_space<semaphore_mem>>)
      %dma_wait3A_80 = arith.constant 0 : i32
      %dma_wait3A_81 = tpu.memref_slice %arg4[%arg0, %mul3A_73, %dma_wait3A_80] : memref<2x10240x64xf32, #tpu.memory_space<hbm>> -> memref<1x640x64xf32, #tpu.memory_space<hbm>>
      %dma_wait3A_82 = tpu.memref_squeeze %dma_wait3A_81 : memref<1x640x64xf32, #tpu.memory_space<hbm>> -> memref<640x64xf32, #tpu.memory_space<hbm>>
      %dma_wait3A_83 = arith.constant 0 : i32
      %dma_wait3A_84 = tpu.memref_slice %arg5[%mul3A_71, %dma_wait3A_83] : memref<10240x64xf32, #tpu.memory_space<vmem_shared>> -> memref<640x64xf32, #tpu.memory_space<vmem_shared>>
      tpu.wait_dma2 semaphore(%run_scoped3A_74 : memref<!tpu.dma_semaphore, #tpu.memory_space<semaphore_mem>>) src(%dma_wait3A_84 : memref<640x64xf32, #tpu.memory_space<vmem_shared>>) dst(%dma_wait3A_82 : memref<640x64xf32, #tpu.memory_space<hbm>>)
      tpu.yield
    }) : () -> ()
    return
  }
}

#map = affine_map<(d0, d1) -> (0, 0)>
#map1 = affine_map<(d0, d1) -> (0, 0, 0, 0)>
#map2 = affine_map<(d0, d1) -> (0, 0, 0)>
module attributes {stable_mosaic.version = 14 : i64} {
  func.func @_sc_aggregate_body(%arg0: i32, %arg1: i32, %arg2: memref<10240x64xf32, #tpu.memory_space<hbm>>, %arg3: memref<2x32x40x256xi32, #tpu.memory_space<hbm>>, %arg4: memref<2x10240x64xf32, #tpu.memory_space<hbm>>, %arg5: memref<10240x64xf32, #tpu.memory_space<vmem_shared>>, %arg6: memref<40x256xi32, #tpu.memory_space<vmem>>, %arg7: memref<40x256xi32, #tpu.memory_space<vmem>>, %arg8: memref<256x64xf32, #tpu.memory_space<vmem>>, %arg9: memref<256x64xf32, #tpu.memory_space<vmem>>, %arg10: memref<256x64xf32, #tpu.memory_space<vmem>>, %arg11: memref<256x64xf32, #tpu.memory_space<vmem>>, %arg12: memref<!tpu.dma_semaphore, #tpu.memory_space<semaphore_mem>>, %arg13: memref<!tpu.dma_semaphore, #tpu.memory_space<semaphore_mem>>, %arg14: memref<!tpu.dma_semaphore, #tpu.memory_space<semaphore_mem>>, %arg15: memref<!tpu.dma_semaphore, #tpu.memory_space<semaphore_mem>>) attributes {dimension_semantics = [#tpu.dimension_semantics<core_parallel>, #tpu.dimension_semantics<subcore_parallel>], iteration_bounds = array<i64: 2, 16>, scalar_prefetch = 0 : i64, scratch_operands = 11 : i64, tpu.core_type = #tpu.core_type<sc_vector_subcore>, window_params = [{transform_indices = #map}, {transform_indices = #map1}, {transform_indices = #map2}]} {
    %mul3A = arith.constant 16 : i32
    %mul3A_0 = arith.muli %arg0, %mul3A : i32
    %add3A = arith.addi %mul3A_0, %arg1 : i32
    %mul3A_1 = arith.constant 640 : i32
    %mul3A_2 = arith.muli %arg1, %mul3A_1 : i32
    %mul3A_3 = arith.constant 640 : i32
    %mul3A_4 = arith.muli %arg1, %mul3A_3 : i32
    "tpu.region"() ({
      %run_scoped3A_74 = tpu.sem_alloc : memref<!tpu.dma_semaphore, #tpu.memory_space<semaphore_mem>>
      %dma_start3A_75 = arith.constant 0 : i32
      %dma_start3A_76 = tpu.memref_slice %arg5[%mul3A_4, %dma_start3A_75] : memref<10240x64xf32, #tpu.memory_space<vmem_shared>> -> memref<640x64xf32, #tpu.memory_space<vmem_shared>>
      %dma_start3A_77 = arith.constant 0 : i32
      %dma_start3A_78 = tpu.memref_slice %arg2[%mul3A_2, %dma_start3A_77] : memref<10240x64xf32, #tpu.memory_space<hbm>> -> memref<640x64xf32, #tpu.memory_space<hbm>>
      tpu.enqueue_dma source(%dma_start3A_78 : memref<640x64xf32, #tpu.memory_space<hbm>>) target(%dma_start3A_76 : memref<640x64xf32, #tpu.memory_space<vmem_shared>>) target_semaphore(%run_scoped3A_74 : memref<!tpu.dma_semaphore, #tpu.memory_space<semaphore_mem>>)
      %dma_wait3A_79 = arith.constant 0 : i32
      %dma_wait3A_80 = tpu.memref_slice %arg5[%mul3A_4, %dma_wait3A_79] : memref<10240x64xf32, #tpu.memory_space<vmem_shared>> -> memref<640x64xf32, #tpu.memory_space<vmem_shared>>
      %dma_wait3A_81 = arith.constant 0 : i32
      %dma_wait3A_82 = tpu.memref_slice %arg2[%mul3A_2, %dma_wait3A_81] : memref<10240x64xf32, #tpu.memory_space<hbm>> -> memref<640x64xf32, #tpu.memory_space<hbm>>
      tpu.wait_dma2 semaphore(%run_scoped3A_74 : memref<!tpu.dma_semaphore, #tpu.memory_space<semaphore_mem>>) src(%dma_wait3A_82 : memref<640x64xf32, #tpu.memory_space<hbm>>) dst(%dma_wait3A_80 : memref<640x64xf32, #tpu.memory_space<vmem_shared>>)
      tpu.yield
    }) : () -> ()
    %run_scoped3A = arith.constant 0 : i32
    "tpu.region"() ({
      %run_scoped3A_74 = tpu.sem_alloc : memref<!tpu.dma_semaphore, #tpu.memory_space<semaphore_mem>>
      %dma_start3A_75 = arith.constant 0 : i32
      %dma_start3A_76 = arith.constant 0 : i32
      %dma_start3A_77 = tpu.memref_slice %arg3[%run_scoped3A, %add3A, %dma_start3A_75, %dma_start3A_76] : memref<2x32x40x256xi32, #tpu.memory_space<hbm>> -> memref<1x1x40x256xi32, #tpu.memory_space<hbm>>
      %dma_start3A_78 = tpu.memref_squeeze %dma_start3A_77 : memref<1x1x40x256xi32, #tpu.memory_space<hbm>> -> memref<40x256xi32, #tpu.memory_space<hbm>>
      %dma_start3A_79 = arith.constant 0 : i32
      %dma_start3A_80 = arith.constant 0 : i32
      %dma_start3A_81 = tpu.memref_slice %arg3[%run_scoped3A, %add3A, %dma_start3A_79, %dma_start3A_80] : memref<2x32x40x256xi32, #tpu.memory_space<hbm>> -> memref<1x1x40x256xi32, #tpu.memory_space<hbm>>
      %dma_start3A_82 = tpu.memref_squeeze %dma_start3A_81 : memref<1x1x40x256xi32, #tpu.memory_space<hbm>> -> memref<40x256xi32, #tpu.memory_space<hbm>>
      tpu.enqueue_dma source(%dma_start3A_82 : memref<40x256xi32, #tpu.memory_space<hbm>>) target(%arg6 : memref<40x256xi32, #tpu.memory_space<vmem>>) target_semaphore(%run_scoped3A_74 : memref<!tpu.dma_semaphore, #tpu.memory_space<semaphore_mem>>)
      %dma_wait3A_83 = arith.constant 0 : i32
      %dma_wait3A_84 = arith.constant 0 : i32
      %dma_wait3A_85 = tpu.memref_slice %arg3[%run_scoped3A, %add3A, %dma_wait3A_83, %dma_wait3A_84] : memref<2x32x40x256xi32, #tpu.memory_space<hbm>> -> memref<1x1x40x256xi32, #tpu.memory_space<hbm>>
      %dma_wait3A_86 = tpu.memref_squeeze %dma_wait3A_85 : memref<1x1x40x256xi32, #tpu.memory_space<hbm>> -> memref<40x256xi32, #tpu.memory_space<hbm>>
      %dma_wait3A_87 = arith.constant 0 : i32
      %dma_wait3A_88 = arith.constant 0 : i32
      %dma_wait3A_89 = tpu.memref_slice %arg3[%run_scoped3A, %add3A, %dma_wait3A_87, %dma_wait3A_88] : memref<2x32x40x256xi32, #tpu.memory_space<hbm>> -> memref<1x1x40x256xi32, #tpu.memory_space<hbm>>
      %dma_wait3A_90 = tpu.memref_squeeze %dma_wait3A_89 : memref<1x1x40x256xi32, #tpu.memory_space<hbm>> -> memref<40x256xi32, #tpu.memory_space<hbm>>
      tpu.wait_dma2 semaphore(%run_scoped3A_74 : memref<!tpu.dma_semaphore, #tpu.memory_space<semaphore_mem>>) src(%dma_wait3A_90 : memref<40x256xi32, #tpu.memory_space<hbm>>) dst(%arg6 : memref<40x256xi32, #tpu.memory_space<vmem>>)
      tpu.yield
    }) : () -> ()
    %run_scoped3A_5 = arith.constant 1 : i32
    "tpu.region"() ({
      %run_scoped3A_74 = tpu.sem_alloc : memref<!tpu.dma_semaphore, #tpu.memory_space<semaphore_mem>>
      %dma_start3A_75 = arith.constant 0 : i32
      %dma_start3A_76 = arith.constant 0 : i32
      %dma_start3A_77 = tpu.memref_slice %arg3[%run_scoped3A_5, %add3A, %dma_start3A_75, %dma_start3A_76] : memref<2x32x40x256xi32, #tpu.memory_space<hbm>> -> memref<1x1x40x256xi32, #tpu.memory_space<hbm>>
      %dma_start3A_78 = tpu.memref_squeeze %dma_start3A_77 : memref<1x1x40x256xi32, #tpu.memory_space<hbm>> -> memref<40x256xi32, #tpu.memory_space<hbm>>
      %dma_start3A_79 = arith.constant 0 : i32
      %dma_start3A_80 = arith.constant 0 : i32
      %dma_start3A_81 = tpu.memref_slice %arg3[%run_scoped3A_5, %add3A, %dma_start3A_79, %dma_start3A_80] : memref<2x32x40x256xi32, #tpu.memory_space<hbm>> -> memref<1x1x40x256xi32, #tpu.memory_space<hbm>>
      %dma_start3A_82 = tpu.memref_squeeze %dma_start3A_81 : memref<1x1x40x256xi32, #tpu.memory_space<hbm>> -> memref<40x256xi32, #tpu.memory_space<hbm>>
      tpu.enqueue_dma source(%dma_start3A_82 : memref<40x256xi32, #tpu.memory_space<hbm>>) target(%arg7 : memref<40x256xi32, #tpu.memory_space<vmem>>) target_semaphore(%run_scoped3A_74 : memref<!tpu.dma_semaphore, #tpu.memory_space<semaphore_mem>>)
      %dma_wait3A_83 = arith.constant 0 : i32
      %dma_wait3A_84 = arith.constant 0 : i32
      %dma_wait3A_85 = tpu.memref_slice %arg3[%run_scoped3A_5, %add3A, %dma_wait3A_83, %dma_wait3A_84] : memref<2x32x40x256xi32, #tpu.memory_space<hbm>> -> memref<1x1x40x256xi32, #tpu.memory_space<hbm>>
      %dma_wait3A_86 = tpu.memref_squeeze %dma_wait3A_85 : memref<1x1x40x256xi32, #tpu.memory_space<hbm>> -> memref<40x256xi32, #tpu.memory_space<hbm>>
      %dma_wait3A_87 = arith.constant 0 : i32
      %dma_wait3A_88 = arith.constant 0 : i32
      %dma_wait3A_89 = tpu.memref_slice %arg3[%run_scoped3A_5, %add3A, %dma_wait3A_87, %dma_wait3A_88] : memref<2x32x40x256xi32, #tpu.memory_space<hbm>> -> memref<1x1x40x256xi32, #tpu.memory_space<hbm>>
      %dma_wait3A_90 = tpu.memref_squeeze %dma_wait3A_89 : memref<1x1x40x256xi32, #tpu.memory_space<hbm>> -> memref<40x256xi32, #tpu.memory_space<hbm>>
      tpu.wait_dma2 semaphore(%run_scoped3A_74 : memref<!tpu.dma_semaphore, #tpu.memory_space<semaphore_mem>>) src(%dma_wait3A_90 : memref<40x256xi32, #tpu.memory_space<hbm>>) dst(%arg7 : memref<40x256xi32, #tpu.memory_space<vmem>>)
      tpu.yield
    }) : () -> ()
    %barrier3A = arith.constant 0 : index
    tpu.barrier barrier_id(%barrier3A)
    %dma_start3A = arith.constant 0 : i32
    %dma_start3A_6 = arith.constant 0 : i32
    %dma_start3A_7 = tpu.memref_slice %arg6[%dma_start3A, %dma_start3A_6] : memref<40x256xi32, #tpu.memory_space<vmem>> -> memref<1x256xi32, #tpu.memory_space<vmem>>
    %dma_start3A_8 = tpu.memref_squeeze %dma_start3A_7 : memref<1x256xi32, #tpu.memory_space<vmem>> -> memref<256xi32, #tpu.memory_space<vmem>>
    %dma_start3A_9 = arith.constant 0 : i32
    %dma_start3A_10 = arith.constant 0 : i32
    %dma_start3A_11 = tpu.memref_slice %arg2[%dma_start3A_9, %dma_start3A_10] : memref<10240x64xf32, #tpu.memory_space<hbm>> -> memref<10240x64xf32, #tpu.memory_space<hbm>>
    tpu.enqueue_indirect_dma source(%dma_start3A_11 : memref<10240x64xf32, #tpu.memory_space<hbm>>) target(%arg8 : memref<256x64xf32, #tpu.memory_space<vmem>>) offsets(%dma_start3A_8 : memref<256xi32, #tpu.memory_space<vmem>>) semaphore(%arg12 : memref<!tpu.dma_semaphore, #tpu.memory_space<semaphore_mem>>)
    %dma_start3A_12 = arith.constant 1 : i32
    %dma_start3A_13 = arith.constant 0 : i32
    %dma_start3A_14 = tpu.memref_slice %arg6[%dma_start3A_12, %dma_start3A_13] : memref<40x256xi32, #tpu.memory_space<vmem>> -> memref<1x256xi32, #tpu.memory_space<vmem>>
    %dma_start3A_15 = tpu.memref_squeeze %dma_start3A_14 : memref<1x256xi32, #tpu.memory_space<vmem>> -> memref<256xi32, #tpu.memory_space<vmem>>
    %dma_start3A_16 = arith.constant 0 : i32
    %dma_start3A_17 = arith.constant 0 : i32
    %dma_start3A_18 = tpu.memref_slice %arg2[%dma_start3A_16, %dma_start3A_17] : memref<10240x64xf32, #tpu.memory_space<hbm>> -> memref<10240x64xf32, #tpu.memory_space<hbm>>
    tpu.enqueue_indirect_dma source(%dma_start3A_18 : memref<10240x64xf32, #tpu.memory_space<hbm>>) target(%arg9 : memref<256x64xf32, #tpu.memory_space<vmem>>) offsets(%dma_start3A_15 : memref<256xi32, #tpu.memory_space<vmem>>) semaphore(%arg13 : memref<!tpu.dma_semaphore, #tpu.memory_space<semaphore_mem>>)
    %dma_start3A_19 = arith.constant 2 : i32
    %dma_start3A_20 = arith.constant 0 : i32
    %dma_start3A_21 = tpu.memref_slice %arg6[%dma_start3A_19, %dma_start3A_20] : memref<40x256xi32, #tpu.memory_space<vmem>> -> memref<1x256xi32, #tpu.memory_space<vmem>>
    %dma_start3A_22 = tpu.memref_squeeze %dma_start3A_21 : memref<1x256xi32, #tpu.memory_space<vmem>> -> memref<256xi32, #tpu.memory_space<vmem>>
    %dma_start3A_23 = arith.constant 0 : i32
    %dma_start3A_24 = arith.constant 0 : i32
    %dma_start3A_25 = tpu.memref_slice %arg2[%dma_start3A_23, %dma_start3A_24] : memref<10240x64xf32, #tpu.memory_space<hbm>> -> memref<10240x64xf32, #tpu.memory_space<hbm>>
    tpu.enqueue_indirect_dma source(%dma_start3A_25 : memref<10240x64xf32, #tpu.memory_space<hbm>>) target(%arg10 : memref<256x64xf32, #tpu.memory_space<vmem>>) offsets(%dma_start3A_22 : memref<256xi32, #tpu.memory_space<vmem>>) semaphore(%arg14 : memref<!tpu.dma_semaphore, #tpu.memory_space<semaphore_mem>>)
    %dma_start3A_26 = arith.constant 3 : i32
    %dma_start3A_27 = arith.constant 0 : i32
    %dma_start3A_28 = tpu.memref_slice %arg6[%dma_start3A_26, %dma_start3A_27] : memref<40x256xi32, #tpu.memory_space<vmem>> -> memref<1x256xi32, #tpu.memory_space<vmem>>
    %dma_start3A_29 = tpu.memref_squeeze %dma_start3A_28 : memref<1x256xi32, #tpu.memory_space<vmem>> -> memref<256xi32, #tpu.memory_space<vmem>>
    %dma_start3A_30 = arith.constant 0 : i32
    %dma_start3A_31 = arith.constant 0 : i32
    %dma_start3A_32 = tpu.memref_slice %arg2[%dma_start3A_30, %dma_start3A_31] : memref<10240x64xf32, #tpu.memory_space<hbm>> -> memref<10240x64xf32, #tpu.memory_space<hbm>>
    tpu.enqueue_indirect_dma source(%dma_start3A_32 : memref<10240x64xf32, #tpu.memory_space<hbm>>) target(%arg11 : memref<256x64xf32, #tpu.memory_space<vmem>>) offsets(%dma_start3A_29 : memref<256xi32, #tpu.memory_space<vmem>>) semaphore(%arg15 : memref<!tpu.dma_semaphore, #tpu.memory_space<semaphore_mem>>)
    %scan3A = arith.constant 0 : i32
    %scan3A_33 = arith.constant 0 : i32
    %scan3A_34 = arith.constant 9 : i32
    %scan3A_35 = arith.addi %scan3A_33, %scan3A_34 : i32
    %scan3A_36 = arith.constant 1 : i32
    scf.for %scan3A_74 = %scan3A_33 to %scan3A_35 step %scan3A_36  : i32 {
      %mul3A_75 = arith.constant 4 : i32
      %mul3A_76 = arith.muli %scan3A_74, %mul3A_75 : i32
      %add3A_77 = arith.constant 0 : i32
      %add3A_78 = arith.addi %mul3A_76, %add3A_77 : i32
      %dma_wait3A_79 = arith.constant 0 : i32
      %dma_wait3A_80 = tpu.memref_slice %arg6[%add3A_78, %dma_wait3A_79] : memref<40x256xi32, #tpu.memory_space<vmem>> -> memref<1x256xi32, #tpu.memory_space<vmem>>
      %dma_wait3A_81 = tpu.memref_squeeze %dma_wait3A_80 : memref<1x256xi32, #tpu.memory_space<vmem>> -> memref<256xi32, #tpu.memory_space<vmem>>
      %dma_wait3A_82 = arith.constant 0 : i32
      %dma_wait3A_83 = arith.constant 0 : i32
      %dma_wait3A_84 = tpu.memref_slice %arg2[%dma_wait3A_82, %dma_wait3A_83] : memref<10240x64xf32, #tpu.memory_space<hbm>> -> memref<10240x64xf32, #tpu.memory_space<hbm>>
      tpu.wait_indirect_dma semaphore(%arg12 : memref<!tpu.dma_semaphore, #tpu.memory_space<semaphore_mem>>) src(%dma_wait3A_84 : memref<10240x64xf32, #tpu.memory_space<hbm>>) dst(%arg8 : memref<256x64xf32, #tpu.memory_space<vmem>>)
      "tpu.region"() ({
        %run_scoped3A_147 = tpu.sem_alloc : memref<!tpu.dma_semaphore, #tpu.memory_space<semaphore_mem>>
        %dma_start3A_148 = arith.constant 0 : i32
        %dma_start3A_149 = tpu.memref_slice %arg7[%add3A_78, %dma_start3A_148] : memref<40x256xi32, #tpu.memory_space<vmem>> -> memref<1x256xi32, #tpu.memory_space<vmem>>
        %dma_start3A_150 = tpu.memref_squeeze %dma_start3A_149 : memref<1x256xi32, #tpu.memory_space<vmem>> -> memref<256xi32, #tpu.memory_space<vmem>>
        %dma_start3A_151 = arith.constant 0 : i32
        %dma_start3A_152 = arith.constant 0 : i32
        %dma_start3A_153 = tpu.memref_slice %arg5[%dma_start3A_151, %dma_start3A_152] : memref<10240x64xf32, #tpu.memory_space<vmem_shared>> -> memref<10240x64xf32, #tpu.memory_space<vmem_shared>>
        tpu.enqueue_indirect_dma source(%arg8 : memref<256x64xf32, #tpu.memory_space<vmem>>) target(%dma_start3A_153 : memref<10240x64xf32, #tpu.memory_space<vmem_shared>>) offsets(%dma_start3A_150 : memref<256xi32, #tpu.memory_space<vmem>>) semaphore(%run_scoped3A_147 : memref<!tpu.dma_semaphore, #tpu.memory_space<semaphore_mem>>) {add = true}
        %dma_wait3A_154 = arith.constant 0 : i32
        %dma_wait3A_155 = tpu.memref_slice %arg7[%add3A_78, %dma_wait3A_154] : memref<40x256xi32, #tpu.memory_space<vmem>> -> memref<1x256xi32, #tpu.memory_space<vmem>>
        %dma_wait3A_156 = tpu.memref_squeeze %dma_wait3A_155 : memref<1x256xi32, #tpu.memory_space<vmem>> -> memref<256xi32, #tpu.memory_space<vmem>>
        %dma_wait3A_157 = arith.constant 0 : i32
        %dma_wait3A_158 = arith.constant 0 : i32
        %dma_wait3A_159 = tpu.memref_slice %arg5[%dma_wait3A_157, %dma_wait3A_158] : memref<10240x64xf32, #tpu.memory_space<vmem_shared>> -> memref<10240x64xf32, #tpu.memory_space<vmem_shared>>
        tpu.wait_indirect_dma semaphore(%run_scoped3A_147 : memref<!tpu.dma_semaphore, #tpu.memory_space<semaphore_mem>>) src(%arg8 : memref<256x64xf32, #tpu.memory_space<vmem>>) dst(%dma_wait3A_159 : memref<10240x64xf32, #tpu.memory_space<vmem_shared>>)
        tpu.yield
      }) : () -> ()
      %add3A_85 = arith.constant 4 : i32
      %add3A_86 = arith.addi %add3A_78, %add3A_85 : i32
      %dma_start3A_87 = arith.constant 0 : i32
      %dma_start3A_88 = tpu.memref_slice %arg6[%add3A_86, %dma_start3A_87] : memref<40x256xi32, #tpu.memory_space<vmem>> -> memref<1x256xi32, #tpu.memory_space<vmem>>
      %dma_start3A_89 = tpu.memref_squeeze %dma_start3A_88 : memref<1x256xi32, #tpu.memory_space<vmem>> -> memref<256xi32, #tpu.memory_space<vmem>>
      %dma_start3A_90 = arith.constant 0 : i32
      %dma_start3A_91 = arith.constant 0 : i32
      %dma_start3A_92 = tpu.memref_slice %arg2[%dma_start3A_90, %dma_start3A_91] : memref<10240x64xf32, #tpu.memory_space<hbm>> -> memref<10240x64xf32, #tpu.memory_space<hbm>>
      tpu.enqueue_indirect_dma source(%dma_start3A_92 : memref<10240x64xf32, #tpu.memory_space<hbm>>) target(%arg8 : memref<256x64xf32, #tpu.memory_space<vmem>>) offsets(%dma_start3A_89 : memref<256xi32, #tpu.memory_space<vmem>>) semaphore(%arg12 : memref<!tpu.dma_semaphore, #tpu.memory_space<semaphore_mem>>)
      %mul3A_93 = arith.constant 4 : i32
      %mul3A_94 = arith.muli %scan3A_74, %mul3A_93 : i32
      %add3A_95 = arith.constant 1 : i32
      %add3A_96 = arith.addi %mul3A_94, %add3A_95 : i32
      %dma_wait3A_97 = arith.constant 0 : i32
      %dma_wait3A_98 = tpu.memref_slice %arg6[%add3A_96, %dma_wait3A_97] : memref<40x256xi32, #tpu.memory_space<vmem>> -> memref<1x256xi32, #tpu.memory_space<vmem>>
      %dma_wait3A_99 = tpu.memref_squeeze %dma_wait3A_98 : memref<1x256xi32, #tpu.memory_space<vmem>> -> memref<256xi32, #tpu.memory_space<vmem>>
      %dma_wait3A_100 = arith.constant 0 : i32
      %dma_wait3A_101 = arith.constant 0 : i32
      %dma_wait3A_102 = tpu.memref_slice %arg2[%dma_wait3A_100, %dma_wait3A_101] : memref<10240x64xf32, #tpu.memory_space<hbm>> -> memref<10240x64xf32, #tpu.memory_space<hbm>>
      tpu.wait_indirect_dma semaphore(%arg13 : memref<!tpu.dma_semaphore, #tpu.memory_space<semaphore_mem>>) src(%dma_wait3A_102 : memref<10240x64xf32, #tpu.memory_space<hbm>>) dst(%arg9 : memref<256x64xf32, #tpu.memory_space<vmem>>)
      "tpu.region"() ({
        %run_scoped3A_147 = tpu.sem_alloc : memref<!tpu.dma_semaphore, #tpu.memory_space<semaphore_mem>>
        %dma_start3A_148 = arith.constant 0 : i32
        %dma_start3A_149 = tpu.memref_slice %arg7[%add3A_96, %dma_start3A_148] : memref<40x256xi32, #tpu.memory_space<vmem>> -> memref<1x256xi32, #tpu.memory_space<vmem>>
        %dma_start3A_150 = tpu.memref_squeeze %dma_start3A_149 : memref<1x256xi32, #tpu.memory_space<vmem>> -> memref<256xi32, #tpu.memory_space<vmem>>
        %dma_start3A_151 = arith.constant 0 : i32
        %dma_start3A_152 = arith.constant 0 : i32
        %dma_start3A_153 = tpu.memref_slice %arg5[%dma_start3A_151, %dma_start3A_152] : memref<10240x64xf32, #tpu.memory_space<vmem_shared>> -> memref<10240x64xf32, #tpu.memory_space<vmem_shared>>
        tpu.enqueue_indirect_dma source(%arg9 : memref<256x64xf32, #tpu.memory_space<vmem>>) target(%dma_start3A_153 : memref<10240x64xf32, #tpu.memory_space<vmem_shared>>) offsets(%dma_start3A_150 : memref<256xi32, #tpu.memory_space<vmem>>) semaphore(%run_scoped3A_147 : memref<!tpu.dma_semaphore, #tpu.memory_space<semaphore_mem>>) {add = true}
        %dma_wait3A_154 = arith.constant 0 : i32
        %dma_wait3A_155 = tpu.memref_slice %arg7[%add3A_96, %dma_wait3A_154] : memref<40x256xi32, #tpu.memory_space<vmem>> -> memref<1x256xi32, #tpu.memory_space<vmem>>
        %dma_wait3A_156 = tpu.memref_squeeze %dma_wait3A_155 : memref<1x256xi32, #tpu.memory_space<vmem>> -> memref<256xi32, #tpu.memory_space<vmem>>
        %dma_wait3A_157 = arith.constant 0 : i32
        %dma_wait3A_158 = arith.constant 0 : i32
        %dma_wait3A_159 = tpu.memref_slice %arg5[%dma_wait3A_157, %dma_wait3A_158] : memref<10240x64xf32, #tpu.memory_space<vmem_shared>> -> memref<10240x64xf32, #tpu.memory_space<vmem_shared>>
        tpu.wait_indirect_dma semaphore(%run_scoped3A_147 : memref<!tpu.dma_semaphore, #tpu.memory_space<semaphore_mem>>) src(%arg9 : memref<256x64xf32, #tpu.memory_space<vmem>>) dst(%dma_wait3A_159 : memref<10240x64xf32, #tpu.memory_space<vmem_shared>>)
        tpu.yield
      }) : () -> ()
      %add3A_103 = arith.constant 4 : i32
      %add3A_104 = arith.addi %add3A_96, %add3A_103 : i32
      %dma_start3A_105 = arith.constant 0 : i32
      %dma_start3A_106 = tpu.memref_slice %arg6[%add3A_104, %dma_start3A_105] : memref<40x256xi32, #tpu.memory_space<vmem>> -> memref<1x256xi32, #tpu.memory_space<vmem>>
      %dma_start3A_107 = tpu.memref_squeeze %dma_start3A_106 : memref<1x256xi32, #tpu.memory_space<vmem>> -> memref<256xi32, #tpu.memory_space<vmem>>
      %dma_start3A_108 = arith.constant 0 : i32
      %dma_start3A_109 = arith.constant 0 : i32
      %dma_start3A_110 = tpu.memref_slice %arg2[%dma_start3A_108, %dma_start3A_109] : memref<10240x64xf32, #tpu.memory_space<hbm>> -> memref<10240x64xf32, #tpu.memory_space<hbm>>
      tpu.enqueue_indirect_dma source(%dma_start3A_110 : memref<10240x64xf32, #tpu.memory_space<hbm>>) target(%arg9 : memref<256x64xf32, #tpu.memory_space<vmem>>) offsets(%dma_start3A_107 : memref<256xi32, #tpu.memory_space<vmem>>) semaphore(%arg13 : memref<!tpu.dma_semaphore, #tpu.memory_space<semaphore_mem>>)
      %mul3A_111 = arith.constant 4 : i32
      %mul3A_112 = arith.muli %scan3A_74, %mul3A_111 : i32
      %add3A_113 = arith.constant 2 : i32
      %add3A_114 = arith.addi %mul3A_112, %add3A_113 : i32
      %dma_wait3A_115 = arith.constant 0 : i32
      %dma_wait3A_116 = tpu.memref_slice %arg6[%add3A_114, %dma_wait3A_115] : memref<40x256xi32, #tpu.memory_space<vmem>> -> memref<1x256xi32, #tpu.memory_space<vmem>>
      %dma_wait3A_117 = tpu.memref_squeeze %dma_wait3A_116 : memref<1x256xi32, #tpu.memory_space<vmem>> -> memref<256xi32, #tpu.memory_space<vmem>>
      %dma_wait3A_118 = arith.constant 0 : i32
      %dma_wait3A_119 = arith.constant 0 : i32
      %dma_wait3A_120 = tpu.memref_slice %arg2[%dma_wait3A_118, %dma_wait3A_119] : memref<10240x64xf32, #tpu.memory_space<hbm>> -> memref<10240x64xf32, #tpu.memory_space<hbm>>
      tpu.wait_indirect_dma semaphore(%arg14 : memref<!tpu.dma_semaphore, #tpu.memory_space<semaphore_mem>>) src(%dma_wait3A_120 : memref<10240x64xf32, #tpu.memory_space<hbm>>) dst(%arg10 : memref<256x64xf32, #tpu.memory_space<vmem>>)
      "tpu.region"() ({
        %run_scoped3A_147 = tpu.sem_alloc : memref<!tpu.dma_semaphore, #tpu.memory_space<semaphore_mem>>
        %dma_start3A_148 = arith.constant 0 : i32
        %dma_start3A_149 = tpu.memref_slice %arg7[%add3A_114, %dma_start3A_148] : memref<40x256xi32, #tpu.memory_space<vmem>> -> memref<1x256xi32, #tpu.memory_space<vmem>>
        %dma_start3A_150 = tpu.memref_squeeze %dma_start3A_149 : memref<1x256xi32, #tpu.memory_space<vmem>> -> memref<256xi32, #tpu.memory_space<vmem>>
        %dma_start3A_151 = arith.constant 0 : i32
        %dma_start3A_152 = arith.constant 0 : i32
        %dma_start3A_153 = tpu.memref_slice %arg5[%dma_start3A_151, %dma_start3A_152] : memref<10240x64xf32, #tpu.memory_space<vmem_shared>> -> memref<10240x64xf32, #tpu.memory_space<vmem_shared>>
        tpu.enqueue_indirect_dma source(%arg10 : memref<256x64xf32, #tpu.memory_space<vmem>>) target(%dma_start3A_153 : memref<10240x64xf32, #tpu.memory_space<vmem_shared>>) offsets(%dma_start3A_150 : memref<256xi32, #tpu.memory_space<vmem>>) semaphore(%run_scoped3A_147 : memref<!tpu.dma_semaphore, #tpu.memory_space<semaphore_mem>>) {add = true}
        %dma_wait3A_154 = arith.constant 0 : i32
        %dma_wait3A_155 = tpu.memref_slice %arg7[%add3A_114, %dma_wait3A_154] : memref<40x256xi32, #tpu.memory_space<vmem>> -> memref<1x256xi32, #tpu.memory_space<vmem>>
        %dma_wait3A_156 = tpu.memref_squeeze %dma_wait3A_155 : memref<1x256xi32, #tpu.memory_space<vmem>> -> memref<256xi32, #tpu.memory_space<vmem>>
        %dma_wait3A_157 = arith.constant 0 : i32
        %dma_wait3A_158 = arith.constant 0 : i32
        %dma_wait3A_159 = tpu.memref_slice %arg5[%dma_wait3A_157, %dma_wait3A_158] : memref<10240x64xf32, #tpu.memory_space<vmem_shared>> -> memref<10240x64xf32, #tpu.memory_space<vmem_shared>>
        tpu.wait_indirect_dma semaphore(%run_scoped3A_147 : memref<!tpu.dma_semaphore, #tpu.memory_space<semaphore_mem>>) src(%arg10 : memref<256x64xf32, #tpu.memory_space<vmem>>) dst(%dma_wait3A_159 : memref<10240x64xf32, #tpu.memory_space<vmem_shared>>)
        tpu.yield
      }) : () -> ()
      %add3A_121 = arith.constant 4 : i32
      %add3A_122 = arith.addi %add3A_114, %add3A_121 : i32
      %dma_start3A_123 = arith.constant 0 : i32
      %dma_start3A_124 = tpu.memref_slice %arg6[%add3A_122, %dma_start3A_123] : memref<40x256xi32, #tpu.memory_space<vmem>> -> memref<1x256xi32, #tpu.memory_space<vmem>>
      %dma_start3A_125 = tpu.memref_squeeze %dma_start3A_124 : memref<1x256xi32, #tpu.memory_space<vmem>> -> memref<256xi32, #tpu.memory_space<vmem>>
      %dma_start3A_126 = arith.constant 0 : i32
      %dma_start3A_127 = arith.constant 0 : i32
      %dma_start3A_128 = tpu.memref_slice %arg2[%dma_start3A_126, %dma_start3A_127] : memref<10240x64xf32, #tpu.memory_space<hbm>> -> memref<10240x64xf32, #tpu.memory_space<hbm>>
      tpu.enqueue_indirect_dma source(%dma_start3A_128 : memref<10240x64xf32, #tpu.memory_space<hbm>>) target(%arg10 : memref<256x64xf32, #tpu.memory_space<vmem>>) offsets(%dma_start3A_125 : memref<256xi32, #tpu.memory_space<vmem>>) semaphore(%arg14 : memref<!tpu.dma_semaphore, #tpu.memory_space<semaphore_mem>>)
      %mul3A_129 = arith.constant 4 : i32
      %mul3A_130 = arith.muli %scan3A_74, %mul3A_129 : i32
      %add3A_131 = arith.constant 3 : i32
      %add3A_132 = arith.addi %mul3A_130, %add3A_131 : i32
      %dma_wait3A_133 = arith.constant 0 : i32
      %dma_wait3A_134 = tpu.memref_slice %arg6[%add3A_132, %dma_wait3A_133] : memref<40x256xi32, #tpu.memory_space<vmem>> -> memref<1x256xi32, #tpu.memory_space<vmem>>
      %dma_wait3A_135 = tpu.memref_squeeze %dma_wait3A_134 : memref<1x256xi32, #tpu.memory_space<vmem>> -> memref<256xi32, #tpu.memory_space<vmem>>
      %dma_wait3A_136 = arith.constant 0 : i32
      %dma_wait3A_137 = arith.constant 0 : i32
      %dma_wait3A_138 = tpu.memref_slice %arg2[%dma_wait3A_136, %dma_wait3A_137] : memref<10240x64xf32, #tpu.memory_space<hbm>> -> memref<10240x64xf32, #tpu.memory_space<hbm>>
      tpu.wait_indirect_dma semaphore(%arg15 : memref<!tpu.dma_semaphore, #tpu.memory_space<semaphore_mem>>) src(%dma_wait3A_138 : memref<10240x64xf32, #tpu.memory_space<hbm>>) dst(%arg11 : memref<256x64xf32, #tpu.memory_space<vmem>>)
      "tpu.region"() ({
        %run_scoped3A_147 = tpu.sem_alloc : memref<!tpu.dma_semaphore, #tpu.memory_space<semaphore_mem>>
        %dma_start3A_148 = arith.constant 0 : i32
        %dma_start3A_149 = tpu.memref_slice %arg7[%add3A_132, %dma_start3A_148] : memref<40x256xi32, #tpu.memory_space<vmem>> -> memref<1x256xi32, #tpu.memory_space<vmem>>
        %dma_start3A_150 = tpu.memref_squeeze %dma_start3A_149 : memref<1x256xi32, #tpu.memory_space<vmem>> -> memref<256xi32, #tpu.memory_space<vmem>>
        %dma_start3A_151 = arith.constant 0 : i32
        %dma_start3A_152 = arith.constant 0 : i32
        %dma_start3A_153 = tpu.memref_slice %arg5[%dma_start3A_151, %dma_start3A_152] : memref<10240x64xf32, #tpu.memory_space<vmem_shared>> -> memref<10240x64xf32, #tpu.memory_space<vmem_shared>>
        tpu.enqueue_indirect_dma source(%arg11 : memref<256x64xf32, #tpu.memory_space<vmem>>) target(%dma_start3A_153 : memref<10240x64xf32, #tpu.memory_space<vmem_shared>>) offsets(%dma_start3A_150 : memref<256xi32, #tpu.memory_space<vmem>>) semaphore(%run_scoped3A_147 : memref<!tpu.dma_semaphore, #tpu.memory_space<semaphore_mem>>) {add = true}
        %dma_wait3A_154 = arith.constant 0 : i32
        %dma_wait3A_155 = tpu.memref_slice %arg7[%add3A_132, %dma_wait3A_154] : memref<40x256xi32, #tpu.memory_space<vmem>> -> memref<1x256xi32, #tpu.memory_space<vmem>>
        %dma_wait3A_156 = tpu.memref_squeeze %dma_wait3A_155 : memref<1x256xi32, #tpu.memory_space<vmem>> -> memref<256xi32, #tpu.memory_space<vmem>>
        %dma_wait3A_157 = arith.constant 0 : i32
        %dma_wait3A_158 = arith.constant 0 : i32
        %dma_wait3A_159 = tpu.memref_slice %arg5[%dma_wait3A_157, %dma_wait3A_158] : memref<10240x64xf32, #tpu.memory_space<vmem_shared>> -> memref<10240x64xf32, #tpu.memory_space<vmem_shared>>
        tpu.wait_indirect_dma semaphore(%run_scoped3A_147 : memref<!tpu.dma_semaphore, #tpu.memory_space<semaphore_mem>>) src(%arg11 : memref<256x64xf32, #tpu.memory_space<vmem>>) dst(%dma_wait3A_159 : memref<10240x64xf32, #tpu.memory_space<vmem_shared>>)
        tpu.yield
      }) : () -> ()
      %add3A_139 = arith.constant 4 : i32
      %add3A_140 = arith.addi %add3A_132, %add3A_139 : i32
      %dma_start3A_141 = arith.constant 0 : i32
      %dma_start3A_142 = tpu.memref_slice %arg6[%add3A_140, %dma_start3A_141] : memref<40x256xi32, #tpu.memory_space<vmem>> -> memref<1x256xi32, #tpu.memory_space<vmem>>
      %dma_start3A_143 = tpu.memref_squeeze %dma_start3A_142 : memref<1x256xi32, #tpu.memory_space<vmem>> -> memref<256xi32, #tpu.memory_space<vmem>>
      %dma_start3A_144 = arith.constant 0 : i32
      %dma_start3A_145 = arith.constant 0 : i32
      %dma_start3A_146 = tpu.memref_slice %arg2[%dma_start3A_144, %dma_start3A_145] : memref<10240x64xf32, #tpu.memory_space<hbm>> -> memref<10240x64xf32, #tpu.memory_space<hbm>>
      tpu.enqueue_indirect_dma source(%dma_start3A_146 : memref<10240x64xf32, #tpu.memory_space<hbm>>) target(%arg11 : memref<256x64xf32, #tpu.memory_space<vmem>>) offsets(%dma_start3A_143 : memref<256xi32, #tpu.memory_space<vmem>>) semaphore(%arg15 : memref<!tpu.dma_semaphore, #tpu.memory_space<semaphore_mem>>)
    }
    %scan3A_37 = arith.constant 9 : i32
    %dma_wait3A = arith.constant 36 : i32
    %dma_wait3A_38 = arith.constant 0 : i32
    %dma_wait3A_39 = tpu.memref_slice %arg6[%dma_wait3A, %dma_wait3A_38] : memref<40x256xi32, #tpu.memory_space<vmem>> -> memref<1x256xi32, #tpu.memory_space<vmem>>
    %dma_wait3A_40 = tpu.memref_squeeze %dma_wait3A_39 : memref<1x256xi32, #tpu.memory_space<vmem>> -> memref<256xi32, #tpu.memory_space<vmem>>
    %dma_wait3A_41 = arith.constant 0 : i32
    %dma_wait3A_42 = arith.constant 0 : i32
    %dma_wait3A_43 = tpu.memref_slice %arg2[%dma_wait3A_41, %dma_wait3A_42] : memref<10240x64xf32, #tpu.memory_space<hbm>> -> memref<10240x64xf32, #tpu.memory_space<hbm>>
    tpu.wait_indirect_dma semaphore(%arg12 : memref<!tpu.dma_semaphore, #tpu.memory_space<semaphore_mem>>) src(%dma_wait3A_43 : memref<10240x64xf32, #tpu.memory_space<hbm>>) dst(%arg8 : memref<256x64xf32, #tpu.memory_space<vmem>>)
    %run_scoped3A_44 = arith.constant 36 : i32
    "tpu.region"() ({
      %run_scoped3A_74 = tpu.sem_alloc : memref<!tpu.dma_semaphore, #tpu.memory_space<semaphore_mem>>
      %dma_start3A_75 = arith.constant 0 : i32
      %dma_start3A_76 = tpu.memref_slice %arg7[%run_scoped3A_44, %dma_start3A_75] : memref<40x256xi32, #tpu.memory_space<vmem>> -> memref<1x256xi32, #tpu.memory_space<vmem>>
      %dma_start3A_77 = tpu.memref_squeeze %dma_start3A_76 : memref<1x256xi32, #tpu.memory_space<vmem>> -> memref<256xi32, #tpu.memory_space<vmem>>
      %dma_start3A_78 = arith.constant 0 : i32
      %dma_start3A_79 = arith.constant 0 : i32
      %dma_start3A_80 = tpu.memref_slice %arg5[%dma_start3A_78, %dma_start3A_79] : memref<10240x64xf32, #tpu.memory_space<vmem_shared>> -> memref<10240x64xf32, #tpu.memory_space<vmem_shared>>
      tpu.enqueue_indirect_dma source(%arg8 : memref<256x64xf32, #tpu.memory_space<vmem>>) target(%dma_start3A_80 : memref<10240x64xf32, #tpu.memory_space<vmem_shared>>) offsets(%dma_start3A_77 : memref<256xi32, #tpu.memory_space<vmem>>) semaphore(%run_scoped3A_74 : memref<!tpu.dma_semaphore, #tpu.memory_space<semaphore_mem>>) {add = true}
      %dma_wait3A_81 = arith.constant 0 : i32
      %dma_wait3A_82 = tpu.memref_slice %arg7[%run_scoped3A_44, %dma_wait3A_81] : memref<40x256xi32, #tpu.memory_space<vmem>> -> memref<1x256xi32, #tpu.memory_space<vmem>>
      %dma_wait3A_83 = tpu.memref_squeeze %dma_wait3A_82 : memref<1x256xi32, #tpu.memory_space<vmem>> -> memref<256xi32, #tpu.memory_space<vmem>>
      %dma_wait3A_84 = arith.constant 0 : i32
      %dma_wait3A_85 = arith.constant 0 : i32
      %dma_wait3A_86 = tpu.memref_slice %arg5[%dma_wait3A_84, %dma_wait3A_85] : memref<10240x64xf32, #tpu.memory_space<vmem_shared>> -> memref<10240x64xf32, #tpu.memory_space<vmem_shared>>
      tpu.wait_indirect_dma semaphore(%run_scoped3A_74 : memref<!tpu.dma_semaphore, #tpu.memory_space<semaphore_mem>>) src(%arg8 : memref<256x64xf32, #tpu.memory_space<vmem>>) dst(%dma_wait3A_86 : memref<10240x64xf32, #tpu.memory_space<vmem_shared>>)
      tpu.yield
    }) : () -> ()
    %dma_wait3A_45 = arith.constant 37 : i32
    %dma_wait3A_46 = arith.constant 0 : i32
    %dma_wait3A_47 = tpu.memref_slice %arg6[%dma_wait3A_45, %dma_wait3A_46] : memref<40x256xi32, #tpu.memory_space<vmem>> -> memref<1x256xi32, #tpu.memory_space<vmem>>
    %dma_wait3A_48 = tpu.memref_squeeze %dma_wait3A_47 : memref<1x256xi32, #tpu.memory_space<vmem>> -> memref<256xi32, #tpu.memory_space<vmem>>
    %dma_wait3A_49 = arith.constant 0 : i32
    %dma_wait3A_50 = arith.constant 0 : i32
    %dma_wait3A_51 = tpu.memref_slice %arg2[%dma_wait3A_49, %dma_wait3A_50] : memref<10240x64xf32, #tpu.memory_space<hbm>> -> memref<10240x64xf32, #tpu.memory_space<hbm>>
    tpu.wait_indirect_dma semaphore(%arg13 : memref<!tpu.dma_semaphore, #tpu.memory_space<semaphore_mem>>) src(%dma_wait3A_51 : memref<10240x64xf32, #tpu.memory_space<hbm>>) dst(%arg9 : memref<256x64xf32, #tpu.memory_space<vmem>>)
    %run_scoped3A_52 = arith.constant 37 : i32
    "tpu.region"() ({
      %run_scoped3A_74 = tpu.sem_alloc : memref<!tpu.dma_semaphore, #tpu.memory_space<semaphore_mem>>
      %dma_start3A_75 = arith.constant 0 : i32
      %dma_start3A_76 = tpu.memref_slice %arg7[%run_scoped3A_52, %dma_start3A_75] : memref<40x256xi32, #tpu.memory_space<vmem>> -> memref<1x256xi32, #tpu.memory_space<vmem>>
      %dma_start3A_77 = tpu.memref_squeeze %dma_start3A_76 : memref<1x256xi32, #tpu.memory_space<vmem>> -> memref<256xi32, #tpu.memory_space<vmem>>
      %dma_start3A_78 = arith.constant 0 : i32
      %dma_start3A_79 = arith.constant 0 : i32
      %dma_start3A_80 = tpu.memref_slice %arg5[%dma_start3A_78, %dma_start3A_79] : memref<10240x64xf32, #tpu.memory_space<vmem_shared>> -> memref<10240x64xf32, #tpu.memory_space<vmem_shared>>
      tpu.enqueue_indirect_dma source(%arg9 : memref<256x64xf32, #tpu.memory_space<vmem>>) target(%dma_start3A_80 : memref<10240x64xf32, #tpu.memory_space<vmem_shared>>) offsets(%dma_start3A_77 : memref<256xi32, #tpu.memory_space<vmem>>) semaphore(%run_scoped3A_74 : memref<!tpu.dma_semaphore, #tpu.memory_space<semaphore_mem>>) {add = true}
      %dma_wait3A_81 = arith.constant 0 : i32
      %dma_wait3A_82 = tpu.memref_slice %arg7[%run_scoped3A_52, %dma_wait3A_81] : memref<40x256xi32, #tpu.memory_space<vmem>> -> memref<1x256xi32, #tpu.memory_space<vmem>>
      %dma_wait3A_83 = tpu.memref_squeeze %dma_wait3A_82 : memref<1x256xi32, #tpu.memory_space<vmem>> -> memref<256xi32, #tpu.memory_space<vmem>>
      %dma_wait3A_84 = arith.constant 0 : i32
      %dma_wait3A_85 = arith.constant 0 : i32
      %dma_wait3A_86 = tpu.memref_slice %arg5[%dma_wait3A_84, %dma_wait3A_85] : memref<10240x64xf32, #tpu.memory_space<vmem_shared>> -> memref<10240x64xf32, #tpu.memory_space<vmem_shared>>
      tpu.wait_indirect_dma semaphore(%run_scoped3A_74 : memref<!tpu.dma_semaphore, #tpu.memory_space<semaphore_mem>>) src(%arg9 : memref<256x64xf32, #tpu.memory_space<vmem>>) dst(%dma_wait3A_86 : memref<10240x64xf32, #tpu.memory_space<vmem_shared>>)
      tpu.yield
    }) : () -> ()
    %dma_wait3A_53 = arith.constant 38 : i32
    %dma_wait3A_54 = arith.constant 0 : i32
    %dma_wait3A_55 = tpu.memref_slice %arg6[%dma_wait3A_53, %dma_wait3A_54] : memref<40x256xi32, #tpu.memory_space<vmem>> -> memref<1x256xi32, #tpu.memory_space<vmem>>
    %dma_wait3A_56 = tpu.memref_squeeze %dma_wait3A_55 : memref<1x256xi32, #tpu.memory_space<vmem>> -> memref<256xi32, #tpu.memory_space<vmem>>
    %dma_wait3A_57 = arith.constant 0 : i32
    %dma_wait3A_58 = arith.constant 0 : i32
    %dma_wait3A_59 = tpu.memref_slice %arg2[%dma_wait3A_57, %dma_wait3A_58] : memref<10240x64xf32, #tpu.memory_space<hbm>> -> memref<10240x64xf32, #tpu.memory_space<hbm>>
    tpu.wait_indirect_dma semaphore(%arg14 : memref<!tpu.dma_semaphore, #tpu.memory_space<semaphore_mem>>) src(%dma_wait3A_59 : memref<10240x64xf32, #tpu.memory_space<hbm>>) dst(%arg10 : memref<256x64xf32, #tpu.memory_space<vmem>>)
    %run_scoped3A_60 = arith.constant 38 : i32
    "tpu.region"() ({
      %run_scoped3A_74 = tpu.sem_alloc : memref<!tpu.dma_semaphore, #tpu.memory_space<semaphore_mem>>
      %dma_start3A_75 = arith.constant 0 : i32
      %dma_start3A_76 = tpu.memref_slice %arg7[%run_scoped3A_60, %dma_start3A_75] : memref<40x256xi32, #tpu.memory_space<vmem>> -> memref<1x256xi32, #tpu.memory_space<vmem>>
      %dma_start3A_77 = tpu.memref_squeeze %dma_start3A_76 : memref<1x256xi32, #tpu.memory_space<vmem>> -> memref<256xi32, #tpu.memory_space<vmem>>
      %dma_start3A_78 = arith.constant 0 : i32
      %dma_start3A_79 = arith.constant 0 : i32
      %dma_start3A_80 = tpu.memref_slice %arg5[%dma_start3A_78, %dma_start3A_79] : memref<10240x64xf32, #tpu.memory_space<vmem_shared>> -> memref<10240x64xf32, #tpu.memory_space<vmem_shared>>
      tpu.enqueue_indirect_dma source(%arg10 : memref<256x64xf32, #tpu.memory_space<vmem>>) target(%dma_start3A_80 : memref<10240x64xf32, #tpu.memory_space<vmem_shared>>) offsets(%dma_start3A_77 : memref<256xi32, #tpu.memory_space<vmem>>) semaphore(%run_scoped3A_74 : memref<!tpu.dma_semaphore, #tpu.memory_space<semaphore_mem>>) {add = true}
      %dma_wait3A_81 = arith.constant 0 : i32
      %dma_wait3A_82 = tpu.memref_slice %arg7[%run_scoped3A_60, %dma_wait3A_81] : memref<40x256xi32, #tpu.memory_space<vmem>> -> memref<1x256xi32, #tpu.memory_space<vmem>>
      %dma_wait3A_83 = tpu.memref_squeeze %dma_wait3A_82 : memref<1x256xi32, #tpu.memory_space<vmem>> -> memref<256xi32, #tpu.memory_space<vmem>>
      %dma_wait3A_84 = arith.constant 0 : i32
      %dma_wait3A_85 = arith.constant 0 : i32
      %dma_wait3A_86 = tpu.memref_slice %arg5[%dma_wait3A_84, %dma_wait3A_85] : memref<10240x64xf32, #tpu.memory_space<vmem_shared>> -> memref<10240x64xf32, #tpu.memory_space<vmem_shared>>
      tpu.wait_indirect_dma semaphore(%run_scoped3A_74 : memref<!tpu.dma_semaphore, #tpu.memory_space<semaphore_mem>>) src(%arg10 : memref<256x64xf32, #tpu.memory_space<vmem>>) dst(%dma_wait3A_86 : memref<10240x64xf32, #tpu.memory_space<vmem_shared>>)
      tpu.yield
    }) : () -> ()
    %dma_wait3A_61 = arith.constant 39 : i32
    %dma_wait3A_62 = arith.constant 0 : i32
    %dma_wait3A_63 = tpu.memref_slice %arg6[%dma_wait3A_61, %dma_wait3A_62] : memref<40x256xi32, #tpu.memory_space<vmem>> -> memref<1x256xi32, #tpu.memory_space<vmem>>
    %dma_wait3A_64 = tpu.memref_squeeze %dma_wait3A_63 : memref<1x256xi32, #tpu.memory_space<vmem>> -> memref<256xi32, #tpu.memory_space<vmem>>
    %dma_wait3A_65 = arith.constant 0 : i32
    %dma_wait3A_66 = arith.constant 0 : i32
    %dma_wait3A_67 = tpu.memref_slice %arg2[%dma_wait3A_65, %dma_wait3A_66] : memref<10240x64xf32, #tpu.memory_space<hbm>> -> memref<10240x64xf32, #tpu.memory_space<hbm>>
    tpu.wait_indirect_dma semaphore(%arg15 : memref<!tpu.dma_semaphore, #tpu.memory_space<semaphore_mem>>) src(%dma_wait3A_67 : memref<10240x64xf32, #tpu.memory_space<hbm>>) dst(%arg11 : memref<256x64xf32, #tpu.memory_space<vmem>>)
    %run_scoped3A_68 = arith.constant 39 : i32
    "tpu.region"() ({
      %run_scoped3A_74 = tpu.sem_alloc : memref<!tpu.dma_semaphore, #tpu.memory_space<semaphore_mem>>
      %dma_start3A_75 = arith.constant 0 : i32
      %dma_start3A_76 = tpu.memref_slice %arg7[%run_scoped3A_68, %dma_start3A_75] : memref<40x256xi32, #tpu.memory_space<vmem>> -> memref<1x256xi32, #tpu.memory_space<vmem>>
      %dma_start3A_77 = tpu.memref_squeeze %dma_start3A_76 : memref<1x256xi32, #tpu.memory_space<vmem>> -> memref<256xi32, #tpu.memory_space<vmem>>
      %dma_start3A_78 = arith.constant 0 : i32
      %dma_start3A_79 = arith.constant 0 : i32
      %dma_start3A_80 = tpu.memref_slice %arg5[%dma_start3A_78, %dma_start3A_79] : memref<10240x64xf32, #tpu.memory_space<vmem_shared>> -> memref<10240x64xf32, #tpu.memory_space<vmem_shared>>
      tpu.enqueue_indirect_dma source(%arg11 : memref<256x64xf32, #tpu.memory_space<vmem>>) target(%dma_start3A_80 : memref<10240x64xf32, #tpu.memory_space<vmem_shared>>) offsets(%dma_start3A_77 : memref<256xi32, #tpu.memory_space<vmem>>) semaphore(%run_scoped3A_74 : memref<!tpu.dma_semaphore, #tpu.memory_space<semaphore_mem>>) {add = true}
      %dma_wait3A_81 = arith.constant 0 : i32
      %dma_wait3A_82 = tpu.memref_slice %arg7[%run_scoped3A_68, %dma_wait3A_81] : memref<40x256xi32, #tpu.memory_space<vmem>> -> memref<1x256xi32, #tpu.memory_space<vmem>>
      %dma_wait3A_83 = tpu.memref_squeeze %dma_wait3A_82 : memref<1x256xi32, #tpu.memory_space<vmem>> -> memref<256xi32, #tpu.memory_space<vmem>>
      %dma_wait3A_84 = arith.constant 0 : i32
      %dma_wait3A_85 = arith.constant 0 : i32
      %dma_wait3A_86 = tpu.memref_slice %arg5[%dma_wait3A_84, %dma_wait3A_85] : memref<10240x64xf32, #tpu.memory_space<vmem_shared>> -> memref<10240x64xf32, #tpu.memory_space<vmem_shared>>
      tpu.wait_indirect_dma semaphore(%run_scoped3A_74 : memref<!tpu.dma_semaphore, #tpu.memory_space<semaphore_mem>>) src(%arg11 : memref<256x64xf32, #tpu.memory_space<vmem>>) dst(%dma_wait3A_86 : memref<10240x64xf32, #tpu.memory_space<vmem_shared>>)
      tpu.yield
    }) : () -> ()
    %barrier3A_69 = arith.constant 0 : index
    tpu.barrier barrier_id(%barrier3A_69)
    %mul3A_70 = arith.constant 640 : i32
    %mul3A_71 = arith.muli %arg1, %mul3A_70 : i32
    %mul3A_72 = arith.constant 640 : i32
    %mul3A_73 = arith.muli %arg1, %mul3A_72 : i32
    "tpu.region"() ({
      %run_scoped3A_74 = tpu.sem_alloc : memref<!tpu.dma_semaphore, #tpu.memory_space<semaphore_mem>>
      %dma_start3A_75 = arith.constant 0 : i32
      %dma_start3A_76 = tpu.memref_slice %arg4[%arg0, %mul3A_73, %dma_start3A_75] : memref<2x10240x64xf32, #tpu.memory_space<hbm>> -> memref<1x640x64xf32, #tpu.memory_space<hbm>>
      %dma_start3A_77 = tpu.memref_squeeze %dma_start3A_76 : memref<1x640x64xf32, #tpu.memory_space<hbm>> -> memref<640x64xf32, #tpu.memory_space<hbm>>
      %dma_start3A_78 = arith.constant 0 : i32
      %dma_start3A_79 = tpu.memref_slice %arg5[%mul3A_71, %dma_start3A_78] : memref<10240x64xf32, #tpu.memory_space<vmem_shared>> -> memref<640x64xf32, #tpu.memory_space<vmem_shared>>
      tpu.enqueue_dma source(%dma_start3A_79 : memref<640x64xf32, #tpu.memory_space<vmem_shared>>) target(%dma_start3A_77 : memref<640x64xf32, #tpu.memory_space<hbm>>) target_semaphore(%run_scoped3A_74 : memref<!tpu.dma_semaphore, #tpu.memory_space<semaphore_mem>>)
      %dma_wait3A_80 = arith.constant 0 : i32
      %dma_wait3A_81 = tpu.memref_slice %arg4[%arg0, %mul3A_73, %dma_wait3A_80] : memref<2x10240x64xf32, #tpu.memory_space<hbm>> -> memref<1x640x64xf32, #tpu.memory_space<hbm>>
      %dma_wait3A_82 = tpu.memref_squeeze %dma_wait3A_81 : memref<1x640x64xf32, #tpu.memory_space<hbm>> -> memref<640x64xf32, #tpu.memory_space<hbm>>
      %dma_wait3A_83 = arith.constant 0 : i32
      %dma_wait3A_84 = tpu.memref_slice %arg5[%mul3A_71, %dma_wait3A_83] : memref<10240x64xf32, #tpu.memory_space<vmem_shared>> -> memref<640x64xf32, #tpu.memory_space<vmem_shared>>
      tpu.wait_dma2 semaphore(%run_scoped3A_74 : memref<!tpu.dma_semaphore, #tpu.memory_space<semaphore_mem>>) src(%dma_wait3A_84 : memref<640x64xf32, #tpu.memory_space<vmem_shared>>) dst(%dma_wait3A_82 : memref<640x64xf32, #tpu.memory_space<hbm>>)
      tpu.yield
    }) : () -> ()
    return
  }
}

#map = affine_map<(d0, d1) -> (0, 0)>
#map1 = affine_map<(d0, d1) -> (0, 0, 0, 0)>
#map2 = affine_map<(d0, d1) -> (0, 0, 0)>
module attributes {stable_mosaic.version = 14 : i64} {
  func.func @_sc_aggregate_body(%arg0: i32, %arg1: i32, %arg2: memref<10240x64xf32, #tpu.memory_space<hbm>>, %arg3: memref<2x32x40x256xi32, #tpu.memory_space<hbm>>, %arg4: memref<2x10240x64xf32, #tpu.memory_space<hbm>>, %arg5: memref<10240x64xf32, #tpu.memory_space<vmem_shared>>, %arg6: memref<40x256xi32, #tpu.memory_space<vmem>>, %arg7: memref<40x256xi32, #tpu.memory_space<vmem>>, %arg8: memref<256x64xf32, #tpu.memory_space<vmem>>, %arg9: memref<256x64xf32, #tpu.memory_space<vmem>>, %arg10: memref<256x64xf32, #tpu.memory_space<vmem>>, %arg11: memref<256x64xf32, #tpu.memory_space<vmem>>, %arg12: memref<!tpu.dma_semaphore, #tpu.memory_space<semaphore_mem>>, %arg13: memref<!tpu.dma_semaphore, #tpu.memory_space<semaphore_mem>>, %arg14: memref<!tpu.dma_semaphore, #tpu.memory_space<semaphore_mem>>, %arg15: memref<!tpu.dma_semaphore, #tpu.memory_space<semaphore_mem>>) attributes {dimension_semantics = [#tpu.dimension_semantics<core_parallel>, #tpu.dimension_semantics<subcore_parallel>], iteration_bounds = array<i64: 2, 16>, scalar_prefetch = 0 : i64, scratch_operands = 11 : i64, tpu.core_type = #tpu.core_type<sc_vector_subcore>, window_params = [{transform_indices = #map}, {transform_indices = #map1}, {transform_indices = #map2}]} {
    %mul3A = arith.constant 16 : i32
    %mul3A_0 = arith.muli %arg0, %mul3A : i32
    %add3A = arith.addi %mul3A_0, %arg1 : i32
    %mul3A_1 = arith.constant 640 : i32
    %mul3A_2 = arith.muli %arg1, %mul3A_1 : i32
    %mul3A_3 = arith.constant 640 : i32
    %mul3A_4 = arith.muli %arg1, %mul3A_3 : i32
    "tpu.region"() ({
      %run_scoped3A_74 = tpu.sem_alloc : memref<!tpu.dma_semaphore, #tpu.memory_space<semaphore_mem>>
      %dma_start3A_75 = arith.constant 0 : i32
      %dma_start3A_76 = tpu.memref_slice %arg5[%mul3A_4, %dma_start3A_75] : memref<10240x64xf32, #tpu.memory_space<vmem_shared>> -> memref<640x64xf32, #tpu.memory_space<vmem_shared>>
      %dma_start3A_77 = arith.constant 0 : i32
      %dma_start3A_78 = tpu.memref_slice %arg2[%mul3A_2, %dma_start3A_77] : memref<10240x64xf32, #tpu.memory_space<hbm>> -> memref<640x64xf32, #tpu.memory_space<hbm>>
      tpu.enqueue_dma source(%dma_start3A_78 : memref<640x64xf32, #tpu.memory_space<hbm>>) target(%dma_start3A_76 : memref<640x64xf32, #tpu.memory_space<vmem_shared>>) target_semaphore(%run_scoped3A_74 : memref<!tpu.dma_semaphore, #tpu.memory_space<semaphore_mem>>)
      %dma_wait3A_79 = arith.constant 0 : i32
      %dma_wait3A_80 = tpu.memref_slice %arg5[%mul3A_4, %dma_wait3A_79] : memref<10240x64xf32, #tpu.memory_space<vmem_shared>> -> memref<640x64xf32, #tpu.memory_space<vmem_shared>>
      %dma_wait3A_81 = arith.constant 0 : i32
      %dma_wait3A_82 = tpu.memref_slice %arg2[%mul3A_2, %dma_wait3A_81] : memref<10240x64xf32, #tpu.memory_space<hbm>> -> memref<640x64xf32, #tpu.memory_space<hbm>>
      tpu.wait_dma2 semaphore(%run_scoped3A_74 : memref<!tpu.dma_semaphore, #tpu.memory_space<semaphore_mem>>) src(%dma_wait3A_82 : memref<640x64xf32, #tpu.memory_space<hbm>>) dst(%dma_wait3A_80 : memref<640x64xf32, #tpu.memory_space<vmem_shared>>)
      tpu.yield
    }) : () -> ()
    %run_scoped3A = arith.constant 0 : i32
    "tpu.region"() ({
      %run_scoped3A_74 = tpu.sem_alloc : memref<!tpu.dma_semaphore, #tpu.memory_space<semaphore_mem>>
      %dma_start3A_75 = arith.constant 0 : i32
      %dma_start3A_76 = arith.constant 0 : i32
      %dma_start3A_77 = tpu.memref_slice %arg3[%run_scoped3A, %add3A, %dma_start3A_75, %dma_start3A_76] : memref<2x32x40x256xi32, #tpu.memory_space<hbm>> -> memref<1x1x40x256xi32, #tpu.memory_space<hbm>>
      %dma_start3A_78 = tpu.memref_squeeze %dma_start3A_77 : memref<1x1x40x256xi32, #tpu.memory_space<hbm>> -> memref<40x256xi32, #tpu.memory_space<hbm>>
      %dma_start3A_79 = arith.constant 0 : i32
      %dma_start3A_80 = arith.constant 0 : i32
      %dma_start3A_81 = tpu.memref_slice %arg3[%run_scoped3A, %add3A, %dma_start3A_79, %dma_start3A_80] : memref<2x32x40x256xi32, #tpu.memory_space<hbm>> -> memref<1x1x40x256xi32, #tpu.memory_space<hbm>>
      %dma_start3A_82 = tpu.memref_squeeze %dma_start3A_81 : memref<1x1x40x256xi32, #tpu.memory_space<hbm>> -> memref<40x256xi32, #tpu.memory_space<hbm>>
      tpu.enqueue_dma source(%dma_start3A_82 : memref<40x256xi32, #tpu.memory_space<hbm>>) target(%arg6 : memref<40x256xi32, #tpu.memory_space<vmem>>) target_semaphore(%run_scoped3A_74 : memref<!tpu.dma_semaphore, #tpu.memory_space<semaphore_mem>>)
      %dma_wait3A_83 = arith.constant 0 : i32
      %dma_wait3A_84 = arith.constant 0 : i32
      %dma_wait3A_85 = tpu.memref_slice %arg3[%run_scoped3A, %add3A, %dma_wait3A_83, %dma_wait3A_84] : memref<2x32x40x256xi32, #tpu.memory_space<hbm>> -> memref<1x1x40x256xi32, #tpu.memory_space<hbm>>
      %dma_wait3A_86 = tpu.memref_squeeze %dma_wait3A_85 : memref<1x1x40x256xi32, #tpu.memory_space<hbm>> -> memref<40x256xi32, #tpu.memory_space<hbm>>
      %dma_wait3A_87 = arith.constant 0 : i32
      %dma_wait3A_88 = arith.constant 0 : i32
      %dma_wait3A_89 = tpu.memref_slice %arg3[%run_scoped3A, %add3A, %dma_wait3A_87, %dma_wait3A_88] : memref<2x32x40x256xi32, #tpu.memory_space<hbm>> -> memref<1x1x40x256xi32, #tpu.memory_space<hbm>>
      %dma_wait3A_90 = tpu.memref_squeeze %dma_wait3A_89 : memref<1x1x40x256xi32, #tpu.memory_space<hbm>> -> memref<40x256xi32, #tpu.memory_space<hbm>>
      tpu.wait_dma2 semaphore(%run_scoped3A_74 : memref<!tpu.dma_semaphore, #tpu.memory_space<semaphore_mem>>) src(%dma_wait3A_90 : memref<40x256xi32, #tpu.memory_space<hbm>>) dst(%arg6 : memref<40x256xi32, #tpu.memory_space<vmem>>)
      tpu.yield
    }) : () -> ()
    %run_scoped3A_5 = arith.constant 1 : i32
    "tpu.region"() ({
      %run_scoped3A_74 = tpu.sem_alloc : memref<!tpu.dma_semaphore, #tpu.memory_space<semaphore_mem>>
      %dma_start3A_75 = arith.constant 0 : i32
      %dma_start3A_76 = arith.constant 0 : i32
      %dma_start3A_77 = tpu.memref_slice %arg3[%run_scoped3A_5, %add3A, %dma_start3A_75, %dma_start3A_76] : memref<2x32x40x256xi32, #tpu.memory_space<hbm>> -> memref<1x1x40x256xi32, #tpu.memory_space<hbm>>
      %dma_start3A_78 = tpu.memref_squeeze %dma_start3A_77 : memref<1x1x40x256xi32, #tpu.memory_space<hbm>> -> memref<40x256xi32, #tpu.memory_space<hbm>>
      %dma_start3A_79 = arith.constant 0 : i32
      %dma_start3A_80 = arith.constant 0 : i32
      %dma_start3A_81 = tpu.memref_slice %arg3[%run_scoped3A_5, %add3A, %dma_start3A_79, %dma_start3A_80] : memref<2x32x40x256xi32, #tpu.memory_space<hbm>> -> memref<1x1x40x256xi32, #tpu.memory_space<hbm>>
      %dma_start3A_82 = tpu.memref_squeeze %dma_start3A_81 : memref<1x1x40x256xi32, #tpu.memory_space<hbm>> -> memref<40x256xi32, #tpu.memory_space<hbm>>
      tpu.enqueue_dma source(%dma_start3A_82 : memref<40x256xi32, #tpu.memory_space<hbm>>) target(%arg7 : memref<40x256xi32, #tpu.memory_space<vmem>>) target_semaphore(%run_scoped3A_74 : memref<!tpu.dma_semaphore, #tpu.memory_space<semaphore_mem>>)
      %dma_wait3A_83 = arith.constant 0 : i32
      %dma_wait3A_84 = arith.constant 0 : i32
      %dma_wait3A_85 = tpu.memref_slice %arg3[%run_scoped3A_5, %add3A, %dma_wait3A_83, %dma_wait3A_84] : memref<2x32x40x256xi32, #tpu.memory_space<hbm>> -> memref<1x1x40x256xi32, #tpu.memory_space<hbm>>
      %dma_wait3A_86 = tpu.memref_squeeze %dma_wait3A_85 : memref<1x1x40x256xi32, #tpu.memory_space<hbm>> -> memref<40x256xi32, #tpu.memory_space<hbm>>
      %dma_wait3A_87 = arith.constant 0 : i32
      %dma_wait3A_88 = arith.constant 0 : i32
      %dma_wait3A_89 = tpu.memref_slice %arg3[%run_scoped3A_5, %add3A, %dma_wait3A_87, %dma_wait3A_88] : memref<2x32x40x256xi32, #tpu.memory_space<hbm>> -> memref<1x1x40x256xi32, #tpu.memory_space<hbm>>
      %dma_wait3A_90 = tpu.memref_squeeze %dma_wait3A_89 : memref<1x1x40x256xi32, #tpu.memory_space<hbm>> -> memref<40x256xi32, #tpu.memory_space<hbm>>
      tpu.wait_dma2 semaphore(%run_scoped3A_74 : memref<!tpu.dma_semaphore, #tpu.memory_space<semaphore_mem>>) src(%dma_wait3A_90 : memref<40x256xi32, #tpu.memory_space<hbm>>) dst(%arg7 : memref<40x256xi32, #tpu.memory_space<vmem>>)
      tpu.yield
    }) : () -> ()
    %barrier3A = arith.constant 0 : index
    tpu.barrier barrier_id(%barrier3A)
    %dma_start3A = arith.constant 0 : i32
    %dma_start3A_6 = arith.constant 0 : i32
    %dma_start3A_7 = tpu.memref_slice %arg6[%dma_start3A, %dma_start3A_6] : memref<40x256xi32, #tpu.memory_space<vmem>> -> memref<1x256xi32, #tpu.memory_space<vmem>>
    %dma_start3A_8 = tpu.memref_squeeze %dma_start3A_7 : memref<1x256xi32, #tpu.memory_space<vmem>> -> memref<256xi32, #tpu.memory_space<vmem>>
    %dma_start3A_9 = arith.constant 0 : i32
    %dma_start3A_10 = arith.constant 0 : i32
    %dma_start3A_11 = tpu.memref_slice %arg2[%dma_start3A_9, %dma_start3A_10] : memref<10240x64xf32, #tpu.memory_space<hbm>> -> memref<10240x64xf32, #tpu.memory_space<hbm>>
    tpu.enqueue_indirect_dma source(%dma_start3A_11 : memref<10240x64xf32, #tpu.memory_space<hbm>>) target(%arg8 : memref<256x64xf32, #tpu.memory_space<vmem>>) offsets(%dma_start3A_8 : memref<256xi32, #tpu.memory_space<vmem>>) semaphore(%arg12 : memref<!tpu.dma_semaphore, #tpu.memory_space<semaphore_mem>>)
    %dma_start3A_12 = arith.constant 1 : i32
    %dma_start3A_13 = arith.constant 0 : i32
    %dma_start3A_14 = tpu.memref_slice %arg6[%dma_start3A_12, %dma_start3A_13] : memref<40x256xi32, #tpu.memory_space<vmem>> -> memref<1x256xi32, #tpu.memory_space<vmem>>
    %dma_start3A_15 = tpu.memref_squeeze %dma_start3A_14 : memref<1x256xi32, #tpu.memory_space<vmem>> -> memref<256xi32, #tpu.memory_space<vmem>>
    %dma_start3A_16 = arith.constant 0 : i32
    %dma_start3A_17 = arith.constant 0 : i32
    %dma_start3A_18 = tpu.memref_slice %arg2[%dma_start3A_16, %dma_start3A_17] : memref<10240x64xf32, #tpu.memory_space<hbm>> -> memref<10240x64xf32, #tpu.memory_space<hbm>>
    tpu.enqueue_indirect_dma source(%dma_start3A_18 : memref<10240x64xf32, #tpu.memory_space<hbm>>) target(%arg9 : memref<256x64xf32, #tpu.memory_space<vmem>>) offsets(%dma_start3A_15 : memref<256xi32, #tpu.memory_space<vmem>>) semaphore(%arg13 : memref<!tpu.dma_semaphore, #tpu.memory_space<semaphore_mem>>)
    %dma_start3A_19 = arith.constant 2 : i32
    %dma_start3A_20 = arith.constant 0 : i32
    %dma_start3A_21 = tpu.memref_slice %arg6[%dma_start3A_19, %dma_start3A_20] : memref<40x256xi32, #tpu.memory_space<vmem>> -> memref<1x256xi32, #tpu.memory_space<vmem>>
    %dma_start3A_22 = tpu.memref_squeeze %dma_start3A_21 : memref<1x256xi32, #tpu.memory_space<vmem>> -> memref<256xi32, #tpu.memory_space<vmem>>
    %dma_start3A_23 = arith.constant 0 : i32
    %dma_start3A_24 = arith.constant 0 : i32
    %dma_start3A_25 = tpu.memref_slice %arg2[%dma_start3A_23, %dma_start3A_24] : memref<10240x64xf32, #tpu.memory_space<hbm>> -> memref<10240x64xf32, #tpu.memory_space<hbm>>
    tpu.enqueue_indirect_dma source(%dma_start3A_25 : memref<10240x64xf32, #tpu.memory_space<hbm>>) target(%arg10 : memref<256x64xf32, #tpu.memory_space<vmem>>) offsets(%dma_start3A_22 : memref<256xi32, #tpu.memory_space<vmem>>) semaphore(%arg14 : memref<!tpu.dma_semaphore, #tpu.memory_space<semaphore_mem>>)
    %dma_start3A_26 = arith.constant 3 : i32
    %dma_start3A_27 = arith.constant 0 : i32
    %dma_start3A_28 = tpu.memref_slice %arg6[%dma_start3A_26, %dma_start3A_27] : memref<40x256xi32, #tpu.memory_space<vmem>> -> memref<1x256xi32, #tpu.memory_space<vmem>>
    %dma_start3A_29 = tpu.memref_squeeze %dma_start3A_28 : memref<1x256xi32, #tpu.memory_space<vmem>> -> memref<256xi32, #tpu.memory_space<vmem>>
    %dma_start3A_30 = arith.constant 0 : i32
    %dma_start3A_31 = arith.constant 0 : i32
    %dma_start3A_32 = tpu.memref_slice %arg2[%dma_start3A_30, %dma_start3A_31] : memref<10240x64xf32, #tpu.memory_space<hbm>> -> memref<10240x64xf32, #tpu.memory_space<hbm>>
    tpu.enqueue_indirect_dma source(%dma_start3A_32 : memref<10240x64xf32, #tpu.memory_space<hbm>>) target(%arg11 : memref<256x64xf32, #tpu.memory_space<vmem>>) offsets(%dma_start3A_29 : memref<256xi32, #tpu.memory_space<vmem>>) semaphore(%arg15 : memref<!tpu.dma_semaphore, #tpu.memory_space<semaphore_mem>>)
    %scan3A = arith.constant 0 : i32
    %scan3A_33 = arith.constant 0 : i32
    %scan3A_34 = arith.constant 9 : i32
    %scan3A_35 = arith.addi %scan3A_33, %scan3A_34 : i32
    %scan3A_36 = arith.constant 1 : i32
    scf.for %scan3A_74 = %scan3A_33 to %scan3A_35 step %scan3A_36  : i32 {
      %mul3A_75 = arith.constant 4 : i32
      %mul3A_76 = arith.muli %scan3A_74, %mul3A_75 : i32
      %add3A_77 = arith.constant 0 : i32
      %add3A_78 = arith.addi %mul3A_76, %add3A_77 : i32
      %dma_wait3A_79 = arith.constant 0 : i32
      %dma_wait3A_80 = tpu.memref_slice %arg6[%add3A_78, %dma_wait3A_79] : memref<40x256xi32, #tpu.memory_space<vmem>> -> memref<1x256xi32, #tpu.memory_space<vmem>>
      %dma_wait3A_81 = tpu.memref_squeeze %dma_wait3A_80 : memref<1x256xi32, #tpu.memory_space<vmem>> -> memref<256xi32, #tpu.memory_space<vmem>>
      %dma_wait3A_82 = arith.constant 0 : i32
      %dma_wait3A_83 = arith.constant 0 : i32
      %dma_wait3A_84 = tpu.memref_slice %arg2[%dma_wait3A_82, %dma_wait3A_83] : memref<10240x64xf32, #tpu.memory_space<hbm>> -> memref<10240x64xf32, #tpu.memory_space<hbm>>
      tpu.wait_indirect_dma semaphore(%arg12 : memref<!tpu.dma_semaphore, #tpu.memory_space<semaphore_mem>>) src(%dma_wait3A_84 : memref<10240x64xf32, #tpu.memory_space<hbm>>) dst(%arg8 : memref<256x64xf32, #tpu.memory_space<vmem>>)
      "tpu.region"() ({
        %run_scoped3A_147 = tpu.sem_alloc : memref<!tpu.dma_semaphore, #tpu.memory_space<semaphore_mem>>
        %dma_start3A_148 = arith.constant 0 : i32
        %dma_start3A_149 = tpu.memref_slice %arg7[%add3A_78, %dma_start3A_148] : memref<40x256xi32, #tpu.memory_space<vmem>> -> memref<1x256xi32, #tpu.memory_space<vmem>>
        %dma_start3A_150 = tpu.memref_squeeze %dma_start3A_149 : memref<1x256xi32, #tpu.memory_space<vmem>> -> memref<256xi32, #tpu.memory_space<vmem>>
        %dma_start3A_151 = arith.constant 0 : i32
        %dma_start3A_152 = arith.constant 0 : i32
        %dma_start3A_153 = tpu.memref_slice %arg5[%dma_start3A_151, %dma_start3A_152] : memref<10240x64xf32, #tpu.memory_space<vmem_shared>> -> memref<10240x64xf32, #tpu.memory_space<vmem_shared>>
        tpu.enqueue_indirect_dma source(%arg8 : memref<256x64xf32, #tpu.memory_space<vmem>>) target(%dma_start3A_153 : memref<10240x64xf32, #tpu.memory_space<vmem_shared>>) offsets(%dma_start3A_150 : memref<256xi32, #tpu.memory_space<vmem>>) semaphore(%run_scoped3A_147 : memref<!tpu.dma_semaphore, #tpu.memory_space<semaphore_mem>>) {add = true}
        %dma_wait3A_154 = arith.constant 0 : i32
        %dma_wait3A_155 = tpu.memref_slice %arg7[%add3A_78, %dma_wait3A_154] : memref<40x256xi32, #tpu.memory_space<vmem>> -> memref<1x256xi32, #tpu.memory_space<vmem>>
        %dma_wait3A_156 = tpu.memref_squeeze %dma_wait3A_155 : memref<1x256xi32, #tpu.memory_space<vmem>> -> memref<256xi32, #tpu.memory_space<vmem>>
        %dma_wait3A_157 = arith.constant 0 : i32
        %dma_wait3A_158 = arith.constant 0 : i32
        %dma_wait3A_159 = tpu.memref_slice %arg5[%dma_wait3A_157, %dma_wait3A_158] : memref<10240x64xf32, #tpu.memory_space<vmem_shared>> -> memref<10240x64xf32, #tpu.memory_space<vmem_shared>>
        tpu.wait_indirect_dma semaphore(%run_scoped3A_147 : memref<!tpu.dma_semaphore, #tpu.memory_space<semaphore_mem>>) src(%arg8 : memref<256x64xf32, #tpu.memory_space<vmem>>) dst(%dma_wait3A_159 : memref<10240x64xf32, #tpu.memory_space<vmem_shared>>)
        tpu.yield
      }) : () -> ()
      %add3A_85 = arith.constant 4 : i32
      %add3A_86 = arith.addi %add3A_78, %add3A_85 : i32
      %dma_start3A_87 = arith.constant 0 : i32
      %dma_start3A_88 = tpu.memref_slice %arg6[%add3A_86, %dma_start3A_87] : memref<40x256xi32, #tpu.memory_space<vmem>> -> memref<1x256xi32, #tpu.memory_space<vmem>>
      %dma_start3A_89 = tpu.memref_squeeze %dma_start3A_88 : memref<1x256xi32, #tpu.memory_space<vmem>> -> memref<256xi32, #tpu.memory_space<vmem>>
      %dma_start3A_90 = arith.constant 0 : i32
      %dma_start3A_91 = arith.constant 0 : i32
      %dma_start3A_92 = tpu.memref_slice %arg2[%dma_start3A_90, %dma_start3A_91] : memref<10240x64xf32, #tpu.memory_space<hbm>> -> memref<10240x64xf32, #tpu.memory_space<hbm>>
      tpu.enqueue_indirect_dma source(%dma_start3A_92 : memref<10240x64xf32, #tpu.memory_space<hbm>>) target(%arg8 : memref<256x64xf32, #tpu.memory_space<vmem>>) offsets(%dma_start3A_89 : memref<256xi32, #tpu.memory_space<vmem>>) semaphore(%arg12 : memref<!tpu.dma_semaphore, #tpu.memory_space<semaphore_mem>>)
      %mul3A_93 = arith.constant 4 : i32
      %mul3A_94 = arith.muli %scan3A_74, %mul3A_93 : i32
      %add3A_95 = arith.constant 1 : i32
      %add3A_96 = arith.addi %mul3A_94, %add3A_95 : i32
      %dma_wait3A_97 = arith.constant 0 : i32
      %dma_wait3A_98 = tpu.memref_slice %arg6[%add3A_96, %dma_wait3A_97] : memref<40x256xi32, #tpu.memory_space<vmem>> -> memref<1x256xi32, #tpu.memory_space<vmem>>
      %dma_wait3A_99 = tpu.memref_squeeze %dma_wait3A_98 : memref<1x256xi32, #tpu.memory_space<vmem>> -> memref<256xi32, #tpu.memory_space<vmem>>
      %dma_wait3A_100 = arith.constant 0 : i32
      %dma_wait3A_101 = arith.constant 0 : i32
      %dma_wait3A_102 = tpu.memref_slice %arg2[%dma_wait3A_100, %dma_wait3A_101] : memref<10240x64xf32, #tpu.memory_space<hbm>> -> memref<10240x64xf32, #tpu.memory_space<hbm>>
      tpu.wait_indirect_dma semaphore(%arg13 : memref<!tpu.dma_semaphore, #tpu.memory_space<semaphore_mem>>) src(%dma_wait3A_102 : memref<10240x64xf32, #tpu.memory_space<hbm>>) dst(%arg9 : memref<256x64xf32, #tpu.memory_space<vmem>>)
      "tpu.region"() ({
        %run_scoped3A_147 = tpu.sem_alloc : memref<!tpu.dma_semaphore, #tpu.memory_space<semaphore_mem>>
        %dma_start3A_148 = arith.constant 0 : i32
        %dma_start3A_149 = tpu.memref_slice %arg7[%add3A_96, %dma_start3A_148] : memref<40x256xi32, #tpu.memory_space<vmem>> -> memref<1x256xi32, #tpu.memory_space<vmem>>
        %dma_start3A_150 = tpu.memref_squeeze %dma_start3A_149 : memref<1x256xi32, #tpu.memory_space<vmem>> -> memref<256xi32, #tpu.memory_space<vmem>>
        %dma_start3A_151 = arith.constant 0 : i32
        %dma_start3A_152 = arith.constant 0 : i32
        %dma_start3A_153 = tpu.memref_slice %arg5[%dma_start3A_151, %dma_start3A_152] : memref<10240x64xf32, #tpu.memory_space<vmem_shared>> -> memref<10240x64xf32, #tpu.memory_space<vmem_shared>>
        tpu.enqueue_indirect_dma source(%arg9 : memref<256x64xf32, #tpu.memory_space<vmem>>) target(%dma_start3A_153 : memref<10240x64xf32, #tpu.memory_space<vmem_shared>>) offsets(%dma_start3A_150 : memref<256xi32, #tpu.memory_space<vmem>>) semaphore(%run_scoped3A_147 : memref<!tpu.dma_semaphore, #tpu.memory_space<semaphore_mem>>) {add = true}
        %dma_wait3A_154 = arith.constant 0 : i32
        %dma_wait3A_155 = tpu.memref_slice %arg7[%add3A_96, %dma_wait3A_154] : memref<40x256xi32, #tpu.memory_space<vmem>> -> memref<1x256xi32, #tpu.memory_space<vmem>>
        %dma_wait3A_156 = tpu.memref_squeeze %dma_wait3A_155 : memref<1x256xi32, #tpu.memory_space<vmem>> -> memref<256xi32, #tpu.memory_space<vmem>>
        %dma_wait3A_157 = arith.constant 0 : i32
        %dma_wait3A_158 = arith.constant 0 : i32
        %dma_wait3A_159 = tpu.memref_slice %arg5[%dma_wait3A_157, %dma_wait3A_158] : memref<10240x64xf32, #tpu.memory_space<vmem_shared>> -> memref<10240x64xf32, #tpu.memory_space<vmem_shared>>
        tpu.wait_indirect_dma semaphore(%run_scoped3A_147 : memref<!tpu.dma_semaphore, #tpu.memory_space<semaphore_mem>>) src(%arg9 : memref<256x64xf32, #tpu.memory_space<vmem>>) dst(%dma_wait3A_159 : memref<10240x64xf32, #tpu.memory_space<vmem_shared>>)
        tpu.yield
      }) : () -> ()
      %add3A_103 = arith.constant 4 : i32
      %add3A_104 = arith.addi %add3A_96, %add3A_103 : i32
      %dma_start3A_105 = arith.constant 0 : i32
      %dma_start3A_106 = tpu.memref_slice %arg6[%add3A_104, %dma_start3A_105] : memref<40x256xi32, #tpu.memory_space<vmem>> -> memref<1x256xi32, #tpu.memory_space<vmem>>
      %dma_start3A_107 = tpu.memref_squeeze %dma_start3A_106 : memref<1x256xi32, #tpu.memory_space<vmem>> -> memref<256xi32, #tpu.memory_space<vmem>>
      %dma_start3A_108 = arith.constant 0 : i32
      %dma_start3A_109 = arith.constant 0 : i32
      %dma_start3A_110 = tpu.memref_slice %arg2[%dma_start3A_108, %dma_start3A_109] : memref<10240x64xf32, #tpu.memory_space<hbm>> -> memref<10240x64xf32, #tpu.memory_space<hbm>>
      tpu.enqueue_indirect_dma source(%dma_start3A_110 : memref<10240x64xf32, #tpu.memory_space<hbm>>) target(%arg9 : memref<256x64xf32, #tpu.memory_space<vmem>>) offsets(%dma_start3A_107 : memref<256xi32, #tpu.memory_space<vmem>>) semaphore(%arg13 : memref<!tpu.dma_semaphore, #tpu.memory_space<semaphore_mem>>)
      %mul3A_111 = arith.constant 4 : i32
      %mul3A_112 = arith.muli %scan3A_74, %mul3A_111 : i32
      %add3A_113 = arith.constant 2 : i32
      %add3A_114 = arith.addi %mul3A_112, %add3A_113 : i32
      %dma_wait3A_115 = arith.constant 0 : i32
      %dma_wait3A_116 = tpu.memref_slice %arg6[%add3A_114, %dma_wait3A_115] : memref<40x256xi32, #tpu.memory_space<vmem>> -> memref<1x256xi32, #tpu.memory_space<vmem>>
      %dma_wait3A_117 = tpu.memref_squeeze %dma_wait3A_116 : memref<1x256xi32, #tpu.memory_space<vmem>> -> memref<256xi32, #tpu.memory_space<vmem>>
      %dma_wait3A_118 = arith.constant 0 : i32
      %dma_wait3A_119 = arith.constant 0 : i32
      %dma_wait3A_120 = tpu.memref_slice %arg2[%dma_wait3A_118, %dma_wait3A_119] : memref<10240x64xf32, #tpu.memory_space<hbm>> -> memref<10240x64xf32, #tpu.memory_space<hbm>>
      tpu.wait_indirect_dma semaphore(%arg14 : memref<!tpu.dma_semaphore, #tpu.memory_space<semaphore_mem>>) src(%dma_wait3A_120 : memref<10240x64xf32, #tpu.memory_space<hbm>>) dst(%arg10 : memref<256x64xf32, #tpu.memory_space<vmem>>)
      "tpu.region"() ({
        %run_scoped3A_147 = tpu.sem_alloc : memref<!tpu.dma_semaphore, #tpu.memory_space<semaphore_mem>>
        %dma_start3A_148 = arith.constant 0 : i32
        %dma_start3A_149 = tpu.memref_slice %arg7[%add3A_114, %dma_start3A_148] : memref<40x256xi32, #tpu.memory_space<vmem>> -> memref<1x256xi32, #tpu.memory_space<vmem>>
        %dma_start3A_150 = tpu.memref_squeeze %dma_start3A_149 : memref<1x256xi32, #tpu.memory_space<vmem>> -> memref<256xi32, #tpu.memory_space<vmem>>
        %dma_start3A_151 = arith.constant 0 : i32
        %dma_start3A_152 = arith.constant 0 : i32
        %dma_start3A_153 = tpu.memref_slice %arg5[%dma_start3A_151, %dma_start3A_152] : memref<10240x64xf32, #tpu.memory_space<vmem_shared>> -> memref<10240x64xf32, #tpu.memory_space<vmem_shared>>
        tpu.enqueue_indirect_dma source(%arg10 : memref<256x64xf32, #tpu.memory_space<vmem>>) target(%dma_start3A_153 : memref<10240x64xf32, #tpu.memory_space<vmem_shared>>) offsets(%dma_start3A_150 : memref<256xi32, #tpu.memory_space<vmem>>) semaphore(%run_scoped3A_147 : memref<!tpu.dma_semaphore, #tpu.memory_space<semaphore_mem>>) {add = true}
        %dma_wait3A_154 = arith.constant 0 : i32
        %dma_wait3A_155 = tpu.memref_slice %arg7[%add3A_114, %dma_wait3A_154] : memref<40x256xi32, #tpu.memory_space<vmem>> -> memref<1x256xi32, #tpu.memory_space<vmem>>
        %dma_wait3A_156 = tpu.memref_squeeze %dma_wait3A_155 : memref<1x256xi32, #tpu.memory_space<vmem>> -> memref<256xi32, #tpu.memory_space<vmem>>
        %dma_wait3A_157 = arith.constant 0 : i32
        %dma_wait3A_158 = arith.constant 0 : i32
        %dma_wait3A_159 = tpu.memref_slice %arg5[%dma_wait3A_157, %dma_wait3A_158] : memref<10240x64xf32, #tpu.memory_space<vmem_shared>> -> memref<10240x64xf32, #tpu.memory_space<vmem_shared>>
        tpu.wait_indirect_dma semaphore(%run_scoped3A_147 : memref<!tpu.dma_semaphore, #tpu.memory_space<semaphore_mem>>) src(%arg10 : memref<256x64xf32, #tpu.memory_space<vmem>>) dst(%dma_wait3A_159 : memref<10240x64xf32, #tpu.memory_space<vmem_shared>>)
        tpu.yield
      }) : () -> ()
      %add3A_121 = arith.constant 4 : i32
      %add3A_122 = arith.addi %add3A_114, %add3A_121 : i32
      %dma_start3A_123 = arith.constant 0 : i32
      %dma_start3A_124 = tpu.memref_slice %arg6[%add3A_122, %dma_start3A_123] : memref<40x256xi32, #tpu.memory_space<vmem>> -> memref<1x256xi32, #tpu.memory_space<vmem>>
      %dma_start3A_125 = tpu.memref_squeeze %dma_start3A_124 : memref<1x256xi32, #tpu.memory_space<vmem>> -> memref<256xi32, #tpu.memory_space<vmem>>
      %dma_start3A_126 = arith.constant 0 : i32
      %dma_start3A_127 = arith.constant 0 : i32
      %dma_start3A_128 = tpu.memref_slice %arg2[%dma_start3A_126, %dma_start3A_127] : memref<10240x64xf32, #tpu.memory_space<hbm>> -> memref<10240x64xf32, #tpu.memory_space<hbm>>
      tpu.enqueue_indirect_dma source(%dma_start3A_128 : memref<10240x64xf32, #tpu.memory_space<hbm>>) target(%arg10 : memref<256x64xf32, #tpu.memory_space<vmem>>) offsets(%dma_start3A_125 : memref<256xi32, #tpu.memory_space<vmem>>) semaphore(%arg14 : memref<!tpu.dma_semaphore, #tpu.memory_space<semaphore_mem>>)
      %mul3A_129 = arith.constant 4 : i32
      %mul3A_130 = arith.muli %scan3A_74, %mul3A_129 : i32
      %add3A_131 = arith.constant 3 : i32
      %add3A_132 = arith.addi %mul3A_130, %add3A_131 : i32
      %dma_wait3A_133 = arith.constant 0 : i32
      %dma_wait3A_134 = tpu.memref_slice %arg6[%add3A_132, %dma_wait3A_133] : memref<40x256xi32, #tpu.memory_space<vmem>> -> memref<1x256xi32, #tpu.memory_space<vmem>>
      %dma_wait3A_135 = tpu.memref_squeeze %dma_wait3A_134 : memref<1x256xi32, #tpu.memory_space<vmem>> -> memref<256xi32, #tpu.memory_space<vmem>>
      %dma_wait3A_136 = arith.constant 0 : i32
      %dma_wait3A_137 = arith.constant 0 : i32
      %dma_wait3A_138 = tpu.memref_slice %arg2[%dma_wait3A_136, %dma_wait3A_137] : memref<10240x64xf32, #tpu.memory_space<hbm>> -> memref<10240x64xf32, #tpu.memory_space<hbm>>
      tpu.wait_indirect_dma semaphore(%arg15 : memref<!tpu.dma_semaphore, #tpu.memory_space<semaphore_mem>>) src(%dma_wait3A_138 : memref<10240x64xf32, #tpu.memory_space<hbm>>) dst(%arg11 : memref<256x64xf32, #tpu.memory_space<vmem>>)
      "tpu.region"() ({
        %run_scoped3A_147 = tpu.sem_alloc : memref<!tpu.dma_semaphore, #tpu.memory_space<semaphore_mem>>
        %dma_start3A_148 = arith.constant 0 : i32
        %dma_start3A_149 = tpu.memref_slice %arg7[%add3A_132, %dma_start3A_148] : memref<40x256xi32, #tpu.memory_space<vmem>> -> memref<1x256xi32, #tpu.memory_space<vmem>>
        %dma_start3A_150 = tpu.memref_squeeze %dma_start3A_149 : memref<1x256xi32, #tpu.memory_space<vmem>> -> memref<256xi32, #tpu.memory_space<vmem>>
        %dma_start3A_151 = arith.constant 0 : i32
        %dma_start3A_152 = arith.constant 0 : i32
        %dma_start3A_153 = tpu.memref_slice %arg5[%dma_start3A_151, %dma_start3A_152] : memref<10240x64xf32, #tpu.memory_space<vmem_shared>> -> memref<10240x64xf32, #tpu.memory_space<vmem_shared>>
        tpu.enqueue_indirect_dma source(%arg11 : memref<256x64xf32, #tpu.memory_space<vmem>>) target(%dma_start3A_153 : memref<10240x64xf32, #tpu.memory_space<vmem_shared>>) offsets(%dma_start3A_150 : memref<256xi32, #tpu.memory_space<vmem>>) semaphore(%run_scoped3A_147 : memref<!tpu.dma_semaphore, #tpu.memory_space<semaphore_mem>>) {add = true}
        %dma_wait3A_154 = arith.constant 0 : i32
        %dma_wait3A_155 = tpu.memref_slice %arg7[%add3A_132, %dma_wait3A_154] : memref<40x256xi32, #tpu.memory_space<vmem>> -> memref<1x256xi32, #tpu.memory_space<vmem>>
        %dma_wait3A_156 = tpu.memref_squeeze %dma_wait3A_155 : memref<1x256xi32, #tpu.memory_space<vmem>> -> memref<256xi32, #tpu.memory_space<vmem>>
        %dma_wait3A_157 = arith.constant 0 : i32
        %dma_wait3A_158 = arith.constant 0 : i32
        %dma_wait3A_159 = tpu.memref_slice %arg5[%dma_wait3A_157, %dma_wait3A_158] : memref<10240x64xf32, #tpu.memory_space<vmem_shared>> -> memref<10240x64xf32, #tpu.memory_space<vmem_shared>>
        tpu.wait_indirect_dma semaphore(%run_scoped3A_147 : memref<!tpu.dma_semaphore, #tpu.memory_space<semaphore_mem>>) src(%arg11 : memref<256x64xf32, #tpu.memory_space<vmem>>) dst(%dma_wait3A_159 : memref<10240x64xf32, #tpu.memory_space<vmem_shared>>)
        tpu.yield
      }) : () -> ()
      %add3A_139 = arith.constant 4 : i32
      %add3A_140 = arith.addi %add3A_132, %add3A_139 : i32
      %dma_start3A_141 = arith.constant 0 : i32
      %dma_start3A_142 = tpu.memref_slice %arg6[%add3A_140, %dma_start3A_141] : memref<40x256xi32, #tpu.memory_space<vmem>> -> memref<1x256xi32, #tpu.memory_space<vmem>>
      %dma_start3A_143 = tpu.memref_squeeze %dma_start3A_142 : memref<1x256xi32, #tpu.memory_space<vmem>> -> memref<256xi32, #tpu.memory_space<vmem>>
      %dma_start3A_144 = arith.constant 0 : i32
      %dma_start3A_145 = arith.constant 0 : i32
      %dma_start3A_146 = tpu.memref_slice %arg2[%dma_start3A_144, %dma_start3A_145] : memref<10240x64xf32, #tpu.memory_space<hbm>> -> memref<10240x64xf32, #tpu.memory_space<hbm>>
      tpu.enqueue_indirect_dma source(%dma_start3A_146 : memref<10240x64xf32, #tpu.memory_space<hbm>>) target(%arg11 : memref<256x64xf32, #tpu.memory_space<vmem>>) offsets(%dma_start3A_143 : memref<256xi32, #tpu.memory_space<vmem>>) semaphore(%arg15 : memref<!tpu.dma_semaphore, #tpu.memory_space<semaphore_mem>>)
    }
    %scan3A_37 = arith.constant 9 : i32
    %dma_wait3A = arith.constant 36 : i32
    %dma_wait3A_38 = arith.constant 0 : i32
    %dma_wait3A_39 = tpu.memref_slice %arg6[%dma_wait3A, %dma_wait3A_38] : memref<40x256xi32, #tpu.memory_space<vmem>> -> memref<1x256xi32, #tpu.memory_space<vmem>>
    %dma_wait3A_40 = tpu.memref_squeeze %dma_wait3A_39 : memref<1x256xi32, #tpu.memory_space<vmem>> -> memref<256xi32, #tpu.memory_space<vmem>>
    %dma_wait3A_41 = arith.constant 0 : i32
    %dma_wait3A_42 = arith.constant 0 : i32
    %dma_wait3A_43 = tpu.memref_slice %arg2[%dma_wait3A_41, %dma_wait3A_42] : memref<10240x64xf32, #tpu.memory_space<hbm>> -> memref<10240x64xf32, #tpu.memory_space<hbm>>
    tpu.wait_indirect_dma semaphore(%arg12 : memref<!tpu.dma_semaphore, #tpu.memory_space<semaphore_mem>>) src(%dma_wait3A_43 : memref<10240x64xf32, #tpu.memory_space<hbm>>) dst(%arg8 : memref<256x64xf32, #tpu.memory_space<vmem>>)
    %run_scoped3A_44 = arith.constant 36 : i32
    "tpu.region"() ({
      %run_scoped3A_74 = tpu.sem_alloc : memref<!tpu.dma_semaphore, #tpu.memory_space<semaphore_mem>>
      %dma_start3A_75 = arith.constant 0 : i32
      %dma_start3A_76 = tpu.memref_slice %arg7[%run_scoped3A_44, %dma_start3A_75] : memref<40x256xi32, #tpu.memory_space<vmem>> -> memref<1x256xi32, #tpu.memory_space<vmem>>
      %dma_start3A_77 = tpu.memref_squeeze %dma_start3A_76 : memref<1x256xi32, #tpu.memory_space<vmem>> -> memref<256xi32, #tpu.memory_space<vmem>>
      %dma_start3A_78 = arith.constant 0 : i32
      %dma_start3A_79 = arith.constant 0 : i32
      %dma_start3A_80 = tpu.memref_slice %arg5[%dma_start3A_78, %dma_start3A_79] : memref<10240x64xf32, #tpu.memory_space<vmem_shared>> -> memref<10240x64xf32, #tpu.memory_space<vmem_shared>>
      tpu.enqueue_indirect_dma source(%arg8 : memref<256x64xf32, #tpu.memory_space<vmem>>) target(%dma_start3A_80 : memref<10240x64xf32, #tpu.memory_space<vmem_shared>>) offsets(%dma_start3A_77 : memref<256xi32, #tpu.memory_space<vmem>>) semaphore(%run_scoped3A_74 : memref<!tpu.dma_semaphore, #tpu.memory_space<semaphore_mem>>) {add = true}
      %dma_wait3A_81 = arith.constant 0 : i32
      %dma_wait3A_82 = tpu.memref_slice %arg7[%run_scoped3A_44, %dma_wait3A_81] : memref<40x256xi32, #tpu.memory_space<vmem>> -> memref<1x256xi32, #tpu.memory_space<vmem>>
      %dma_wait3A_83 = tpu.memref_squeeze %dma_wait3A_82 : memref<1x256xi32, #tpu.memory_space<vmem>> -> memref<256xi32, #tpu.memory_space<vmem>>
      %dma_wait3A_84 = arith.constant 0 : i32
      %dma_wait3A_85 = arith.constant 0 : i32
      %dma_wait3A_86 = tpu.memref_slice %arg5[%dma_wait3A_84, %dma_wait3A_85] : memref<10240x64xf32, #tpu.memory_space<vmem_shared>> -> memref<10240x64xf32, #tpu.memory_space<vmem_shared>>
      tpu.wait_indirect_dma semaphore(%run_scoped3A_74 : memref<!tpu.dma_semaphore, #tpu.memory_space<semaphore_mem>>) src(%arg8 : memref<256x64xf32, #tpu.memory_space<vmem>>) dst(%dma_wait3A_86 : memref<10240x64xf32, #tpu.memory_space<vmem_shared>>)
      tpu.yield
    }) : () -> ()
    %dma_wait3A_45 = arith.constant 37 : i32
    %dma_wait3A_46 = arith.constant 0 : i32
    %dma_wait3A_47 = tpu.memref_slice %arg6[%dma_wait3A_45, %dma_wait3A_46] : memref<40x256xi32, #tpu.memory_space<vmem>> -> memref<1x256xi32, #tpu.memory_space<vmem>>
    %dma_wait3A_48 = tpu.memref_squeeze %dma_wait3A_47 : memref<1x256xi32, #tpu.memory_space<vmem>> -> memref<256xi32, #tpu.memory_space<vmem>>
    %dma_wait3A_49 = arith.constant 0 : i32
    %dma_wait3A_50 = arith.constant 0 : i32
    %dma_wait3A_51 = tpu.memref_slice %arg2[%dma_wait3A_49, %dma_wait3A_50] : memref<10240x64xf32, #tpu.memory_space<hbm>> -> memref<10240x64xf32, #tpu.memory_space<hbm>>
    tpu.wait_indirect_dma semaphore(%arg13 : memref<!tpu.dma_semaphore, #tpu.memory_space<semaphore_mem>>) src(%dma_wait3A_51 : memref<10240x64xf32, #tpu.memory_space<hbm>>) dst(%arg9 : memref<256x64xf32, #tpu.memory_space<vmem>>)
    %run_scoped3A_52 = arith.constant 37 : i32
    "tpu.region"() ({
      %run_scoped3A_74 = tpu.sem_alloc : memref<!tpu.dma_semaphore, #tpu.memory_space<semaphore_mem>>
      %dma_start3A_75 = arith.constant 0 : i32
      %dma_start3A_76 = tpu.memref_slice %arg7[%run_scoped3A_52, %dma_start3A_75] : memref<40x256xi32, #tpu.memory_space<vmem>> -> memref<1x256xi32, #tpu.memory_space<vmem>>
      %dma_start3A_77 = tpu.memref_squeeze %dma_start3A_76 : memref<1x256xi32, #tpu.memory_space<vmem>> -> memref<256xi32, #tpu.memory_space<vmem>>
      %dma_start3A_78 = arith.constant 0 : i32
      %dma_start3A_79 = arith.constant 0 : i32
      %dma_start3A_80 = tpu.memref_slice %arg5[%dma_start3A_78, %dma_start3A_79] : memref<10240x64xf32, #tpu.memory_space<vmem_shared>> -> memref<10240x64xf32, #tpu.memory_space<vmem_shared>>
      tpu.enqueue_indirect_dma source(%arg9 : memref<256x64xf32, #tpu.memory_space<vmem>>) target(%dma_start3A_80 : memref<10240x64xf32, #tpu.memory_space<vmem_shared>>) offsets(%dma_start3A_77 : memref<256xi32, #tpu.memory_space<vmem>>) semaphore(%run_scoped3A_74 : memref<!tpu.dma_semaphore, #tpu.memory_space<semaphore_mem>>) {add = true}
      %dma_wait3A_81 = arith.constant 0 : i32
      %dma_wait3A_82 = tpu.memref_slice %arg7[%run_scoped3A_52, %dma_wait3A_81] : memref<40x256xi32, #tpu.memory_space<vmem>> -> memref<1x256xi32, #tpu.memory_space<vmem>>
      %dma_wait3A_83 = tpu.memref_squeeze %dma_wait3A_82 : memref<1x256xi32, #tpu.memory_space<vmem>> -> memref<256xi32, #tpu.memory_space<vmem>>
      %dma_wait3A_84 = arith.constant 0 : i32
      %dma_wait3A_85 = arith.constant 0 : i32
      %dma_wait3A_86 = tpu.memref_slice %arg5[%dma_wait3A_84, %dma_wait3A_85] : memref<10240x64xf32, #tpu.memory_space<vmem_shared>> -> memref<10240x64xf32, #tpu.memory_space<vmem_shared>>
      tpu.wait_indirect_dma semaphore(%run_scoped3A_74 : memref<!tpu.dma_semaphore, #tpu.memory_space<semaphore_mem>>) src(%arg9 : memref<256x64xf32, #tpu.memory_space<vmem>>) dst(%dma_wait3A_86 : memref<10240x64xf32, #tpu.memory_space<vmem_shared>>)
      tpu.yield
    }) : () -> ()
    %dma_wait3A_53 = arith.constant 38 : i32
    %dma_wait3A_54 = arith.constant 0 : i32
    %dma_wait3A_55 = tpu.memref_slice %arg6[%dma_wait3A_53, %dma_wait3A_54] : memref<40x256xi32, #tpu.memory_space<vmem>> -> memref<1x256xi32, #tpu.memory_space<vmem>>
    %dma_wait3A_56 = tpu.memref_squeeze %dma_wait3A_55 : memref<1x256xi32, #tpu.memory_space<vmem>> -> memref<256xi32, #tpu.memory_space<vmem>>
    %dma_wait3A_57 = arith.constant 0 : i32
    %dma_wait3A_58 = arith.constant 0 : i32
    %dma_wait3A_59 = tpu.memref_slice %arg2[%dma_wait3A_57, %dma_wait3A_58] : memref<10240x64xf32, #tpu.memory_space<hbm>> -> memref<10240x64xf32, #tpu.memory_space<hbm>>
    tpu.wait_indirect_dma semaphore(%arg14 : memref<!tpu.dma_semaphore, #tpu.memory_space<semaphore_mem>>) src(%dma_wait3A_59 : memref<10240x64xf32, #tpu.memory_space<hbm>>) dst(%arg10 : memref<256x64xf32, #tpu.memory_space<vmem>>)
    %run_scoped3A_60 = arith.constant 38 : i32
    "tpu.region"() ({
      %run_scoped3A_74 = tpu.sem_alloc : memref<!tpu.dma_semaphore, #tpu.memory_space<semaphore_mem>>
      %dma_start3A_75 = arith.constant 0 : i32
      %dma_start3A_76 = tpu.memref_slice %arg7[%run_scoped3A_60, %dma_start3A_75] : memref<40x256xi32, #tpu.memory_space<vmem>> -> memref<1x256xi32, #tpu.memory_space<vmem>>
      %dma_start3A_77 = tpu.memref_squeeze %dma_start3A_76 : memref<1x256xi32, #tpu.memory_space<vmem>> -> memref<256xi32, #tpu.memory_space<vmem>>
      %dma_start3A_78 = arith.constant 0 : i32
      %dma_start3A_79 = arith.constant 0 : i32
      %dma_start3A_80 = tpu.memref_slice %arg5[%dma_start3A_78, %dma_start3A_79] : memref<10240x64xf32, #tpu.memory_space<vmem_shared>> -> memref<10240x64xf32, #tpu.memory_space<vmem_shared>>
      tpu.enqueue_indirect_dma source(%arg10 : memref<256x64xf32, #tpu.memory_space<vmem>>) target(%dma_start3A_80 : memref<10240x64xf32, #tpu.memory_space<vmem_shared>>) offsets(%dma_start3A_77 : memref<256xi32, #tpu.memory_space<vmem>>) semaphore(%run_scoped3A_74 : memref<!tpu.dma_semaphore, #tpu.memory_space<semaphore_mem>>) {add = true}
      %dma_wait3A_81 = arith.constant 0 : i32
      %dma_wait3A_82 = tpu.memref_slice %arg7[%run_scoped3A_60, %dma_wait3A_81] : memref<40x256xi32, #tpu.memory_space<vmem>> -> memref<1x256xi32, #tpu.memory_space<vmem>>
      %dma_wait3A_83 = tpu.memref_squeeze %dma_wait3A_82 : memref<1x256xi32, #tpu.memory_space<vmem>> -> memref<256xi32, #tpu.memory_space<vmem>>
      %dma_wait3A_84 = arith.constant 0 : i32
      %dma_wait3A_85 = arith.constant 0 : i32
      %dma_wait3A_86 = tpu.memref_slice %arg5[%dma_wait3A_84, %dma_wait3A_85] : memref<10240x64xf32, #tpu.memory_space<vmem_shared>> -> memref<10240x64xf32, #tpu.memory_space<vmem_shared>>
      tpu.wait_indirect_dma semaphore(%run_scoped3A_74 : memref<!tpu.dma_semaphore, #tpu.memory_space<semaphore_mem>>) src(%arg10 : memref<256x64xf32, #tpu.memory_space<vmem>>) dst(%dma_wait3A_86 : memref<10240x64xf32, #tpu.memory_space<vmem_shared>>)
      tpu.yield
    }) : () -> ()
    %dma_wait3A_61 = arith.constant 39 : i32
    %dma_wait3A_62 = arith.constant 0 : i32
    %dma_wait3A_63 = tpu.memref_slice %arg6[%dma_wait3A_61, %dma_wait3A_62] : memref<40x256xi32, #tpu.memory_space<vmem>> -> memref<1x256xi32, #tpu.memory_space<vmem>>
    %dma_wait3A_64 = tpu.memref_squeeze %dma_wait3A_63 : memref<1x256xi32, #tpu.memory_space<vmem>> -> memref<256xi32, #tpu.memory_space<vmem>>
    %dma_wait3A_65 = arith.constant 0 : i32
    %dma_wait3A_66 = arith.constant 0 : i32
    %dma_wait3A_67 = tpu.memref_slice %arg2[%dma_wait3A_65, %dma_wait3A_66] : memref<10240x64xf32, #tpu.memory_space<hbm>> -> memref<10240x64xf32, #tpu.memory_space<hbm>>
    tpu.wait_indirect_dma semaphore(%arg15 : memref<!tpu.dma_semaphore, #tpu.memory_space<semaphore_mem>>) src(%dma_wait3A_67 : memref<10240x64xf32, #tpu.memory_space<hbm>>) dst(%arg11 : memref<256x64xf32, #tpu.memory_space<vmem>>)
    %run_scoped3A_68 = arith.constant 39 : i32
    "tpu.region"() ({
      %run_scoped3A_74 = tpu.sem_alloc : memref<!tpu.dma_semaphore, #tpu.memory_space<semaphore_mem>>
      %dma_start3A_75 = arith.constant 0 : i32
      %dma_start3A_76 = tpu.memref_slice %arg7[%run_scoped3A_68, %dma_start3A_75] : memref<40x256xi32, #tpu.memory_space<vmem>> -> memref<1x256xi32, #tpu.memory_space<vmem>>
      %dma_start3A_77 = tpu.memref_squeeze %dma_start3A_76 : memref<1x256xi32, #tpu.memory_space<vmem>> -> memref<256xi32, #tpu.memory_space<vmem>>
      %dma_start3A_78 = arith.constant 0 : i32
      %dma_start3A_79 = arith.constant 0 : i32
      %dma_start3A_80 = tpu.memref_slice %arg5[%dma_start3A_78, %dma_start3A_79] : memref<10240x64xf32, #tpu.memory_space<vmem_shared>> -> memref<10240x64xf32, #tpu.memory_space<vmem_shared>>
      tpu.enqueue_indirect_dma source(%arg11 : memref<256x64xf32, #tpu.memory_space<vmem>>) target(%dma_start3A_80 : memref<10240x64xf32, #tpu.memory_space<vmem_shared>>) offsets(%dma_start3A_77 : memref<256xi32, #tpu.memory_space<vmem>>) semaphore(%run_scoped3A_74 : memref<!tpu.dma_semaphore, #tpu.memory_space<semaphore_mem>>) {add = true}
      %dma_wait3A_81 = arith.constant 0 : i32
      %dma_wait3A_82 = tpu.memref_slice %arg7[%run_scoped3A_68, %dma_wait3A_81] : memref<40x256xi32, #tpu.memory_space<vmem>> -> memref<1x256xi32, #tpu.memory_space<vmem>>
      %dma_wait3A_83 = tpu.memref_squeeze %dma_wait3A_82 : memref<1x256xi32, #tpu.memory_space<vmem>> -> memref<256xi32, #tpu.memory_space<vmem>>
      %dma_wait3A_84 = arith.constant 0 : i32
      %dma_wait3A_85 = arith.constant 0 : i32
      %dma_wait3A_86 = tpu.memref_slice %arg5[%dma_wait3A_84, %dma_wait3A_85] : memref<10240x64xf32, #tpu.memory_space<vmem_shared>> -> memref<10240x64xf32, #tpu.memory_space<vmem_shared>>
      tpu.wait_indirect_dma semaphore(%run_scoped3A_74 : memref<!tpu.dma_semaphore, #tpu.memory_space<semaphore_mem>>) src(%arg11 : memref<256x64xf32, #tpu.memory_space<vmem>>) dst(%dma_wait3A_86 : memref<10240x64xf32, #tpu.memory_space<vmem_shared>>)
      tpu.yield
    }) : () -> ()
    %barrier3A_69 = arith.constant 0 : index
    tpu.barrier barrier_id(%barrier3A_69)
    %mul3A_70 = arith.constant 640 : i32
    %mul3A_71 = arith.muli %arg1, %mul3A_70 : i32
    %mul3A_72 = arith.constant 640 : i32
    %mul3A_73 = arith.muli %arg1, %mul3A_72 : i32
    "tpu.region"() ({
      %run_scoped3A_74 = tpu.sem_alloc : memref<!tpu.dma_semaphore, #tpu.memory_space<semaphore_mem>>
      %dma_start3A_75 = arith.constant 0 : i32
      %dma_start3A_76 = tpu.memref_slice %arg4[%arg0, %mul3A_73, %dma_start3A_75] : memref<2x10240x64xf32, #tpu.memory_space<hbm>> -> memref<1x640x64xf32, #tpu.memory_space<hbm>>
      %dma_start3A_77 = tpu.memref_squeeze %dma_start3A_76 : memref<1x640x64xf32, #tpu.memory_space<hbm>> -> memref<640x64xf32, #tpu.memory_space<hbm>>
      %dma_start3A_78 = arith.constant 0 : i32
      %dma_start3A_79 = tpu.memref_slice %arg5[%mul3A_71, %dma_start3A_78] : memref<10240x64xf32, #tpu.memory_space<vmem_shared>> -> memref<640x64xf32, #tpu.memory_space<vmem_shared>>
      tpu.enqueue_dma source(%dma_start3A_79 : memref<640x64xf32, #tpu.memory_space<vmem_shared>>) target(%dma_start3A_77 : memref<640x64xf32, #tpu.memory_space<hbm>>) target_semaphore(%run_scoped3A_74 : memref<!tpu.dma_semaphore, #tpu.memory_space<semaphore_mem>>)
      %dma_wait3A_80 = arith.constant 0 : i32
      %dma_wait3A_81 = tpu.memref_slice %arg4[%arg0, %mul3A_73, %dma_wait3A_80] : memref<2x10240x64xf32, #tpu.memory_space<hbm>> -> memref<1x640x64xf32, #tpu.memory_space<hbm>>
      %dma_wait3A_82 = tpu.memref_squeeze %dma_wait3A_81 : memref<1x640x64xf32, #tpu.memory_space<hbm>> -> memref<640x64xf32, #tpu.memory_space<hbm>>
      %dma_wait3A_83 = arith.constant 0 : i32
      %dma_wait3A_84 = tpu.memref_slice %arg5[%mul3A_71, %dma_wait3A_83] : memref<10240x64xf32, #tpu.memory_space<vmem_shared>> -> memref<640x64xf32, #tpu.memory_space<vmem_shared>>
      tpu.wait_dma2 semaphore(%run_scoped3A_74 : memref<!tpu.dma_semaphore, #tpu.memory_space<semaphore_mem>>) src(%dma_wait3A_84 : memref<640x64xf32, #tpu.memory_space<vmem_shared>>) dst(%dma_wait3A_82 : memref<640x64xf32, #tpu.memory_space<hbm>>)
      tpu.yield
    }) : () -> ()
    return
  }
}

module attributes {stable_mosaic.version = 14 : i64} {
  func.func @_tc_scale_body(%arg0: memref<10000x128xf32, #tpu.memory_space<vmem>>, %arg1: memref<128x64xf32, #tpu.memory_space<vmem>>, %arg2: memref<20480xf32, #tpu.memory_space<vmem>>, %arg3: memref<10240x64xf32, #tpu.memory_space<vmem>>) attributes {dimension_semantics = [], scalar_prefetch = 0 : i64, scratch_operands = 0 : i64, tpu.core_type = #tpu.core_type<tc>} {
    %get3A = arith.constant 0 : index
    %get3A_0 = vector.load %arg2[%get3A] : memref<20480xf32, #tpu.memory_space<vmem>>, vector<10240xf32>
    %get3A_1 = arith.constant 10240 : index
    %get3A_2 = vector.load %arg2[%get3A_1] : memref<20480xf32, #tpu.memory_space<vmem>>, vector<10240xf32>
    %add3A = arith.addf %get3A_0, %get3A_2 : vector<10240xf32>
    %add3A_3 = arith.constant 1.000000e+00 : f32
    %add3A_4 = vector.broadcast %add3A_3 : f32 to vector<10240xf32>
    %add3A_5 = arith.addf %add3A, %add3A_4 : vector<10240xf32>
    %rsqrt3A = math.rsqrt %add3A_5 : vector<10240xf32>
    %slice3A = vector.extract_strided_slice %rsqrt3A {offsets = [0], sizes = [10000], strides = [1]} : vector<10240xf32> to vector<10000xf32>
    %broadcast_in_dim3A = vector.shape_cast %slice3A : vector<10000xf32> to vector<10000x1xf32>
    %get3A_6 = arith.constant 0 : index
    %get3A_7 = arith.constant 0 : index
    %get3A_8 = vector.load %arg0[%get3A_6, %get3A_7] : memref<10000x128xf32, #tpu.memory_space<vmem>>, vector<10000x128xf32>
    %get3A_9 = arith.constant 0 : index
    %get3A_10 = arith.constant 0 : index
    %get3A_11 = vector.load %arg1[%get3A_9, %get3A_10] : memref<128x64xf32, #tpu.memory_space<vmem>>, vector<128x64xf32>
    %dot_general3A = arith.constant dense<0.000000e+00> : vector<10000x64xf32>
    %dot_general3A_12 = tpu.matmul %get3A_8, %get3A_11, %dot_general3A {dimension_numbers = #tpu.dot_dimension_numbers<[1], [0], [0], [1], [0, 0, 1, 1], [], []>, transpose_lhs_hint = false} : vector<10000x128xf32>, vector<128x64xf32>, vector<10000x64xf32> -> vector<10000x64xf32>
    %mul3A = vector.broadcast %broadcast_in_dim3A : vector<10000x1xf32> to vector<10000x64xf32>
    %mul3A_13 = arith.mulf %mul3A, %dot_general3A_12 : vector<10000x64xf32>
    %swap3A = arith.constant 0 : index
    %swap3A_14 = arith.constant 0 : index
    %swap3A_15 = vector.load %arg3[%swap3A, %swap3A_14] : memref<10240x64xf32, #tpu.memory_space<vmem>>, vector<10000x64xf32>
    tpu.vector_store %arg3[%swap3A, %swap3A_14], %mul3A_13 {strides = array<i32>} : memref<10240x64xf32, #tpu.memory_space<vmem>>, vector<10000x64xf32>,
    %broadcast_in_dim3A_16 = arith.constant 0.000000e+00 : f32
    %broadcast_in_dim3A_17 = vector.broadcast %broadcast_in_dim3A_16 : f32 to vector<240x64xf32>
    %swap3A_18 = arith.constant 10000 : index
    %swap3A_19 = arith.constant 0 : index
    %swap3A_20 = vector.load %arg3[%swap3A_18, %swap3A_19] : memref<10240x64xf32, #tpu.memory_space<vmem>>, vector<240x64xf32>
    tpu.vector_store %arg3[%swap3A_18, %swap3A_19], %broadcast_in_dim3A_17 {strides = array<i32>} : memref<10240x64xf32, #tpu.memory_space<vmem>>, vector<240x64xf32>,
    return
  }
}

module attributes {stable_mosaic.version = 14 : i64} {
  func.func @_tc_comb_body(%arg0: memref<2x10240x64xf32, #tpu.memory_space<vmem>>, %arg1: memref<10240x64xf32, #tpu.memory_space<vmem>>, %arg2: memref<20480xf32, #tpu.memory_space<vmem>>, %arg3: memref<64xf32, #tpu.memory_space<vmem>>, %arg4: memref<64x64xf32, #tpu.memory_space<vmem>>, %arg5: memref<10240x64xf32, #tpu.memory_space<vmem>>) attributes {dimension_semantics = [], scalar_prefetch = 0 : i64, scratch_operands = 0 : i64, tpu.core_type = #tpu.core_type<tc>} {
    %get3A = arith.constant 0 : index
    %get3A_0 = vector.load %arg2[%get3A] : memref<20480xf32, #tpu.memory_space<vmem>>, vector<10240xf32>
    %get3A_1 = arith.constant 10240 : index
    %get3A_2 = vector.load %arg2[%get3A_1] : memref<20480xf32, #tpu.memory_space<vmem>>, vector<10240xf32>
    %add3A = arith.addf %get3A_0, %get3A_2 : vector<10240xf32>
    %add3A_3 = arith.constant 1.000000e+00 : f32
    %add3A_4 = vector.broadcast %add3A_3 : f32 to vector<10240xf32>
    %add3A_5 = arith.addf %add3A, %add3A_4 : vector<10240xf32>
    %rsqrt3A = math.rsqrt %add3A_5 : vector<10240xf32>
    %slice3A = vector.extract_strided_slice %rsqrt3A {offsets = [0], sizes = [10000], strides = [1]} : vector<10240xf32> to vector<10000xf32>
    %broadcast_in_dim3A = vector.shape_cast %slice3A : vector<10000xf32> to vector<10000x1xf32>
    %get3A_6 = arith.constant 0 : index
    %get3A_7 = arith.constant 0 : index
    %get3A_8 = arith.constant 0 : index
    %get3A_9 = vector.load %arg0[%get3A_6, %get3A_7, %get3A_8] : memref<2x10240x64xf32, #tpu.memory_space<vmem>>, vector<1x10000x64xf32>
    %get3A_10 = vector.shape_cast %get3A_9 : vector<1x10000x64xf32> to vector<10000x64xf32>
    %get3A_11 = arith.constant 1 : index
    %get3A_12 = arith.constant 0 : index
    %get3A_13 = arith.constant 0 : index
    %get3A_14 = vector.load %arg0[%get3A_11, %get3A_12, %get3A_13] : memref<2x10240x64xf32, #tpu.memory_space<vmem>>, vector<1x10000x64xf32>
    %get3A_15 = vector.shape_cast %get3A_14 : vector<1x10000x64xf32> to vector<10000x64xf32>
    %add3A_16 = arith.addf %get3A_10, %get3A_15 : vector<10000x64xf32>
    %get3A_17 = arith.constant 0 : index
    %get3A_18 = arith.constant 0 : index
    %get3A_19 = vector.load %arg1[%get3A_17, %get3A_18] : memref<10240x64xf32, #tpu.memory_space<vmem>>, vector<10000x64xf32>
    %sub3A = arith.subf %add3A_16, %get3A_19 : vector<10000x64xf32>
    %get3A_20 = arith.constant 0 : index
    %get3A_21 = vector.load %arg3[%get3A_20] : memref<64xf32, #tpu.memory_space<vmem>>, vector<64xf32>
    %mul3A = vector.broadcast %broadcast_in_dim3A : vector<10000x1xf32> to vector<10000x64xf32>
    %mul3A_22 = arith.mulf %mul3A, %sub3A : vector<10000x64xf32>
    %broadcast_in_dim3A_23 = vector.shape_cast %get3A_21 : vector<64xf32> to vector<1x64xf32>
    %add3A_24 = vector.broadcast %broadcast_in_dim3A_23 : vector<1x64xf32> to vector<10000x64xf32>
    %add3A_25 = arith.addf %add3A_24, %mul3A_22 : vector<10000x64xf32>
    %max3A = arith.constant 0.000000e+00 : f32
    %max3A_26 = vector.broadcast %max3A : f32 to vector<10000x64xf32>
    %max3A_27 = arith.maximumf %add3A_25, %max3A_26 : vector<10000x64xf32>
    %get3A_28 = arith.constant 0 : index
    %get3A_29 = arith.constant 0 : index
    %get3A_30 = vector.load %arg4[%get3A_28, %get3A_29] : memref<64x64xf32, #tpu.memory_space<vmem>>, vector<64x64xf32>
    %dot_general3A = arith.constant dense<0.000000e+00> : vector<10000x64xf32>
    %dot_general3A_31 = tpu.matmul %max3A_27, %get3A_30, %dot_general3A {dimension_numbers = #tpu.dot_dimension_numbers<[1], [0], [0], [1], [0, 0, 1, 1], [], []>, transpose_lhs_hint = false} : vector<10000x64xf32>, vector<64x64xf32>, vector<10000x64xf32> -> vector<10000x64xf32>
    %mul3A_32 = vector.broadcast %broadcast_in_dim3A : vector<10000x1xf32> to vector<10000x64xf32>
    %mul3A_33 = arith.mulf %mul3A_32, %dot_general3A_31 : vector<10000x64xf32>
    %swap3A = arith.constant 0 : index
    %swap3A_34 = arith.constant 0 : index
    %swap3A_35 = vector.load %arg5[%swap3A, %swap3A_34] : memref<10240x64xf32, #tpu.memory_space<vmem>>, vector<10000x64xf32>
    tpu.vector_store %arg5[%swap3A, %swap3A_34], %mul3A_33 {strides = array<i32>} : memref<10240x64xf32, #tpu.memory_space<vmem>>, vector<10000x64xf32>,
    %broadcast_in_dim3A_36 = arith.constant 0.000000e+00 : f32
    %broadcast_in_dim3A_37 = vector.broadcast %broadcast_in_dim3A_36 : f32 to vector<240x64xf32>
    %swap3A_38 = arith.constant 10000 : index
    %swap3A_39 = arith.constant 0 : index
    %swap3A_40 = vector.load %arg5[%swap3A_38, %swap3A_39] : memref<10240x64xf32, #tpu.memory_space<vmem>>, vector<240x64xf32>
    tpu.vector_store %arg5[%swap3A_38, %swap3A_39], %broadcast_in_dim3A_37 {strides = array<i32>} : memref<10240x64xf32, #tpu.memory_space<vmem>>, vector<240x64xf32>,
    return
  }
}

module attributes {stable_mosaic.version = 14 : i64} {
  func.func @_tc_final_body(%arg0: memref<2x10240x64xf32, #tpu.memory_space<vmem>>, %arg1: memref<10240x64xf32, #tpu.memory_space<vmem>>, %arg2: memref<20480xf32, #tpu.memory_space<vmem>>, %arg3: memref<64xf32, #tpu.memory_space<vmem>>, %arg4: memref<64x64xf32, #tpu.memory_space<vmem>>, %arg5: memref<64xf32, #tpu.memory_space<vmem>>, %arg6: memref<64x2xf32, #tpu.memory_space<vmem>>, %arg7: memref<2xf32, #tpu.memory_space<vmem>>, %arg8: memref<10000x2xf32, #tpu.memory_space<vmem>>) attributes {dimension_semantics = [], scalar_prefetch = 0 : i64, scratch_operands = 0 : i64, tpu.core_type = #tpu.core_type<tc>} {
    %get3A = arith.constant 0 : index
    %get3A_0 = vector.load %arg2[%get3A] : memref<20480xf32, #tpu.memory_space<vmem>>, vector<10240xf32>
    %get3A_1 = arith.constant 10240 : index
    %get3A_2 = vector.load %arg2[%get3A_1] : memref<20480xf32, #tpu.memory_space<vmem>>, vector<10240xf32>
    %add3A = arith.addf %get3A_0, %get3A_2 : vector<10240xf32>
    %add3A_3 = arith.constant 1.000000e+00 : f32
    %add3A_4 = vector.broadcast %add3A_3 : f32 to vector<10240xf32>
    %add3A_5 = arith.addf %add3A, %add3A_4 : vector<10240xf32>
    %rsqrt3A = math.rsqrt %add3A_5 : vector<10240xf32>
    %slice3A = vector.extract_strided_slice %rsqrt3A {offsets = [0], sizes = [10000], strides = [1]} : vector<10240xf32> to vector<10000xf32>
    %broadcast_in_dim3A = vector.shape_cast %slice3A : vector<10000xf32> to vector<10000x1xf32>
    %get3A_6 = arith.constant 0 : index
    %get3A_7 = arith.constant 0 : index
    %get3A_8 = arith.constant 0 : index
    %get3A_9 = vector.load %arg0[%get3A_6, %get3A_7, %get3A_8] : memref<2x10240x64xf32, #tpu.memory_space<vmem>>, vector<1x10000x64xf32>
    %get3A_10 = vector.shape_cast %get3A_9 : vector<1x10000x64xf32> to vector<10000x64xf32>
    %get3A_11 = arith.constant 1 : index
    %get3A_12 = arith.constant 0 : index
    %get3A_13 = arith.constant 0 : index
    %get3A_14 = vector.load %arg0[%get3A_11, %get3A_12, %get3A_13] : memref<2x10240x64xf32, #tpu.memory_space<vmem>>, vector<1x10000x64xf32>
    %get3A_15 = vector.shape_cast %get3A_14 : vector<1x10000x64xf32> to vector<10000x64xf32>
    %add3A_16 = arith.addf %get3A_10, %get3A_15 : vector<10000x64xf32>
    %get3A_17 = arith.constant 0 : index
    %get3A_18 = arith.constant 0 : index
    %get3A_19 = vector.load %arg1[%get3A_17, %get3A_18] : memref<10240x64xf32, #tpu.memory_space<vmem>>, vector<10000x64xf32>
    %sub3A = arith.subf %add3A_16, %get3A_19 : vector<10000x64xf32>
    %get3A_20 = arith.constant 0 : index
    %get3A_21 = vector.load %arg3[%get3A_20] : memref<64xf32, #tpu.memory_space<vmem>>, vector<64xf32>
    %mul3A = vector.broadcast %broadcast_in_dim3A : vector<10000x1xf32> to vector<10000x64xf32>
    %mul3A_22 = arith.mulf %mul3A, %sub3A : vector<10000x64xf32>
    %broadcast_in_dim3A_23 = vector.shape_cast %get3A_21 : vector<64xf32> to vector<1x64xf32>
    %add3A_24 = vector.broadcast %broadcast_in_dim3A_23 : vector<1x64xf32> to vector<10000x64xf32>
    %add3A_25 = arith.addf %add3A_24, %mul3A_22 : vector<10000x64xf32>
    %max3A = arith.constant 0.000000e+00 : f32
    %max3A_26 = vector.broadcast %max3A : f32 to vector<10000x64xf32>
    %max3A_27 = arith.maximumf %add3A_25, %max3A_26 : vector<10000x64xf32>
    %get3A_28 = arith.constant 0 : index
    %get3A_29 = arith.constant 0 : index
    %get3A_30 = vector.load %arg4[%get3A_28, %get3A_29] : memref<64x64xf32, #tpu.memory_space<vmem>>, vector<64x64xf32>
    %dot_general3A = arith.constant dense<0.000000e+00> : vector<10000x64xf32>
    %dot_general3A_31 = tpu.matmul %max3A_27, %get3A_30, %dot_general3A {dimension_numbers = #tpu.dot_dimension_numbers<[1], [0], [0], [1], [0, 0, 1, 1], [], []>, transpose_lhs_hint = false} : vector<10000x64xf32>, vector<64x64xf32>, vector<10000x64xf32> -> vector<10000x64xf32>
    %get3A_32 = arith.constant 0 : index
    %get3A_33 = vector.load %arg5[%get3A_32] : memref<64xf32, #tpu.memory_space<vmem>>, vector<64xf32>
    %broadcast_in_dim3A_34 = vector.shape_cast %get3A_33 : vector<64xf32> to vector<1x64xf32>
    %add3A_35 = vector.broadcast %broadcast_in_dim3A_34 : vector<1x64xf32> to vector<10000x64xf32>
    %add3A_36 = arith.addf %dot_general3A_31, %add3A_35 : vector<10000x64xf32>
    %max3A_37 = arith.constant 0.000000e+00 : f32
    %max3A_38 = vector.broadcast %max3A_37 : f32 to vector<10000x64xf32>
    %max3A_39 = arith.maximumf %add3A_36, %max3A_38 : vector<10000x64xf32>
    %get3A_40 = arith.constant 0 : index
    %get3A_41 = arith.constant 0 : index
    %get3A_42 = vector.load %arg6[%get3A_40, %get3A_41] : memref<64x2xf32, #tpu.memory_space<vmem>>, vector<64x2xf32>
    %dot_general3A_43 = arith.constant dense<0.000000e+00> : vector<10000x2xf32>
    %dot_general3A_44 = tpu.matmul %max3A_39, %get3A_42, %dot_general3A_43 {dimension_numbers = #tpu.dot_dimension_numbers<[1], [0], [0], [1], [0, 0, 1, 1], [], []>, transpose_lhs_hint = false} : vector<10000x64xf32>, vector<64x2xf32>, vector<10000x2xf32> -> vector<10000x2xf32>
    %get3A_45 = arith.constant 0 : index
    %get3A_46 = vector.load %arg7[%get3A_45] : memref<2xf32, #tpu.memory_space<vmem>>, vector<2xf32>
    %broadcast_in_dim3A_47 = vector.shape_cast %get3A_46 : vector<2xf32> to vector<1x2xf32>
    %add3A_48 = vector.broadcast %broadcast_in_dim3A_47 : vector<1x2xf32> to vector<10000x2xf32>
    %add3A_49 = arith.addf %dot_general3A_44, %add3A_48 : vector<10000x2xf32>
    %swap3A = arith.constant 0 : index
    %swap3A_50 = arith.constant 0 : index
    %swap3A_51 = vector.load %arg8[%swap3A, %swap3A_50] : memref<10000x2xf32, #tpu.memory_space<vmem>>, vector<10000x2xf32>
    tpu.vector_store %arg8[%swap3A, %swap3A_50], %add3A_49 {strides = array<i32>} : memref<10000x2xf32, #tpu.memory_space<vmem>>, vector<10000x2xf32>,
    return
  }
}

</mosaic_0001>

<sc_bundles>
// kernel: kernel.10.cloned.1.call-start
scs
__scs_entry_jumppad:
0x0: {  	(pc) =	sbr.rel $0x88, $3  }
0x1: {  	(tag) =	ssettag $0x0;
	lr =	simm.s32 $0x1  }
0x2: {  	[smem:$0x3F95] =	sst lr;
	_ =	strace $0xD0000000  }
0x3: {  	_ = 	snop  }
0x4: {  	_ = 	snop  }
0x5: {  	_ = 	snop  }
0x6: {  	_ = 	snop  }
0x7: {  	_ = 	snop  }
__scs_overlays_trampoline_lowered:
0x8: {  	[smem:$0x3FA4] =	sst s0  }
0x9: {  	[smem:$0x3FA5] =	sst s1  }
0xa: {  	[smem:$0x3FA6] =	sst s2  }
0xb: {  	[smem:$0x3FA7] =	sst s3  }
0xc: {  	[smem:$0x3FA8] =	sst s4  }
0xd: {  	[smem:$0x3FA9] =	sst s5  }
0xe: {  	[smem:$0x3FAA] =	sst s6  }
0xf: {  	[smem:$0x3FAB] =	sst s7  }
0x10: {  	[smem:$0x3FAC] =	sst s8  }
0x11: {  	[smem:$0x3FAD] =	sst s9;
	s0 =	simm.s32 @!p0 $0x0  }
0x12: {  	s1 =	sld [smem:$0x3F93];
	s0 =	simm.s32 @p0 $0x1  }
0x13: {  	[smem:$0x3FAE] =	sst s0;
	s0 =	simm.s32 @!p1 $0x0  }
0x14: {  	s2 =	sld [smem:$0x3F92];
	s0 =	simm.s32 @p1 $0x1  }
0x15: {  	[smem:$0x3FAF] =	sst s0;
	s0 =	simm.s32 @!p2 $0x0  }
0x16: {  	s3 =	sld [smem:$0x3FDB];
	s0 =	simm.s32 @p2 $0x1  }
0x17: {  	s4 =	simm.s32 $0x1BF5;
	[smem:$0x3FB1] =	sst s0  }
0x18: {  	s0 =	sld [smem:$0x3F94];
	_ =	swait.ge [sflag:s4], $0x0  }
0x19: {  	s7 =	sld [smem:$0x3F95]  }
0x1a: {  	s8 =	sadd.s32 $0xFFFFE003, lr  }
0x1b: {  	s9 =	sadd.s32 $0xFFFFFEF7, lr;
	s5 =	simm.s32 $0xFFFFFFFF;
	p2 =	slt.u32 s8, $0xFFFFF086  }
0x1c: {  	p1 =	slt.u32 s9, $0xF7A;
	s5 =	simm.s32 @!p2 $0x0  }
0x1d: {  	s5 =	simm.s32 @p1 $0x1;
	p0 =	seq.s32 s7, s2  }
0x1e: {  	s7 =	smul.u32 @!p0 $0xF7A, s2;
	p2 =	seq.s32 @!p0 s5, $0x0  }
0x1f: {  	s9 =	smul.u32 $0xF7A, s1;
	s8 =	simm.s32 @!p0 $0x1BF5;
	p2 =	por !p2, p0  }
0x20: {  	[sflag:s8] =	ssyncset.s32 @!p0 $0xFFFFF086;
	s6 =	sadd.s32 @!p0 s3, s7;
	s7 =	simm.s32 @!p0 $0x108  }
0x21: {  	s3 =	sadd.s32 s3, s9;
	s6 =	sadd.s32 @!p0 $0x88, s6;
	s7 =	simm.s32 @p2 $0x1082  }
0x22: {  	[simem:s7], [sflag:s8] =	dma.local @!p0 [hbm:s6], $0xF7A  }
0x23: {  	s9 =	sor.u32 $0xD0000000, s2;
	s6 =	simm.s32 $0x108;
	_ =	swait.ge @!p0 [sflag:s8], $0x0  }
0x24: {  	s3 =	sadd.s32 $0x88, s3;
	s6 =	simm.s32 @!p1 $0x1082;
	[sflag:s4] =	ssyncset.s32 $0xFFFFF086  }
0x25: {  	[simem:s6], [sflag:s4] =	dma.local [hbm:s3], $0xF7A  }
0x26: {  	[smem:$0x3F95] =	sst s1;
	(tag) =	ssettag s2;
	_ =	strace s9  }
0x27: {  	s1 =	sld [smem:$0x3FA5]  }
0x28: {  	s2 =	sld [smem:$0x3FA6]  }
0x29: {  	s4 =	sld [smem:$0x3FA8]  }
0x2a: {  	p0 =	seq.s32 s5, $0x0;
	s5 =	sld [smem:$0x3FA9]  }
0x2b: {  	s6 =	sld [smem:$0x3FAA]  }
0x2c: {  	s7 =	sld [smem:$0x3FAB]  }
0x2d: {  	s3 =	simm.s32 $0x108;
	s8 =	sld [smem:$0x3FAC]  }
0x2e: {  	s3 =	simm.s32 @!p0 $0x1082;
	s9 =	sld [smem:$0x3FAD]  }
0x2f: {  	lr =	sadd.s32 s0, s3;
	s0 =	sld [smem:$0x3FA4]  }
0x30: {  	s3 =	sld [smem:$0x3FA7]  }
0x31: {  	[smem:$0x3FB0] =	sst s10  }
0x32: {  	s10 =	sld [smem:$0x3FAE];
	_ =	sdelay $0x3  }
0x33: {  	p0 =	seq.s32 s10, $0x1;
	s10 =	sld [smem:$0x3FB0];
	_ =	sdelay $0x3  }
0x34: {  	[smem:$0x3FB0] =	sst s10  }
0x35: {  	s10 =	sld [smem:$0x3FAF];
	_ =	sdelay $0x3  }
0x36: {  	p1 =	seq.s32 s10, $0x1;
	s10 =	sld [smem:$0x3FB0];
	_ =	sdelay $0x3  }
0x37: {  	[smem:$0x3FB0] =	sst s10  }
0x38: {  	s10 =	sld [smem:$0x3FB1]  }
0x39: {  	_ = 	snop;
	(pc) =	sbr.ind lr, $3  }
0x3a: {  	_ = 	snop  }
0x3b: {  	_ = 	snop  }
0x3c: {  	p2 =	seq.s32 s10, $0x1;
	s10 =	sld [smem:$0x3FB0]  }
0x3d: {  	_ =	shalt  }
0x3e: {  	_ =	shalt  }
0x3f: {  	_ =	shalt  }
0x40: {  	_ =	shalt  }
0x41: {  	_ =	shalt  }
0x42: {  	_ =	shalt  }
0x43: {  	_ =	shalt  }
0x44: {  	_ =	shalt  }
0x45: {  	_ =	shalt  }
0x46: {  	_ =	shalt  }
0x47: {  	_ =	shalt  }
0x48: {  	_ =	shalt  }
0x49: {  	_ =	shalt  }
0x4a: {  	_ =	shalt  }
0x4b: {  	_ =	shalt  }
0x4c: {  	_ =	shalt  }
0x4d: {  	_ =	shalt  }
0x4e: {  	_ =	shalt  }
0x4f: {  	_ =	shalt  }
0x50: {  	_ =	shalt  }
0x51: {  	_ =	shalt  }
0x52: {  	_ =	shalt  }
0x53: {  	_ =	shalt  }
0x54: {  	_ =	shalt  }
0x55: {  	_ =	shalt  }
0x56: {  	_ =	shalt  }
0x57: {  	_ =	shalt  }
0x58: {  	_ =	shalt  }
0x59: {  	_ =	shalt  }
0x5a: {  	_ =	shalt  }
0x5b: {  	_ =	shalt  }
0x5c: {  	_ =	shalt  }
0x5d: {  	_ =	shalt  }
0x5e: {  	_ =	shalt  }
0x5f: {  	_ =	shalt  }
0x60: {  	_ =	shalt  }
0x61: {  	_ =	shalt  }
0x62: {  	_ =	shalt  }
0x63: {  	_ =	shalt  }
0x64: {  	_ =	shalt  }
0x65: {  	_ =	shalt  }
0x66: {  	_ =	shalt  }
0x67: {  	_ =	shalt  }
0x68: {  	_ =	shalt  }
0x69: {  	_ =	shalt  }
0x6a: {  	_ =	shalt  }
0x6b: {  	_ =	shalt  }
0x6c: {  	_ =	shalt  }
0x6d: {  	_ =	shalt  }
0x6e: {  	_ =	shalt  }
0x6f: {  	_ =	shalt  }
0x70: {  	_ =	shalt  }
0x71: {  	_ =	shalt  }
0x72: {  	_ =	shalt  }
0x73: {  	_ =	shalt  }
0x74: {  	_ =	shalt  }
0x75: {  	_ =	shalt  }
0x76: {  	_ =	shalt  }
0x77: {  	_ =	shalt  }
0x78: {  	_ =	shalt  }
0x79: {  	_ =	shalt  }
0x7a: {  	_ =	shalt  }
0x7b: {  	_ =	shalt  }
0x7c: {  	_ =	shalt  }
0x7d: {  	_ =	shalt  }
0x7e: {  	_ =	shalt  }
0x7f: {  	_ =	shalt  }
0x80: {  	_ =	shalt  }
0x81: {  	_ =	shalt  }
0x82: {  	_ =	shalt  }
0x83: {  	_ =	shalt  }
0x84: {  	_ =	shalt  }
0x85: {  	_ =	shalt  }
0x86: {  	_ =	shalt  }
0x87: {  	_ =	shalt  }
.Lfunc_end0:
.L_simem_size_0:
called_computation_lowered:
.L_overlay_start_0:
0x88: {  	s2 =	sld [smem:$0x3FD9]  }
0x89: {  	s3 =	sld [smem:$0x3FFE];
	_ =	sdelay $0x1  }
0x8a: {  	s1 =	srdreg.scid  }
0x8b: {  	s0 =	sand.u32 $0x1, s1  }
0x8c: {  	s17 =	sshll.u32 s0, $0xA;
	s2 =	sadd.s32 s3, s2  }
0x8d: {  	s2 =	sadd.s32 s2, s17  }
0x8e: {  	[smem:$0x3FBC] =	sst s2  }
0x8f: {  	_ = 	snop  }
0x90: {  	s2 =	sld [smem:$0x3FD0];
	(tm) =	ssettm $0x1  }
0x91: {  	s18 =	sld [smem:$0x3FFB];
	_ =	sdelay $0x3  }
0x92: {  	_ =	strace s18  }
0x93: {  	s3 =	sld [smem:$0x3FFC];
	_ =	sdelay $0x3  }
0x94: {  	_ =	strace s3  }
0x95: {  	s3 =	sld [smem:$0x3FFD];
	_ =	sdelay $0x3  }
0x96: {  	_ =	strace s3  }
0x97: {  	_ =	strace $0x8FFFFFFF  }
0x98: {  	s19 =	sld [smem:$0x3FDB];
	_ =	sdelay $0x1  }
0x99: {  	s4 =	simm.s32 $_scs_section_size  }
0x9a: {  	s5 =	simm.s32 $_size__tile_overlayer_lowered;
	s6 =	simm.s32 $_tile_overlayer_lowered  }
0x9b: {  	s22 =	simm.s32 $0x1BFF;
	s21 =	sshll.u32 s6, $0x1;
	s3 =	sadd.s32 s4, s19  }
0x9c: {  	s7 =	simm.s32 $0x0;
	s20 =	sshll.u32 s5, $0x1;
	s5 =	sadd.s32 s21, s3  }
0x9d: {  	[timem:s7], [sflag:s22] =	dma.local [hbm:s5], s20  }
0x9e: {  	_ =	swait.ge [sflag:s22], s20  }
0x9f: {  	s4 =	ssub.s32 $0x0, s20;
	[sflag:s22] =	ssyncset.done $0x0  }
0xa0: {  	[sflag:s22] =	ssyncadd.s32 s4;
	_ =	sdelay $0x1  }
0xa1: {  	s23 =	simm.s32 $0x1B8B  }
0xa2: {  	_ =	swait.ge [sflag:s23], $0x1  }
0xa3: {  	[sflag:s23] =	ssyncset.done $0x0  }
0xa4: {  	s25 =	simm.s32 $0x1B8E;
	s24 =	sld [smem:$0x3FFE];
	[sflag:s23] =	ssyncadd.s32 $0xFFFFFFFF  }
0xa5: {  	s26 =	simm.s32 $execute0_lowered;
	[smem:$0x3FD2] =	sst s25  }
0xa6: {  	s5 =	sshll.u32 s26, $0x1;
	_ =	strace $0x80000046;
	[dreg:$0x1] =	wrdreg $0xFFFFFFFF  }
0xa7: {  	s28 =	simm.s32 $_size_execute0_lowered;
	s3 =	sadd.s32 s3, s5;
	[dreg:$0x0] =	wrdreg $0x0  }
0xa8: {  	s5 =	sshll.u32 s28, $0x1;
	[dreg:$0x2] =	wrdreg s3  }
0xa9: {  	[dreg:$0x3] =	wrdreg s5  }
0xaa: {  	[dreg:$0x4] =	wrdreg $0xC0  }
0xab: {  	_ =	task [dreg:s7], $0x5FFFF  }
0xac: {  	[dreg:$0x1] =	wrdreg $0xFFFFFFFF  }
0xad: {  	[dreg:$0x0] =	wrdreg $0x60  }
0xae: {  	[dreg:$0x2] =	wrdreg s24  }
0xaf: {  	[dreg:$0x3] =	wrdreg s2  }
0xb0: {  	[dreg:$0x4] =	wrdreg $0x0  }
0xb1: {  	[dreg:$0x5] =	wrdreg $0x9  }
0xb2: {  	_ =	task.clear_ibuf [dreg:s7], $0x6FFFF;
	_ =	strace $0x90000046  }
0xb3: {  	s29 =	simm.s32 $0x9;
	_ =	strace $0x80000048  }
0xb4: {  	_ =	swait.ge [sflag:s29], $0x1  }
0xb5: {  	[sflag:s29] =	ssyncadd.s32 $0xFFFFFFFF  }
0xb6: {  	_ =	strace $0x90000048  }
0xb7: {  	_ =	sfence  }
0xb8: {  	s30 =	sld [smem:$0x0];
	_ =	sdelay $0x2  }
0xb9: {  	s31 =	sshll.u32 s1, $0xD;
	s1 =	sshrl.u32 s1, $0x2  }
0xba: {  	s3 =	sand.u32 $0x4000, s31;
	s1 =	sadd.s32 s1, s30  }
0xbb: {  	s0 =	sor.u32 s3, s0;
	s1 =	sshll.u32 s1, $0x11  }
0xbc: {  	s0 =	sor.u32 s1, s0  }
0xbd: {  	s0 =	sadd.s32 $0x8F2B, s0  }
0xbe: {  	[sflag:s0] =	ssyncadd.remote.s32 $0x1  }
0xbf: {  	_ =	sfence.sel $0xFFFF  }
0xc0: {  	[dreg:$0x0] =	wrdreg $0xFFFFFFFF;
	(pc) =	sbr.abs _section_cstart, $3  }
0xc1: {  	[dreg:$0x1] =	wrdreg $0xFFFFFFFF  }
0xc2: {  	_ =	task.clear_ibuf [dreg:s7], $0x2FFFF;
	_ =	strace $0x9FFFFFFF  }
0xc3: {  	(tm) =	ssettm $0x7FFFFFFF  }
tec
execute0_lowered:
.L_overlay_start_1:
0x0: {  	(tag) =	ssettag $0x1  }
0x1: {  	s6 =	rddreg [dreg:$0x0]  }
0x2: {  	s1 =	srdreg.scid;
	s4 =	rddreg [dreg:$0x1]  }
0x3: {  	s0 =	stileid.u32;
	s2 =	rddreg [dreg:$0x2]  }
0x4: {  	s3 =	simm.s32 $0x0;
	s11 =	simm.s32 $0x280;
	s12 =	simm.s32 $0x100  }
0x5: {  	s13 =	simm.s32 $0x2A80;
	s5 =	sand.u32 $0x1, s1;
	s1 =	rddreg [dreg:$0x3]  }
0x6: {  	s14 =	simm.s32 $0x0;
	s7 =	smul.u32 $0x280, s0;
	[smem:$0x7FF] =	sst s3  }
0x7: {  	s8 =	smul.u32 $0x2800, s5;
	s9 =	sshll.u32 s5, $0x4;
	s5 =	ssub.s32 $0x2, s5  }
0x8: {  	_ =	strace $0x80000047;
	s9 =	sor.u32 s0, s9;
	s10 =	sshrl.u32 s5, $0x1  }
0x9: {  	s31 =	sshrl.u32 s7, $0x3;
	s8 =	sadd.s32 s7, s8;
	s9 =	smul.u32 $0x2800, s9  }
0xa: {  	s10 =	ssub.s32 s5, s10;
	s4 =	sadd.s32 s4, s31;
	s8 =	sshrl.u32 s8, $0x3  }
0xb: {  	s5 =	sadd.s32 s7, s2;
	s8 =	sadd.s32 s8, s6;
	s9 =	sshrl.u32 s9, $0x3  }
0xc: {  	s6 =	sadd.s32 s6, s9;
	s7 =	sadd.s32 $0x16E00, s8;
	s8 =	smax.u32 s10, $0x1  }
0xd: {  	v0 =	vimm.f32 $1.000000000e+00;
	s9 =	simm.s32 $0x2B80;
	s10 =	simm.s32 $0x1;
	s6 =	sadd.s32 $0xCE00, s6  }
.LBB2_1:
0xe: {  	[tilespmem:s9], [sflag:$0x1] =	stream.linear.gather [hbm4b:s4+s3], $0x280, $0x38;
	[tilespmem:$0x2E00] =	vst v63  }
0xf: {  	_ =	swait.ge [sflag:s10], $0x280  }
0x10: {  	[sflag:s10] =	ssyncset.done $0x0  }
0x11: {  	[sflag:s10] =	ssyncadd.s32 $0xFFFFFD80  }
0x12: {  	[spmem:s5] =	stream.linear.scatter [tilespmem:s9], [sflag:$0x1], $0x280, $0x38;
	[tilespmem:$0x2E00] =	vst v63  }
0x13: {  	_ =	swait.ge [sflag:s10], $0x280  }
0x14: {  	[sflag:s10] =	ssyncset.done $0x0  }
0x15: {  	[sflag:s10] =	ssyncadd.s32 $0xFFFFFD80  }
0x16: {  	[tilespmem:$0x2A80] =	vst v0  }
0x17: {  	[tilespmem:$0x2A90] =	vst v0  }
0x18: {  	[tilespmem:$0x2AA0] =	vst v0  }
0x19: {  	[tilespmem:$0x2AB0] =	vst v0  }
0x1a: {  	[tilespmem:$0x2AC0] =	vst v0  }
0x1b: {  	[tilespmem:$0x2AD0] =	vst v0  }
0x1c: {  	[tilespmem:$0x2AE0] =	vst v0  }
0x1d: {  	[tilespmem:$0x2AF0] =	vst v0  }
0x1e: {  	[tilespmem:$0x2B00] =	vst v0  }
0x1f: {  	[tilespmem:$0x2B10] =	vst v0  }
0x20: {  	[tilespmem:$0x2B20] =	vst v0  }
0x21: {  	[tilespmem:$0x2B30] =	vst v0  }
0x22: {  	[tilespmem:$0x2B40] =	vst v0  }
0x23: {  	[tilespmem:$0x2B50] =	vst v0  }
0x24: {  	[tilespmem:$0x2B60] =	vst v0  }
0x25: {  	[tilespmem:$0x2B70] =	vst v0  }
0x26: {  	[tilespmem:s11], [sflag:$0x1] =	stream.linear.gather [hbm4b:s6+s3], $0x2800, $0x38;
	[tilespmem:$0x2E00] =	vst v63  }
0x27: {  	_ =	swait.ge [sflag:s10], $0x2800  }
0x28: {  	[sflag:s10] =	ssyncset.done $0x0  }
0x29: {  	[sflag:s10] =	ssyncadd.s32 $0xFFFFD800  }
0x2a: {  	s15 =	simm.s32 $0x280;
	[bflag:$0x0] =	sbarrier.arrive $0xFFFF  }
0x2b: {  	[spmem:s2] =	stream.indirect.scatter.add.f32 [tilespmem:s13], [sflag:$0x1], $0x1, s15, s12, $0xb8;
	[tilespmem:$0x2E00] =	vst v63  }
0x2c: {  	s15 =	simm.s32 $0x400;
	_ =	swait.ge [sflag:s10], $0x100  }
.LBB2_2:
0x2d: {  	s16 =	sshra.s32 s15, $0x2;
	[sflag:s10] =	ssyncset.done $0x0;
	p0 =	sne.s32 s15, $0x9C00  }
.Ltmp0:
0x2e: {  	s16 =	sadd.s32 $0x280, s16;
	[sflag:s10] =	ssyncadd.s32 $0xFFFFFF00;
	(pc) =	sbr.rel @p0 .LBB2_2-.Ltmp0, $3  }
0x2f: {  	[spmem:s2] =	stream.indirect.scatter.add.f32 [tilespmem:s13], [sflag:$0x1], $0x1, s16, s12, $0xb8;
	[tilespmem:$0x2E00] =	vst v63  }
0x30: {  	s15 =	sadd.s32 $0x400, s15;
	_ =	sdelay $0x1  }
0x31: {  	_ =	swait.ge [sflag:s10], $0x100  }
0x32: {  	[sflag:s10] =	ssyncset.done $0x0  }
0x33: {  	[sflag:s10] =	ssyncadd.s32 $0xFFFFFF00  }
0x34: {  	[bflag:$0x0] =	sbarrier.arrive $0xFFFF  }
0x35: {  	[tilespmem:s9], [sflag:$0x1] =	stream.linear.gather [spmem:s5], $0x280, $0x38;
	[tilespmem:$0x2E00] =	vst v63  }
0x36: {  	s14 =	sadd.s32 $0x1, s14;
	_ =	swait.ge [sflag:s10], $0x280  }
0x37: {  	p0 =	sne.s32 s14, s8;
	[sflag:s10] =	ssyncset.done $0x0  }
.Ltmp1:
0x38: {  	[sflag:s10] =	ssyncadd.s32 $0xFFFFFD80;
	(pc) =	sbr.rel @p0 .LBB2_1-.Ltmp1, $4  }
0x39: {  	[hbm4b:s7+s3] =	stream.linear.scatter [tilespmem:s9], [sflag:$0x1], $0x280, $0x38;
	[tilespmem:$0x2E00] =	vst v63  }
0x3a: {  	_ =	swait.ge [sflag:s10], $0x280  }
0x3b: {  	[sflag:s10] =	ssyncset.done $0x0  }
0x3c: {  	[sflag:s10] =	ssyncadd.s32 $0xFFFFFD80  }
0x3d: {  	_ =	sfence.sel $0x180000  }
0x3e: {  	[bflag:$0x0] =	sbarrier.arrive $0xFFFF  }
0x3f: {  	p0 =	sne.s32 s0, $0x0;
	_ =	strace $0x90000047  }
0x40: {  	s0 =	sadd.s32 @!p0 $0x100000, s1;
	[bflag:$0x2] =	sbarrier.arrive $0xFFFF  }
0x41: {  	[sflag:s0] =	ssyncadd.tile.s32 @!p0 $0x1;
	_ =	shalt  }
.Lfunc_end2:
_tile_overlayer_lowered:
.L_overlay_start_2:
0x42: {  	(tag) =	ssettag $0x2  }
0x43: {  	s0 =	rddreg [dreg:$0x0];
	s2 =	stileid.u32  }
0x44: {  	s1 =	rddreg [dreg:$0x1];
	p0 =	sne.s32 s2, $0x0  }
0x45: {  	s3 =	rddreg [dreg:$0x2];
	[bflag:$0x3] =	sbarrier.arrive $0xFFFF;
	s2 =	simm.s32 @!p0 $0x1C01  }
0x46: {  	[timem:s3], [sflag:s2] =	dma.local @!p0 [hbm:s0], s1  }
0x47: {  	s0 =	simm.s32 @!p0 $0x1  }
0x48: {  	_ =	swait.ge @!p0 [sflag:s0], s1  }
0x49: {  	s1 =	ssub.s32 @!p0 $0x0, s1;
	[sflag:s0] =	ssyncset.done @!p0 $0x0  }
0x4a: {  	[sflag:s0] =	ssyncadd.s32 @!p0 s1  }
0x4b: {  	[bflag:$0x3] =	sbarrier.arrive $0xFFFF  }
0x4c: {  	_ =	shalt  }

// kernel: kernel.13.cloned.1.call-start
scs
__scs_entry_jumppad:
0x0: {  	(pc) =	sbr.rel $0x88, $3  }
0x1: {  	(tag) =	ssettag $0x0;
	lr =	simm.s32 $0x1  }
0x2: {  	[smem:$0x3F95] =	sst lr;
	_ =	strace $0xD0000000  }
0x3: {  	_ = 	snop  }
0x4: {  	_ = 	snop  }
0x5: {  	_ = 	snop  }
0x6: {  	_ = 	snop  }
0x7: {  	_ = 	snop  }
__scs_overlays_trampoline_lowered:
0x8: {  	[smem:$0x3FA4] =	sst s0  }
0x9: {  	[smem:$0x3FA5] =	sst s1  }
0xa: {  	[smem:$0x3FA6] =	sst s2  }
0xb: {  	[smem:$0x3FA7] =	sst s3  }
0xc: {  	[smem:$0x3FA8] =	sst s4  }
0xd: {  	[smem:$0x3FA9] =	sst s5  }
0xe: {  	[smem:$0x3FAA] =	sst s6  }
0xf: {  	[smem:$0x3FAB] =	sst s7  }
0x10: {  	[smem:$0x3FAC] =	sst s8  }
0x11: {  	[smem:$0x3FAD] =	sst s9;
	s0 =	simm.s32 @!p0 $0x0  }
0x12: {  	s1 =	sld [smem:$0x3F93];
	s0 =	simm.s32 @p0 $0x1  }
0x13: {  	[smem:$0x3FAE] =	sst s0;
	s0 =	simm.s32 @!p1 $0x0  }
0x14: {  	s2 =	sld [smem:$0x3F92];
	s0 =	simm.s32 @p1 $0x1  }
0x15: {  	[smem:$0x3FAF] =	sst s0;
	s0 =	simm.s32 @!p2 $0x0  }
0x16: {  	s3 =	sld [smem:$0x3FDB];
	s0 =	simm.s32 @p2 $0x1  }
0x17: {  	s4 =	simm.s32 $0x1BF5;
	[smem:$0x3FB1] =	sst s0  }
0x18: {  	s0 =	sld [smem:$0x3F94];
	_ =	swait.ge [sflag:s4], $0x0  }
0x19: {  	s7 =	sld [smem:$0x3F95]  }
0x1a: {  	s8 =	sadd.s32 $0xFFFFE003, lr  }
0x1b: {  	s9 =	sadd.s32 $0xFFFFFEF7, lr;
	s5 =	simm.s32 $0xFFFFFFFF;
	p2 =	slt.u32 s8, $0xFFFFF086  }
0x1c: {  	p1 =	slt.u32 s9, $0xF7A;
	s5 =	simm.s32 @!p2 $0x0  }
0x1d: {  	s5 =	simm.s32 @p1 $0x1;
	p0 =	seq.s32 s7, s2  }
0x1e: {  	s7 =	smul.u32 @!p0 $0xF7A, s2;
	p2 =	seq.s32 @!p0 s5, $0x0  }
0x1f: {  	s9 =	smul.u32 $0xF7A, s1;
	s8 =	simm.s32 @!p0 $0x1BF5;
	p2 =	por !p2, p0  }
0x20: {  	[sflag:s8] =	ssyncset.s32 @!p0 $0xFFFFF086;
	s6 =	sadd.s32 @!p0 s3, s7;
	s7 =	simm.s32 @!p0 $0x108  }
0x21: {  	s3 =	sadd.s32 s3, s9;
	s6 =	sadd.s32 @!p0 $0x88, s6;
	s7 =	simm.s32 @p2 $0x1082  }
0x22: {  	[simem:s7], [sflag:s8] =	dma.local @!p0 [hbm:s6], $0xF7A  }
0x23: {  	s9 =	sor.u32 $0xD0000000, s2;
	s6 =	simm.s32 $0x108;
	_ =	swait.ge @!p0 [sflag:s8], $0x0  }
0x24: {  	s3 =	sadd.s32 $0x88, s3;
	s6 =	simm.s32 @!p1 $0x1082;
	[sflag:s4] =	ssyncset.s32 $0xFFFFF086  }
0x25: {  	[simem:s6], [sflag:s4] =	dma.local [hbm:s3], $0xF7A  }
0x26: {  	[smem:$0x3F95] =	sst s1;
	(tag) =	ssettag s2;
	_ =	strace s9  }
0x27: {  	s1 =	sld [smem:$0x3FA5]  }
0x28: {  	s2 =	sld [smem:$0x3FA6]  }
0x29: {  	s4 =	sld [smem:$0x3FA8]  }
0x2a: {  	p0 =	seq.s32 s5, $0x0;
	s5 =	sld [smem:$0x3FA9]  }
0x2b: {  	s6 =	sld [smem:$0x3FAA]  }
0x2c: {  	s7 =	sld [smem:$0x3FAB]  }
0x2d: {  	s3 =	simm.s32 $0x108;
	s8 =	sld [smem:$0x3FAC]  }
0x2e: {  	s3 =	simm.s32 @!p0 $0x1082;
	s9 =	sld [smem:$0x3FAD]  }
0x2f: {  	lr =	sadd.s32 s0, s3;
	s0 =	sld [smem:$0x3FA4]  }
0x30: {  	s3 =	sld [smem:$0x3FA7]  }
0x31: {  	[smem:$0x3FB0] =	sst s10  }
0x32: {  	s10 =	sld [smem:$0x3FAE];
	_ =	sdelay $0x3  }
0x33: {  	p0 =	seq.s32 s10, $0x1;
	s10 =	sld [smem:$0x3FB0];
	_ =	sdelay $0x3  }
0x34: {  	[smem:$0x3FB0] =	sst s10  }
0x35: {  	s10 =	sld [smem:$0x3FAF];
	_ =	sdelay $0x3  }
0x36: {  	p1 =	seq.s32 s10, $0x1;
	s10 =	sld [smem:$0x3FB0];
	_ =	sdelay $0x3  }
0x37: {  	[smem:$0x3FB0] =	sst s10  }
0x38: {  	s10 =	sld [smem:$0x3FB1]  }
0x39: {  	_ = 	snop;
	(pc) =	sbr.ind lr, $3  }
0x3a: {  	_ = 	snop  }
0x3b: {  	_ = 	snop  }
0x3c: {  	p2 =	seq.s32 s10, $0x1;
	s10 =	sld [smem:$0x3FB0]  }
0x3d: {  	_ =	shalt  }
0x3e: {  	_ =	shalt  }
0x3f: {  	_ =	shalt  }
0x40: {  	_ =	shalt  }
0x41: {  	_ =	shalt  }
0x42: {  	_ =	shalt  }
0x43: {  	_ =	shalt  }
0x44: {  	_ =	shalt  }
0x45: {  	_ =	shalt  }
0x46: {  	_ =	shalt  }
0x47: {  	_ =	shalt  }
0x48: {  	_ =	shalt  }
0x49: {  	_ =	shalt  }
0x4a: {  	_ =	shalt  }
0x4b: {  	_ =	shalt  }
0x4c: {  	_ =	shalt  }
0x4d: {  	_ =	shalt  }
0x4e: {  	_ =	shalt  }
0x4f: {  	_ =	shalt  }
0x50: {  	_ =	shalt  }
0x51: {  	_ =	shalt  }
0x52: {  	_ =	shalt  }
0x53: {  	_ =	shalt  }
0x54: {  	_ =	shalt  }
0x55: {  	_ =	shalt  }
0x56: {  	_ =	shalt  }
0x57: {  	_ =	shalt  }
0x58: {  	_ =	shalt  }
0x59: {  	_ =	shalt  }
0x5a: {  	_ =	shalt  }
0x5b: {  	_ =	shalt  }
0x5c: {  	_ =	shalt  }
0x5d: {  	_ =	shalt  }
0x5e: {  	_ =	shalt  }
0x5f: {  	_ =	shalt  }
0x60: {  	_ =	shalt  }
0x61: {  	_ =	shalt  }
0x62: {  	_ =	shalt  }
0x63: {  	_ =	shalt  }
0x64: {  	_ =	shalt  }
0x65: {  	_ =	shalt  }
0x66: {  	_ =	shalt  }
0x67: {  	_ =	shalt  }
0x68: {  	_ =	shalt  }
0x69: {  	_ =	shalt  }
0x6a: {  	_ =	shalt  }
0x6b: {  	_ =	shalt  }
0x6c: {  	_ =	shalt  }
0x6d: {  	_ =	shalt  }
0x6e: {  	_ =	shalt  }
0x6f: {  	_ =	shalt  }
0x70: {  	_ =	shalt  }
0x71: {  	_ =	shalt  }
0x72: {  	_ =	shalt  }
0x73: {  	_ =	shalt  }
0x74: {  	_ =	shalt  }
0x75: {  	_ =	shalt  }
0x76: {  	_ =	shalt  }
0x77: {  	_ =	shalt  }
0x78: {  	_ =	shalt  }
0x79: {  	_ =	shalt  }
0x7a: {  	_ =	shalt  }
0x7b: {  	_ =	shalt  }
0x7c: {  	_ =	shalt  }
0x7d: {  	_ =	shalt  }
0x7e: {  	_ =	shalt  }
0x7f: {  	_ =	shalt  }
0x80: {  	_ =	shalt  }
0x81: {  	_ =	shalt  }
0x82: {  	_ =	shalt  }
0x83: {  	_ =	shalt  }
0x84: {  	_ =	shalt  }
0x85: {  	_ =	shalt  }
0x86: {  	_ =	shalt  }
0x87: {  	_ =	shalt  }
.Lfunc_end0:
.L_simem_size_0:
called_computation.1_lowered:
.L_overlay_start_0:
0x88: {  	s2 =	sld [smem:$0x3FD9]  }
0x89: {  	s3 =	sld [smem:$0x3FFE];
	_ =	sdelay $0x1  }
0x8a: {  	s1 =	srdreg.scid  }
0x8b: {  	s0 =	sand.u32 $0x1, s1  }
0x8c: {  	s16 =	sshll.u32 s0, $0xA;
	s2 =	sadd.s32 s3, s2  }
0x8d: {  	s2 =	sadd.s32 s2, s16  }
0x8e: {  	[smem:$0x3FBC] =	sst s2  }
0x8f: {  	_ = 	snop  }
0x90: {  	(tm) =	ssettm $0x1  }
0x91: {  	s17 =	sld [smem:$0x3FFB];
	_ =	sdelay $0x3  }
0x92: {  	_ =	strace s17  }
0x93: {  	s2 =	sld [smem:$0x3FFC];
	_ =	sdelay $0x3  }
0x94: {  	_ =	strace s2  }
0x95: {  	s2 =	sld [smem:$0x3FFD];
	_ =	sdelay $0x3  }
0x96: {  	_ =	strace s2  }
0x97: {  	_ =	strace $0x8FFFFFFF  }
0x98: {  	s18 =	sld [smem:$0x3FDB];
	_ =	sdelay $0x1  }
0x99: {  	s19 =	simm.s32 $_scs_section_size  }
0x9a: {  	s4 =	simm.s32 $_size__tile_overlayer_lowered;
	s5 =	simm.s32 $_tile_overlayer_lowered  }
0x9b: {  	s22 =	simm.s32 $0x1BFF;
	s21 =	sshll.u32 s5, $0x1;
	s2 =	sadd.s32 s19, s18  }
0x9c: {  	s6 =	simm.s32 $0x0;
	s20 =	sshll.u32 s4, $0x1;
	s4 =	sadd.s32 s21, s2  }
0x9d: {  	[timem:s6], [sflag:s22] =	dma.local [hbm:s4], s20  }
0x9e: {  	_ =	swait.ge [sflag:s22], s20  }
0x9f: {  	s3 =	ssub.s32 $0x0, s20;
	[sflag:s22] =	ssyncset.done $0x0  }
0xa0: {  	[sflag:s22] =	ssyncadd.s32 s3;
	_ =	sdelay $0x1  }
0xa1: {  	s23 =	simm.s32 $0x1B8B  }
0xa2: {  	_ =	swait.ge [sflag:s23], $0x1  }
0xa3: {  	[sflag:s23] =	ssyncset.done $0x0  }
0xa4: {  	s25 =	simm.s32 $0x1B8E;
	s24 =	sld [smem:$0x3FFE];
	[sflag:s23] =	ssyncadd.s32 $0xFFFFFFFF  }
0xa5: {  	s26 =	simm.s32 $execute0_lowered;
	[smem:$0x3FD2] =	sst s25  }
0xa6: {  	s4 =	sshll.u32 s26, $0x1;
	_ =	strace $0x80000049;
	[dreg:$0x1] =	wrdreg $0xFFFFFFFF  }
0xa7: {  	s28 =	simm.s32 $_size_execute0_lowered;
	s2 =	sadd.s32 s2, s4;
	[dreg:$0x0] =	wrdreg $0x0  }
0xa8: {  	s4 =	sshll.u32 s28, $0x1;
	[dreg:$0x2] =	wrdreg s2  }
0xa9: {  	[dreg:$0x3] =	wrdreg s4  }
0xaa: {  	[dreg:$0x4] =	wrdreg $0xC0  }
0xab: {  	_ =	task [dreg:s6], $0x5FFFF  }
0xac: {  	[dreg:$0x1] =	wrdreg $0xFFFFFFFF  }
0xad: {  	[dreg:$0x0] =	wrdreg $0x60  }
0xae: {  	[dreg:$0x2] =	wrdreg s24  }
0xaf: {  	[dreg:$0x3] =	wrdreg $0x0  }
0xb0: {  	[dreg:$0x4] =	wrdreg $0x9  }
0xb1: {  	_ =	task.clear_ibuf [dreg:s6], $0x5FFFF;
	_ =	strace $0x90000049  }
0xb2: {  	s29 =	simm.s32 $0x9;
	_ =	strace $0x8000004B  }
0xb3: {  	_ =	swait.ge [sflag:s29], $0x1  }
0xb4: {  	[sflag:s29] =	ssyncadd.s32 $0xFFFFFFFF  }
0xb5: {  	_ =	strace $0x9000004B  }
0xb6: {  	_ =	sfence  }
0xb7: {  	s30 =	sld [smem:$0x0];
	_ =	sdelay $0x2  }
0xb8: {  	s31 =	sshll.u32 s1, $0xD;
	s1 =	sshrl.u32 s1, $0x2  }
0xb9: {  	s3 =	sand.u32 $0x4000, s31;
	s1 =	sadd.s32 s1, s30  }
0xba: {  	s0 =	sor.u32 s3, s0;
	s1 =	sshll.u32 s1, $0x11  }
0xbb: {  	s0 =	sor.u32 s1, s0  }
0xbc: {  	s0 =	sadd.s32 $0x8F2B, s0  }
0xbd: {  	[sflag:s0] =	ssyncadd.remote.s32 $0x1  }
0xbe: {  	_ =	sfence.sel $0xFFFF  }
0xbf: {  	[dreg:$0x0] =	wrdreg $0xFFFFFFFF;
	(pc) =	sbr.abs _section_cstart, $3  }
0xc0: {  	[dreg:$0x1] =	wrdreg $0xFFFFFFFF  }
0xc1: {  	_ =	task.clear_ibuf [dreg:s6], $0x2FFFF;
	_ =	strace $0x9FFFFFFF  }
0xc2: {  	(tm) =	ssettm $0x7FFFFFFF  }
0xc3: {  	_ =	shalt  }
tec
execute0_lowered:
.L_overlay_start_1:
0x0: {  	(tag) =	ssettag $0x1  }
0x1: {  	s0 =	rddreg [dreg:$0x0]  }
0x2: {  	s2 =	rddreg [dreg:$0x1]  }
0x3: {  	s1 =	srdreg.scid;
	s10 =	stileid.u32;
	s3 =	simm.s32 $0x0  }
0x4: {  	s12 =	simm.s32 $0x5;
	s13 =	simm.s32 $0xA000;
	s15 =	simm.s32 $0x100  }
0x5: {  	s16 =	simm.s32 $0xF000;
	s18 =	simm.s32 $0x13000;
	s19 =	simm.s32 $0xA200  }
0x6: {  	s20 =	simm.s32 $0x17000;
	s21 =	simm.s32 $0xA300;
	s22 =	simm.s32 $0x1B000  }
0x7: {  	s23 =	simm.s32 $0x1;
	s24 =	simm.s32 $0x2;
	s25 =	simm.s32 $0x3  }
0x8: {  	s28 =	simm.s32 $0xEC00;
	s29 =	simm.s32 $0xED00;
	s30 =	simm.s32 $0xEE00  }
0x9: {  	s31 =	simm.s32 $0xEF00;
	s1 =	sand.u32 $0x1, s1;
	s5 =	smul.u32 $0xA000, s10  }
0xa: {  	[smem:$0x7FF] =	sst s3;
	s26 =	sshll.u32 s10, $0x6;
	s4 =	sshll.u32 s1, $0x4  }
0xb: {  	s6 =	smul.u32 $0xA0000, s1;
	_ =	strace $0x8000004A;
	s1 =	ssub.s32 $0x2, s1  }
0xc: {  	s4 =	sor.u32 s10, s4;
	s8 =	sshrl.u32 s1, $0x1;
	s11 =	sadd.s32 s5, s2  }
0xd: {  	s7 =	smul.u32 $0x2800, s4;
	s4 =	sadd.s32 $0x16E00, s0;
	s6 =	sadd.s32 s5, s6  }
0xe: {  	s1 =	ssub.s32 s1, s8;
	s5 =	sshrl.u32 s5, $0x3;
	s11 =	sshrl.u32 s11, $0x3  }
0xf: {  	s6 =	sshrl.u32 s6, $0x3;
	s5 =	sadd.s32 s4, s5;
	s7 =	sshrl.u32 s7, $0x3  }
0x10: {  	s10 =	smax.u32 s1, $0x1;
	s9 =	sadd.s32 s7, s0;
	s0 =	sadd.s32 s6, s0  }
0x11: {  	s6 =	sor.u32 $0x1C05, s26;
	s26 =	simm.s32 $0x4;
	s7 =	sadd.s32 $0x2E00, s9  }
0x12: {  	s8 =	sadd.s32 $0xCE00, s9;
	s9 =	sadd.s32 $0x2AE00, s0;
	s0 =	simm.s32 $0x0  }
.LBB2_1:
0x13: {  	[spmem:s11], [sflag:s6] =	dma.local [hbm:s5], $0x1400  }
0x14: {  	_ =	swait.ge [sflag:s12], $0x1400  }
0x15: {  	[sflag:s12] =	ssyncset.done $0x0  }
0x16: {  	[sflag:s12] =	ssyncadd.s32 $0xFFFFEC00  }
0x17: {  	[tilespmem:s13], [sflag:$0x5] =	stream.linear.gather [hbm4b:s7+s3], $0x2800, $0x38;
	[tilespmem:$0x1F000] =	vst v63  }
0x18: {  	_ =	swait.ge [sflag:s12], $0x2800  }
0x19: {  	[sflag:s12] =	ssyncset.done $0x0  }
0x1a: {  	s1 =	simm.s32 $0xC800;
	[sflag:s12] =	ssyncadd.s32 $0xFFFFD800  }
0x1b: {  	[tilespmem:s1], [sflag:$0x5] =	stream.linear.gather [hbm4b:s8+s3], $0x2800, $0x38;
	[tilespmem:$0x1F000] =	vst v63  }
0x1c: {  	_ =	swait.ge [sflag:s12], $0x2800  }
0x1d: {  	[sflag:s12] =	ssyncset.done $0x0  }
0x1e: {  	[sflag:s12] =	ssyncadd.s32 $0xFFFFD800  }
0x1f: {  	[bflag:$0x0] =	sbarrier.arrive $0xFFFF  }
0x20: {  	[tilespmem:s16], [sflag:$0x1] =	stream.indirect.gather [hbm4b:s4+s15], $0x40, s13, s15, $0xb8;
	[tilespmem:$0x1F000] =	vst v63  }
0x21: {  	s14 =	simm.s32 $0xA100  }
0x22: {  	[tilespmem:s18], [sflag:$0x2] =	stream.indirect.gather [hbm4b:s4+s15], $0x40, s14, s15, $0xb8;
	[tilespmem:$0x1F000] =	vst v63  }
0x23: {  	_ = 	snop  }
0x24: {  	[tilespmem:s20], [sflag:$0x3] =	stream.indirect.gather [hbm4b:s4+s15], $0x40, s19, s15, $0xb8;
	[tilespmem:$0x1F000] =	vst v63  }
0x25: {  	_ = 	snop  }
0x26: {  	[tilespmem:s22], [sflag:$0x4] =	stream.indirect.gather [hbm4b:s4+s15], $0x40, s21, s15, $0xb8;
	[tilespmem:$0x1F000] =	vst v63  }
0x27: {  	_ =	swait.ge [sflag:s23], $0x4000  }
0x28: {  	[sflag:s23] =	ssyncset.done $0x0  }
0x29: {  	s17 =	simm.s32 $0xC800;
	[sflag:s23] =	ssyncadd.s32 $0xFFFFC000  }
0x2a: {  	[spmem:s2] =	stream.indirect.scatter.add.f32 [tilespmem:s16], [sflag:$0x5], $0x40, s17, s15, $0xb8;
	[tilespmem:$0x1F000] =	vst v63  }
0x2b: {  	_ =	swait.ge [sflag:s12], $0x4000  }
0x2c: {  	[sflag:s12] =	ssyncset.done $0x0  }
0x2d: {  	s14 =	simm.s32 $0xA400;
	[sflag:s12] =	ssyncadd.s32 $0xFFFFC000  }
0x2e: {  	[tilespmem:s16], [sflag:$0x1] =	stream.indirect.gather [hbm4b:s4+s15], $0x40, s14, s15, $0xb8;
	[tilespmem:$0x1F000] =	vst v63  }
0x2f: {  	_ =	swait.ge [sflag:s24], $0x4000  }
0x30: {  	[sflag:s24] =	ssyncset.done $0x0  }
0x31: {  	s17 =	simm.s32 $0xC900;
	[sflag:s24] =	ssyncadd.s32 $0xFFFFC000  }
0x32: {  	[spmem:s2] =	stream.indirect.scatter.add.f32 [tilespmem:s18], [sflag:$0x5], $0x40, s17, s15, $0xb8;
	[tilespmem:$0x1F000] =	vst v63  }
0x33: {  	_ =	swait.ge [sflag:s12], $0x4000  }
0x34: {  	[sflag:s12] =	ssyncset.done $0x0  }
0x35: {  	s14 =	simm.s32 $0xA500;
	[sflag:s12] =	ssyncadd.s32 $0xFFFFC000  }
0x36: {  	[tilespmem:s18], [sflag:$0x2] =	stream.indirect.gather [hbm4b:s4+s15], $0x40, s14, s15, $0xb8;
	[tilespmem:$0x1F000] =	vst v63  }
0x37: {  	_ =	swait.ge [sflag:s25], $0x4000  }
0x38: {  	[sflag:s25] =	ssyncset.done $0x0  }
0x39: {  	s17 =	simm.s32 $0xCA00;
	[sflag:s25] =	ssyncadd.s32 $0xFFFFC000  }
0x3a: {  	[spmem:s2] =	stream.indirect.scatter.add.f32 [tilespmem:s20], [sflag:$0x5], $0x40, s17, s15, $0xb8;
	[tilespmem:$0x1F000] =	vst v63  }
0x3b: {  	_ =	swait.ge [sflag:s12], $0x4000  }
0x3c: {  	[sflag:s12] =	ssyncset.done $0x0  }
0x3d: {  	s14 =	simm.s32 $0xA600;
	[sflag:s12] =	ssyncadd.s32 $0xFFFFC000  }
0x3e: {  	[tilespmem:s20], [sflag:$0x3] =	stream.indirect.gather [hbm4b:s4+s15], $0x40, s14, s15, $0xb8;
	[tilespmem:$0x1F000] =	vst v63  }
0x3f: {  	_ =	swait.ge [sflag:s26], $0x4000  }
0x40: {  	[sflag:s26] =	ssyncset.done $0x0  }
0x41: {  	s17 =	simm.s32 $0xCB00;
	[sflag:s26] =	ssyncadd.s32 $0xFFFFC000  }
0x42: {  	[spmem:s2] =	stream.indirect.scatter.add.f32 [tilespmem:s22], [sflag:$0x5], $0x40, s17, s15, $0xb8;
	[tilespmem:$0x1F000] =	vst v63  }
0x43: {  	_ =	swait.ge [sflag:s12], $0x4000  }
0x44: {  	[sflag:s12] =	ssyncset.done $0x0  }
0x45: {  	s1 =	simm.s32 $0x1000;
	s14 =	simm.s32 $0xA700;
	[sflag:s12] =	ssyncadd.s32 $0xFFFFC000  }
.LBB2_2:
0x46: {  	[tilespmem:s22], [sflag:$0x4] =	stream.indirect.gather [hbm4b:s4+s15], $0x40, s14, s15, $0xb8;
	[tilespmem:$0x1F000] =	vst v63  }
0x47: {  	s14 =	smov.u32 s1  }
0x48: {  	p0 =	sne.s32 s1, $0x8000;
	s1 =	sadd.s32 $0x1000, s1;
	_ =	swait.ge [sflag:s23], $0x4000  }
0x49: {  	s14 =	sshra.s32 s14, $0x2;
	[sflag:s23] =	ssyncset.done $0x0  }
0x4a: {  	s17 =	sadd.s32 $0xC800, s14;
	[sflag:s23] =	ssyncadd.s32 $0xFFFFC000  }
0x4b: {  	[spmem:s2] =	stream.indirect.scatter.add.f32 [tilespmem:s16], [sflag:$0x5], $0x40, s17, s15, $0xb8;
	[tilespmem:$0x1F000] =	vst v63  }
0x4c: {  	_ =	swait.ge [sflag:s12], $0x4000  }
0x4d: {  	[sflag:s12] =	ssyncset.done $0x0  }
0x4e: {  	s17 =	sadd.s32 $0xA400, s14;
	[sflag:s12] =	ssyncadd.s32 $0xFFFFC000  }
0x4f: {  	[tilespmem:s16], [sflag:$0x1] =	stream.indirect.gather [hbm4b:s4+s15], $0x40, s17, s15, $0xb8;
	[tilespmem:$0x1F000] =	vst v63  }
0x50: {  	_ =	swait.ge [sflag:s24], $0x4000  }
0x51: {  	[sflag:s24] =	ssyncset.done $0x0  }
0x52: {  	s17 =	sadd.s32 $0xC900, s14;
	[sflag:s24] =	ssyncadd.s32 $0xFFFFC000  }
0x53: {  	[spmem:s2] =	stream.indirect.scatter.add.f32 [tilespmem:s18], [sflag:$0x5], $0x40, s17, s15, $0xb8;
	[tilespmem:$0x1F000] =	vst v63  }
0x54: {  	_ =	swait.ge [sflag:s12], $0x4000  }
0x55: {  	[sflag:s12] =	ssyncset.done $0x0  }
0x56: {  	s17 =	sadd.s32 $0xA500, s14;
	[sflag:s12] =	ssyncadd.s32 $0xFFFFC000  }
0x57: {  	[tilespmem:s18], [sflag:$0x2] =	stream.indirect.gather [hbm4b:s4+s15], $0x40, s17, s15, $0xb8;
	[tilespmem:$0x1F000] =	vst v63  }
0x58: {  	_ =	swait.ge [sflag:s25], $0x4000  }
0x59: {  	[sflag:s25] =	ssyncset.done $0x0  }
0x5a: {  	s17 =	sadd.s32 $0xCA00, s14;
	[sflag:s25] =	ssyncadd.s32 $0xFFFFC000  }
0x5b: {  	[spmem:s2] =	stream.indirect.scatter.add.f32 [tilespmem:s20], [sflag:$0x5], $0x40, s17, s15, $0xb8;
	[tilespmem:$0x1F000] =	vst v63  }
0x5c: {  	_ =	swait.ge [sflag:s12], $0x4000  }
0x5d: {  	[sflag:s12] =	ssyncset.done $0x0  }
0x5e: {  	s17 =	sadd.s32 $0xA600, s14;
	[sflag:s12] =	ssyncadd.s32 $0xFFFFC000  }
0x5f: {  	[tilespmem:s20], [sflag:$0x3] =	stream.indirect.gather [hbm4b:s4+s15], $0x40, s17, s15, $0xb8;
	[tilespmem:$0x1F000] =	vst v63  }
0x60: {  	_ =	swait.ge [sflag:s26], $0x4000  }
0x61: {  	[sflag:s26] =	ssyncset.done $0x0  }
.Ltmp0:
0x62: {  	s17 =	sadd.s32 $0xCB00, s14;
	[sflag:s26] =	ssyncadd.s32 $0xFFFFC000;
	(pc) =	sbr.rel @p0 .LBB2_2-.Ltmp0, $4  }
0x63: {  	[spmem:s2] =	stream.indirect.scatter.add.f32 [tilespmem:s22], [sflag:$0x5], $0x40, s17, s15, $0xb8;
	[tilespmem:$0x1F000] =	vst v63  }
0x64: {  	_ =	swait.ge [sflag:s12], $0x4000  }
0x65: {  	[sflag:s12] =	ssyncset.done $0x0  }
0x66: {  	s14 =	sadd.s32 $0xA700, s14;
	[sflag:s12] =	ssyncadd.s32 $0xFFFFC000  }
0x67: {  	[tilespmem:s22], [sflag:$0x4] =	stream.indirect.gather [hbm4b:s4+s15], $0x40, s14, s15, $0xb8;
	[tilespmem:$0x1F000] =	vst v63  }
0x68: {  	_ =	swait.ge [sflag:s23], $0x4000  }
0x69: {  	[sflag:s23] =	ssyncset.done $0x0  }
0x6a: {  	[sflag:s23] =	ssyncadd.s32 $0xFFFFC000  }
0x6b: {  	[spmem:s2] =	stream.indirect.scatter.add.f32 [tilespmem:s16], [sflag:$0x5], $0x40, s28, s15, $0xb8;
	[tilespmem:$0x1F000] =	vst v63  }
0x6c: {  	_ =	swait.ge [sflag:s12], $0x4000  }
0x6d: {  	[sflag:s12] =	ssyncset.done $0x0  }
0x6e: {  	[sflag:s12] =	ssyncadd.s32 $0xFFFFC000  }
0x6f: {  	_ =	swait.ge [sflag:s24], $0x4000  }
0x70: {  	[sflag:s24] =	ssyncset.done $0x0  }
0x71: {  	[sflag:s24] =	ssyncadd.s32 $0xFFFFC000  }
0x72: {  	[spmem:s2] =	stream.indirect.scatter.add.f32 [tilespmem:s18], [sflag:$0x5], $0x40, s29, s15, $0xb8;
	[tilespmem:$0x1F000] =	vst v63  }
0x73: {  	_ =	swait.ge [sflag:s12], $0x4000  }
0x74: {  	[sflag:s12] =	ssyncset.done $0x0  }
0x75: {  	[sflag:s12] =	ssyncadd.s32 $0xFFFFC000  }
0x76: {  	_ =	swait.ge [sflag:s25], $0x4000  }
0x77: {  	[sflag:s25] =	ssyncset.done $0x0  }
0x78: {  	[sflag:s25] =	ssyncadd.s32 $0xFFFFC000  }
0x79: {  	[spmem:s2] =	stream.indirect.scatter.add.f32 [tilespmem:s20], [sflag:$0x5], $0x40, s30, s15, $0xb8;
	[tilespmem:$0x1F000] =	vst v63  }
0x7a: {  	_ =	swait.ge [sflag:s12], $0x4000  }
0x7b: {  	[sflag:s12] =	ssyncset.done $0x0  }
0x7c: {  	[sflag:s12] =	ssyncadd.s32 $0xFFFFC000  }
0x7d: {  	_ =	swait.ge [sflag:s26], $0x4000  }
0x7e: {  	[sflag:s26] =	ssyncset.done $0x0  }
0x7f: {  	[sflag:s26] =	ssyncadd.s32 $0xFFFFC000  }
0x80: {  	[spmem:s2] =	stream.indirect.scatter.add.f32 [tilespmem:s22], [sflag:$0x5], $0x40, s31, s15, $0xb8;
	[tilespmem:$0x1F000] =	vst v63  }
0x81: {  	_ =	swait.ge [sflag:s12], $0x4000  }
0x82: {  	s0 =	sadd.s32 $0x1, s0;
	[sflag:s12] =	ssyncset.done $0x0  }
0x83: {  	p0 =	sne.s32 s0, s10;
	[sflag:s12] =	ssyncadd.s32 $0xFFFFC000  }
.Ltmp1:
0x84: {  	[bflag:$0x0] =	sbarrier.arrive $0xFFFF;
	(pc) =	sbr.rel @p0 .LBB2_1-.Ltmp1, $4  }
0x85: {  	[hbm:s9], [sflag:s6] =	dma.local [spmem:s11], $0x1400  }
0x86: {  	_ =	swait.ge [sflag:s12], $0x1400  }
0x87: {  	[sflag:s12] =	ssyncset.done $0x0  }
0x88: {  	[sflag:s12] =	ssyncadd.s32 $0xFFFFEC00  }
0x89: {  	_ =	sfence.sel $0x180000  }
0x8a: {  	[bflag:$0x0] =	sbarrier.arrive $0xFFFF  }
0x8b: {  	_ =	strace $0x9000004A  }
0x8c: {  	s0 =	stileid.u32;
	[bflag:$0x2] =	sbarrier.arrive $0xFFFF  }
0x8d: {  	p0 =	sne.s32 s0, $0x0;
	s0 =	rddreg [dreg:$0x2]  }
0x8e: {  	s0 =	sadd.s32 @!p0 $0x100000, s0  }
0x8f: {  	[sflag:s0] =	ssyncadd.tile.s32 @!p0 $0x1;
	_ =	shalt  }
.Lfunc_end2:
_tile_overlayer_lowered:
.L_overlay_start_2:
0x90: {  	(tag) =	ssettag $0x2  }
0x91: {  	s0 =	rddreg [dreg:$0x0];
	s2 =	stileid.u32  }
0x92: {  	s1 =	rddreg [dreg:$0x1];
	p0 =	sne.s32 s2, $0x0  }
0x93: {  	s3 =	rddreg [dreg:$0x2];
	[bflag:$0x3] =	sbarrier.arrive $0xFFFF;
	s2 =	simm.s32 @!p0 $0x1C05  }
0x94: {  	[timem:s3], [sflag:s2] =	dma.local @!p0 [hbm:s0], s1  }
0x95: {  	s0 =	simm.s32 @!p0 $0x5  }
0x96: {  	_ =	swait.ge @!p0 [sflag:s0], s1  }
0x97: {  	s1 =	ssub.s32 @!p0 $0x0, s1;
	[sflag:s0] =	ssyncset.done @!p0 $0x0  }
0x98: {  	[sflag:s0] =	ssyncadd.s32 @!p0 s1  }
0x99: {  	[bflag:$0x3] =	sbarrier.arrive $0xFFFF  }
0x9a: {  	_ =	shalt  }

// kernel: kernel.16.cloned.1.call-start
scs
__scs_entry_jumppad:
0x0: {  	(pc) =	sbr.rel $0x88, $3  }
0x1: {  	(tag) =	ssettag $0x0;
	lr =	simm.s32 $0x1  }
0x2: {  	[smem:$0x3F95] =	sst lr;
	_ =	strace $0xD0000000  }
0x3: {  	_ = 	snop  }
0x4: {  	_ = 	snop  }
0x5: {  	_ = 	snop  }
0x6: {  	_ = 	snop  }
0x7: {  	_ = 	snop  }
__scs_overlays_trampoline_lowered:
0x8: {  	[smem:$0x3FA4] =	sst s0  }
0x9: {  	[smem:$0x3FA5] =	sst s1  }
0xa: {  	[smem:$0x3FA6] =	sst s2  }
0xb: {  	[smem:$0x3FA7] =	sst s3  }
0xc: {  	[smem:$0x3FA8] =	sst s4  }
0xd: {  	[smem:$0x3FA9] =	sst s5  }
0xe: {  	[smem:$0x3FAA] =	sst s6  }
0xf: {  	[smem:$0x3FAB] =	sst s7  }
0x10: {  	[smem:$0x3FAC] =	sst s8  }
0x11: {  	[smem:$0x3FAD] =	sst s9;
	s0 =	simm.s32 @!p0 $0x0  }
0x12: {  	s1 =	sld [smem:$0x3F93];
	s0 =	simm.s32 @p0 $0x1  }
0x13: {  	[smem:$0x3FAE] =	sst s0;
	s0 =	simm.s32 @!p1 $0x0  }
0x14: {  	s2 =	sld [smem:$0x3F92];
	s0 =	simm.s32 @p1 $0x1  }
0x15: {  	[smem:$0x3FAF] =	sst s0;
	s0 =	simm.s32 @!p2 $0x0  }
0x16: {  	s3 =	sld [smem:$0x3FDB];
	s0 =	simm.s32 @p2 $0x1  }
0x17: {  	s4 =	simm.s32 $0x1BF5;
	[smem:$0x3FB1] =	sst s0  }
0x18: {  	s0 =	sld [smem:$0x3F94];
	_ =	swait.ge [sflag:s4], $0x0  }
0x19: {  	s7 =	sld [smem:$0x3F95]  }
0x1a: {  	s8 =	sadd.s32 $0xFFFFE003, lr  }
0x1b: {  	s9 =	sadd.s32 $0xFFFFFEF7, lr;
	s5 =	simm.s32 $0xFFFFFFFF;
	p2 =	slt.u32 s8, $0xFFFFF086  }
0x1c: {  	p1 =	slt.u32 s9, $0xF7A;
	s5 =	simm.s32 @!p2 $0x0  }
0x1d: {  	s5 =	simm.s32 @p1 $0x1;
	p0 =	seq.s32 s7, s2  }
0x1e: {  	s7 =	smul.u32 @!p0 $0xF7A, s2;
	p2 =	seq.s32 @!p0 s5, $0x0  }
0x1f: {  	s9 =	smul.u32 $0xF7A, s1;
	s8 =	simm.s32 @!p0 $0x1BF5;
	p2 =	por !p2, p0  }
0x20: {  	[sflag:s8] =	ssyncset.s32 @!p0 $0xFFFFF086;
	s6 =	sadd.s32 @!p0 s3, s7;
	s7 =	simm.s32 @!p0 $0x108  }
0x21: {  	s3 =	sadd.s32 s3, s9;
	s6 =	sadd.s32 @!p0 $0x88, s6;
	s7 =	simm.s32 @p2 $0x1082  }
0x22: {  	[simem:s7], [sflag:s8] =	dma.local @!p0 [hbm:s6], $0xF7A  }
0x23: {  	s9 =	sor.u32 $0xD0000000, s2;
	s6 =	simm.s32 $0x108;
	_ =	swait.ge @!p0 [sflag:s8], $0x0  }
0x24: {  	s3 =	sadd.s32 $0x88, s3;
	s6 =	simm.s32 @!p1 $0x1082;
	[sflag:s4] =	ssyncset.s32 $0xFFFFF086  }
0x25: {  	[simem:s6], [sflag:s4] =	dma.local [hbm:s3], $0xF7A  }
0x26: {  	[smem:$0x3F95] =	sst s1;
	(tag) =	ssettag s2;
	_ =	strace s9  }
0x27: {  	s1 =	sld [smem:$0x3FA5]  }
0x28: {  	s2 =	sld [smem:$0x3FA6]  }
0x29: {  	s4 =	sld [smem:$0x3FA8]  }
0x2a: {  	p0 =	seq.s32 s5, $0x0;
	s5 =	sld [smem:$0x3FA9]  }
0x2b: {  	s6 =	sld [smem:$0x3FAA]  }
0x2c: {  	s7 =	sld [smem:$0x3FAB]  }
0x2d: {  	s3 =	simm.s32 $0x108;
	s8 =	sld [smem:$0x3FAC]  }
0x2e: {  	s3 =	simm.s32 @!p0 $0x1082;
	s9 =	sld [smem:$0x3FAD]  }
0x2f: {  	lr =	sadd.s32 s0, s3;
	s0 =	sld [smem:$0x3FA4]  }
0x30: {  	s3 =	sld [smem:$0x3FA7]  }
0x31: {  	[smem:$0x3FB0] =	sst s10  }
0x32: {  	s10 =	sld [smem:$0x3FAE];
	_ =	sdelay $0x3  }
0x33: {  	p0 =	seq.s32 s10, $0x1;
	s10 =	sld [smem:$0x3FB0];
	_ =	sdelay $0x3  }
0x34: {  	[smem:$0x3FB0] =	sst s10  }
0x35: {  	s10 =	sld [smem:$0x3FAF];
	_ =	sdelay $0x3  }
0x36: {  	p1 =	seq.s32 s10, $0x1;
	s10 =	sld [smem:$0x3FB0];
	_ =	sdelay $0x3  }
0x37: {  	[smem:$0x3FB0] =	sst s10  }
0x38: {  	s10 =	sld [smem:$0x3FB1]  }
0x39: {  	_ = 	snop;
	(pc) =	sbr.ind lr, $3  }
0x3a: {  	_ = 	snop  }
0x3b: {  	_ = 	snop  }
0x3c: {  	p2 =	seq.s32 s10, $0x1;
	s10 =	sld [smem:$0x3FB0]  }
0x3d: {  	_ =	shalt  }
0x3e: {  	_ =	shalt  }
0x3f: {  	_ =	shalt  }
0x40: {  	_ =	shalt  }
0x41: {  	_ =	shalt  }
0x42: {  	_ =	shalt  }
0x43: {  	_ =	shalt  }
0x44: {  	_ =	shalt  }
0x45: {  	_ =	shalt  }
0x46: {  	_ =	shalt  }
0x47: {  	_ =	shalt  }
0x48: {  	_ =	shalt  }
0x49: {  	_ =	shalt  }
0x4a: {  	_ =	shalt  }
0x4b: {  	_ =	shalt  }
0x4c: {  	_ =	shalt  }
0x4d: {  	_ =	shalt  }
0x4e: {  	_ =	shalt  }
0x4f: {  	_ =	shalt  }
0x50: {  	_ =	shalt  }
0x51: {  	_ =	shalt  }
0x52: {  	_ =	shalt  }
0x53: {  	_ =	shalt  }
0x54: {  	_ =	shalt  }
0x55: {  	_ =	shalt  }
0x56: {  	_ =	shalt  }
0x57: {  	_ =	shalt  }
0x58: {  	_ =	shalt  }
0x59: {  	_ =	shalt  }
0x5a: {  	_ =	shalt  }
0x5b: {  	_ =	shalt  }
0x5c: {  	_ =	shalt  }
0x5d: {  	_ =	shalt  }
0x5e: {  	_ =	shalt  }
0x5f: {  	_ =	shalt  }
0x60: {  	_ =	shalt  }
0x61: {  	_ =	shalt  }
0x62: {  	_ =	shalt  }
0x63: {  	_ =	shalt  }
0x64: {  	_ =	shalt  }
0x65: {  	_ =	shalt  }
0x66: {  	_ =	shalt  }
0x67: {  	_ =	shalt  }
0x68: {  	_ =	shalt  }
0x69: {  	_ =	shalt  }
0x6a: {  	_ =	shalt  }
0x6b: {  	_ =	shalt  }
0x6c: {  	_ =	shalt  }
0x6d: {  	_ =	shalt  }
0x6e: {  	_ =	shalt  }
0x6f: {  	_ =	shalt  }
0x70: {  	_ =	shalt  }
0x71: {  	_ =	shalt  }
0x72: {  	_ =	shalt  }
0x73: {  	_ =	shalt  }
0x74: {  	_ =	shalt  }
0x75: {  	_ =	shalt  }
0x76: {  	_ =	shalt  }
0x77: {  	_ =	shalt  }
0x78: {  	_ =	shalt  }
0x79: {  	_ =	shalt  }
0x7a: {  	_ =	shalt  }
0x7b: {  	_ =	shalt  }
0x7c: {  	_ =	shalt  }
0x7d: {  	_ =	shalt  }
0x7e: {  	_ =	shalt  }
0x7f: {  	_ =	shalt  }
0x80: {  	_ =	shalt  }
0x81: {  	_ =	shalt  }
0x82: {  	_ =	shalt  }
0x83: {  	_ =	shalt  }
0x84: {  	_ =	shalt  }
0x85: {  	_ =	shalt  }
0x86: {  	_ =	shalt  }
0x87: {  	_ =	shalt  }
.Lfunc_end0:
.L_simem_size_0:
called_computation.2_lowered:
.L_overlay_start_0:
0x88: {  	s2 =	sld [smem:$0x3FD9]  }
0x89: {  	s3 =	sld [smem:$0x3FFE];
	_ =	sdelay $0x1  }
0x8a: {  	s1 =	srdreg.scid  }
0x8b: {  	s0 =	sand.u32 $0x1, s1  }
0x8c: {  	s16 =	sshll.u32 s0, $0xA;
	s2 =	sadd.s32 s3, s2  }
0x8d: {  	s2 =	sadd.s32 s2, s16  }
0x8e: {  	[smem:$0x3FBC] =	sst s2  }
0x8f: {  	_ = 	snop  }
0x90: {  	(tm) =	ssettm $0x1  }
0x91: {  	s17 =	sld [smem:$0x3FFB];
	_ =	sdelay $0x3  }
0x92: {  	_ =	strace s17  }
0x93: {  	s2 =	sld [smem:$0x3FFC];
	_ =	sdelay $0x3  }
0x94: {  	_ =	strace s2  }
0x95: {  	s2 =	sld [smem:$0x3FFD];
	_ =	sdelay $0x3  }
0x96: {  	_ =	strace s2  }
0x97: {  	_ =	strace $0x8FFFFFFF  }
0x98: {  	s18 =	sld [smem:$0x3FDB];
	_ =	sdelay $0x1  }
0x99: {  	s19 =	simm.s32 $_scs_section_size  }
0x9a: {  	s4 =	simm.s32 $_size__tile_overlayer_lowered;
	s5 =	simm.s32 $_tile_overlayer_lowered  }
0x9b: {  	s22 =	simm.s32 $0x1BFF;
	s21 =	sshll.u32 s5, $0x1;
	s2 =	sadd.s32 s19, s18  }
0x9c: {  	s6 =	simm.s32 $0x0;
	s20 =	sshll.u32 s4, $0x1;
	s4 =	sadd.s32 s21, s2  }
0x9d: {  	[timem:s6], [sflag:s22] =	dma.local [hbm:s4], s20  }
0x9e: {  	_ =	swait.ge [sflag:s22], s20  }
0x9f: {  	s3 =	ssub.s32 $0x0, s20;
	[sflag:s22] =	ssyncset.done $0x0  }
0xa0: {  	[sflag:s22] =	ssyncadd.s32 s3;
	_ =	sdelay $0x1  }
0xa1: {  	s23 =	simm.s32 $0x1B8B  }
0xa2: {  	_ =	swait.ge [sflag:s23], $0x1  }
0xa3: {  	[sflag:s23] =	ssyncset.done $0x0  }
0xa4: {  	s25 =	simm.s32 $0x1B8E;
	s24 =	sld [smem:$0x3FFE];
	[sflag:s23] =	ssyncadd.s32 $0xFFFFFFFF  }
0xa5: {  	s26 =	simm.s32 $execute0_lowered;
	[smem:$0x3FD2] =	sst s25  }
0xa6: {  	s4 =	sshll.u32 s26, $0x1;
	_ =	strace $0x8000004C;
	[dreg:$0x1] =	wrdreg $0xFFFFFFFF  }
0xa7: {  	s28 =	simm.s32 $_size_execute0_lowered;
	s2 =	sadd.s32 s2, s4;
	[dreg:$0x0] =	wrdreg $0x0  }
0xa8: {  	s4 =	sshll.u32 s28, $0x1;
	[dreg:$0x2] =	wrdreg s2  }
0xa9: {  	[dreg:$0x3] =	wrdreg s4  }
0xaa: {  	[dreg:$0x4] =	wrdreg $0xC0  }
0xab: {  	_ =	task [dreg:s6], $0x5FFFF  }
0xac: {  	[dreg:$0x1] =	wrdreg $0xFFFFFFFF  }
0xad: {  	[dreg:$0x0] =	wrdreg $0x60  }
0xae: {  	[dreg:$0x2] =	wrdreg s24  }
0xaf: {  	[dreg:$0x3] =	wrdreg $0x0  }
0xb0: {  	[dreg:$0x4] =	wrdreg $0x9  }
0xb1: {  	_ =	task.clear_ibuf [dreg:s6], $0x5FFFF;
	_ =	strace $0x9000004C  }
0xb2: {  	s29 =	simm.s32 $0x9;
	_ =	strace $0x8000004E  }
0xb3: {  	_ =	swait.ge [sflag:s29], $0x1  }
0xb4: {  	[sflag:s29] =	ssyncadd.s32 $0xFFFFFFFF  }
0xb5: {  	_ =	strace $0x9000004E  }
0xb6: {  	_ =	sfence  }
0xb7: {  	s30 =	sld [smem:$0x0];
	_ =	sdelay $0x2  }
0xb8: {  	s31 =	sshll.u32 s1, $0xD;
	s1 =	sshrl.u32 s1, $0x2  }
0xb9: {  	s3 =	sand.u32 $0x4000, s31;
	s1 =	sadd.s32 s1, s30  }
0xba: {  	s0 =	sor.u32 s3, s0;
	s1 =	sshll.u32 s1, $0x11  }
0xbb: {  	s0 =	sor.u32 s1, s0  }
0xbc: {  	s0 =	sadd.s32 $0x8F2B, s0  }
0xbd: {  	[sflag:s0] =	ssyncadd.remote.s32 $0x1  }
0xbe: {  	_ =	sfence.sel $0xFFFF  }
0xbf: {  	[dreg:$0x0] =	wrdreg $0xFFFFFFFF;
	(pc) =	sbr.abs _section_cstart, $3  }
0xc0: {  	[dreg:$0x1] =	wrdreg $0xFFFFFFFF  }
0xc1: {  	_ =	task.clear_ibuf [dreg:s6], $0x2FFFF;
	_ =	strace $0x9FFFFFFF  }
0xc2: {  	(tm) =	ssettm $0x7FFFFFFF  }
0xc3: {  	_ =	shalt  }
tec
execute0_lowered:
.L_overlay_start_1:
0x0: {  	(tag) =	ssettag $0x1  }
0x1: {  	s0 =	rddreg [dreg:$0x0]  }
0x2: {  	s2 =	rddreg [dreg:$0x1]  }
0x3: {  	s1 =	srdreg.scid;
	s10 =	stileid.u32;
	s3 =	simm.s32 $0x0  }
0x4: {  	s12 =	simm.s32 $0x5;
	s13 =	simm.s32 $0xA000;
	s15 =	simm.s32 $0x100  }
0x5: {  	s16 =	simm.s32 $0xF000;
	s18 =	simm.s32 $0x13000;
	s19 =	simm.s32 $0xA200  }
0x6: {  	s20 =	simm.s32 $0x17000;
	s21 =	simm.s32 $0xA300;
	s22 =	simm.s32 $0x1B000  }
0x7: {  	s23 =	simm.s32 $0x1;
	s24 =	simm.s32 $0x2;
	s25 =	simm.s32 $0x3  }
0x8: {  	s28 =	simm.s32 $0xEC00;
	s29 =	simm.s32 $0xED00;
	s30 =	simm.s32 $0xEE00  }
0x9: {  	s31 =	simm.s32 $0xEF00;
	s1 =	sand.u32 $0x1, s1;
	s5 =	smul.u32 $0xA000, s10  }
0xa: {  	[smem:$0x7FF] =	sst s3;
	s26 =	sshll.u32 s10, $0x6;
	s4 =	sshll.u32 s1, $0x4  }
0xb: {  	s6 =	smul.u32 $0xA0000, s1;
	_ =	strace $0x8000004D;
	s1 =	ssub.s32 $0x2, s1  }
0xc: {  	s4 =	sor.u32 s10, s4;
	s8 =	sshrl.u32 s1, $0x1;
	s11 =	sadd.s32 s5, s2  }
0xd: {  	s7 =	smul.u32 $0x2800, s4;
	s4 =	sadd.s32 $0x16E00, s0;
	s6 =	sadd.s32 s5, s6  }
0xe: {  	s1 =	ssub.s32 s1, s8;
	s5 =	sshrl.u32 s5, $0x3;
	s11 =	sshrl.u32 s11, $0x3  }
0xf: {  	s6 =	sshrl.u32 s6, $0x3;
	s5 =	sadd.s32 s4, s5;
	s7 =	sshrl.u32 s7, $0x3  }
0x10: {  	s10 =	smax.u32 s1, $0x1;
	s9 =	sadd.s32 s7, s0;
	s0 =	sadd.s32 s6, s0  }
0x11: {  	s6 =	sor.u32 $0x1C05, s26;
	s26 =	simm.s32 $0x4;
	s7 =	sadd.s32 $0x2E00, s9  }
0x12: {  	s8 =	sadd.s32 $0xCE00, s9;
	s9 =	sadd.s32 $0x2AE00, s0;
	s0 =	simm.s32 $0x0  }
.LBB2_1:
0x13: {  	[spmem:s11], [sflag:s6] =	dma.local [hbm:s5], $0x1400  }
0x14: {  	_ =	swait.ge [sflag:s12], $0x1400  }
0x15: {  	[sflag:s12] =	ssyncset.done $0x0  }
0x16: {  	[sflag:s12] =	ssyncadd.s32 $0xFFFFEC00  }
0x17: {  	[tilespmem:s13], [sflag:$0x5] =	stream.linear.gather [hbm4b:s7+s3], $0x2800, $0x38;
	[tilespmem:$0x1F000] =	vst v63  }
0x18: {  	_ =	swait.ge [sflag:s12], $0x2800  }
0x19: {  	[sflag:s12] =	ssyncset.done $0x0  }
0x1a: {  	s1 =	simm.s32 $0xC800;
	[sflag:s12] =	ssyncadd.s32 $0xFFFFD800  }
0x1b: {  	[tilespmem:s1], [sflag:$0x5] =	stream.linear.gather [hbm4b:s8+s3], $0x2800, $0x38;
	[tilespmem:$0x1F000] =	vst v63  }
0x1c: {  	_ =	swait.ge [sflag:s12], $0x2800  }
0x1d: {  	[sflag:s12] =	ssyncset.done $0x0  }
0x1e: {  	[sflag:s12] =	ssyncadd.s32 $0xFFFFD800  }
0x1f: {  	[bflag:$0x0] =	sbarrier.arrive $0xFFFF  }
0x20: {  	[tilespmem:s16], [sflag:$0x1] =	stream.indirect.gather [hbm4b:s4+s15], $0x40, s13, s15, $0xb8;
	[tilespmem:$0x1F000] =	vst v63  }
0x21: {  	s14 =	simm.s32 $0xA100  }
0x22: {  	[tilespmem:s18], [sflag:$0x2] =	stream.indirect.gather [hbm4b:s4+s15], $0x40, s14, s15, $0xb8;
	[tilespmem:$0x1F000] =	vst v63  }
0x23: {  	_ = 	snop  }
0x24: {  	[tilespmem:s20], [sflag:$0x3] =	stream.indirect.gather [hbm4b:s4+s15], $0x40, s19, s15, $0xb8;
	[tilespmem:$0x1F000] =	vst v63  }
0x25: {  	_ = 	snop  }
0x26: {  	[tilespmem:s22], [sflag:$0x4] =	stream.indirect.gather [hbm4b:s4+s15], $0x40, s21, s15, $0xb8;
	[tilespmem:$0x1F000] =	vst v63  }
0x27: {  	_ =	swait.ge [sflag:s23], $0x4000  }
0x28: {  	[sflag:s23] =	ssyncset.done $0x0  }
0x29: {  	s17 =	simm.s32 $0xC800;
	[sflag:s23] =	ssyncadd.s32 $0xFFFFC000  }
0x2a: {  	[spmem:s2] =	stream.indirect.scatter.add.f32 [tilespmem:s16], [sflag:$0x5], $0x40, s17, s15, $0xb8;
	[tilespmem:$0x1F000] =	vst v63  }
0x2b: {  	_ =	swait.ge [sflag:s12], $0x4000  }
0x2c: {  	[sflag:s12] =	ssyncset.done $0x0  }
0x2d: {  	s14 =	simm.s32 $0xA400;
	[sflag:s12] =	ssyncadd.s32 $0xFFFFC000  }
0x2e: {  	[tilespmem:s16], [sflag:$0x1] =	stream.indirect.gather [hbm4b:s4+s15], $0x40, s14, s15, $0xb8;
	[tilespmem:$0x1F000] =	vst v63  }
0x2f: {  	_ =	swait.ge [sflag:s24], $0x4000  }
0x30: {  	[sflag:s24] =	ssyncset.done $0x0  }
0x31: {  	s17 =	simm.s32 $0xC900;
	[sflag:s24] =	ssyncadd.s32 $0xFFFFC000  }
0x32: {  	[spmem:s2] =	stream.indirect.scatter.add.f32 [tilespmem:s18], [sflag:$0x5], $0x40, s17, s15, $0xb8;
	[tilespmem:$0x1F000] =	vst v63  }
0x33: {  	_ =	swait.ge [sflag:s12], $0x4000  }
0x34: {  	[sflag:s12] =	ssyncset.done $0x0  }
0x35: {  	s14 =	simm.s32 $0xA500;
	[sflag:s12] =	ssyncadd.s32 $0xFFFFC000  }
0x36: {  	[tilespmem:s18], [sflag:$0x2] =	stream.indirect.gather [hbm4b:s4+s15], $0x40, s14, s15, $0xb8;
	[tilespmem:$0x1F000] =	vst v63  }
0x37: {  	_ =	swait.ge [sflag:s25], $0x4000  }
0x38: {  	[sflag:s25] =	ssyncset.done $0x0  }
0x39: {  	s17 =	simm.s32 $0xCA00;
	[sflag:s25] =	ssyncadd.s32 $0xFFFFC000  }
0x3a: {  	[spmem:s2] =	stream.indirect.scatter.add.f32 [tilespmem:s20], [sflag:$0x5], $0x40, s17, s15, $0xb8;
	[tilespmem:$0x1F000] =	vst v63  }
0x3b: {  	_ =	swait.ge [sflag:s12], $0x4000  }
0x3c: {  	[sflag:s12] =	ssyncset.done $0x0  }
0x3d: {  	s14 =	simm.s32 $0xA600;
	[sflag:s12] =	ssyncadd.s32 $0xFFFFC000  }
0x3e: {  	[tilespmem:s20], [sflag:$0x3] =	stream.indirect.gather [hbm4b:s4+s15], $0x40, s14, s15, $0xb8;
	[tilespmem:$0x1F000] =	vst v63  }
0x3f: {  	_ =	swait.ge [sflag:s26], $0x4000  }
0x40: {  	[sflag:s26] =	ssyncset.done $0x0  }
0x41: {  	s17 =	simm.s32 $0xCB00;
	[sflag:s26] =	ssyncadd.s32 $0xFFFFC000  }
0x42: {  	[spmem:s2] =	stream.indirect.scatter.add.f32 [tilespmem:s22], [sflag:$0x5], $0x40, s17, s15, $0xb8;
	[tilespmem:$0x1F000] =	vst v63  }
0x43: {  	_ =	swait.ge [sflag:s12], $0x4000  }
0x44: {  	[sflag:s12] =	ssyncset.done $0x0  }
0x45: {  	s1 =	simm.s32 $0x1000;
	s14 =	simm.s32 $0xA700;
	[sflag:s12] =	ssyncadd.s32 $0xFFFFC000  }
.LBB2_2:
0x46: {  	[tilespmem:s22], [sflag:$0x4] =	stream.indirect.gather [hbm4b:s4+s15], $0x40, s14, s15, $0xb8;
	[tilespmem:$0x1F000] =	vst v63  }
0x47: {  	s14 =	smov.u32 s1  }
0x48: {  	p0 =	sne.s32 s1, $0x8000;
	s1 =	sadd.s32 $0x1000, s1;
	_ =	swait.ge [sflag:s23], $0x4000  }
0x49: {  	s14 =	sshra.s32 s14, $0x2;
	[sflag:s23] =	ssyncset.done $0x0  }
0x4a: {  	s17 =	sadd.s32 $0xC800, s14;
	[sflag:s23] =	ssyncadd.s32 $0xFFFFC000  }
0x4b: {  	[spmem:s2] =	stream.indirect.scatter.add.f32 [tilespmem:s16], [sflag:$0x5], $0x40, s17, s15, $0xb8;
	[tilespmem:$0x1F000] =	vst v63  }
0x4c: {  	_ =	swait.ge [sflag:s12], $0x4000  }
0x4d: {  	[sflag:s12] =	ssyncset.done $0x0  }
0x4e: {  	s17 =	sadd.s32 $0xA400, s14;
	[sflag:s12] =	ssyncadd.s32 $0xFFFFC000  }
0x4f: {  	[tilespmem:s16], [sflag:$0x1] =	stream.indirect.gather [hbm4b:s4+s15], $0x40, s17, s15, $0xb8;
	[tilespmem:$0x1F000] =	vst v63  }
0x50: {  	_ =	swait.ge [sflag:s24], $0x4000  }
0x51: {  	[sflag:s24] =	ssyncset.done $0x0  }
0x52: {  	s17 =	sadd.s32 $0xC900, s14;
	[sflag:s24] =	ssyncadd.s32 $0xFFFFC000  }
0x53: {  	[spmem:s2] =	stream.indirect.scatter.add.f32 [tilespmem:s18], [sflag:$0x5], $0x40, s17, s15, $0xb8;
	[tilespmem:$0x1F000] =	vst v63  }
0x54: {  	_ =	swait.ge [sflag:s12], $0x4000  }
0x55: {  	[sflag:s12] =	ssyncset.done $0x0  }
0x56: {  	s17 =	sadd.s32 $0xA500, s14;
	[sflag:s12] =	ssyncadd.s32 $0xFFFFC000  }
0x57: {  	[tilespmem:s18], [sflag:$0x2] =	stream.indirect.gather [hbm4b:s4+s15], $0x40, s17, s15, $0xb8;
	[tilespmem:$0x1F000] =	vst v63  }
0x58: {  	_ =	swait.ge [sflag:s25], $0x4000  }
0x59: {  	[sflag:s25] =	ssyncset.done $0x0  }
0x5a: {  	s17 =	sadd.s32 $0xCA00, s14;
	[sflag:s25] =	ssyncadd.s32 $0xFFFFC000  }
0x5b: {  	[spmem:s2] =	stream.indirect.scatter.add.f32 [tilespmem:s20], [sflag:$0x5], $0x40, s17, s15, $0xb8;
	[tilespmem:$0x1F000] =	vst v63  }
0x5c: {  	_ =	swait.ge [sflag:s12], $0x4000  }
0x5d: {  	[sflag:s12] =	ssyncset.done $0x0  }
0x5e: {  	s17 =	sadd.s32 $0xA600, s14;
	[sflag:s12] =	ssyncadd.s32 $0xFFFFC000  }
0x5f: {  	[tilespmem:s20], [sflag:$0x3] =	stream.indirect.gather [hbm4b:s4+s15], $0x40, s17, s15, $0xb8;
	[tilespmem:$0x1F000] =	vst v63  }
0x60: {  	_ =	swait.ge [sflag:s26], $0x4000  }
0x61: {  	[sflag:s26] =	ssyncset.done $0x0  }
.Ltmp0:
0x62: {  	s17 =	sadd.s32 $0xCB00, s14;
	[sflag:s26] =	ssyncadd.s32 $0xFFFFC000;
	(pc) =	sbr.rel @p0 .LBB2_2-.Ltmp0, $4  }
0x63: {  	[spmem:s2] =	stream.indirect.scatter.add.f32 [tilespmem:s22], [sflag:$0x5], $0x40, s17, s15, $0xb8;
	[tilespmem:$0x1F000] =	vst v63  }
0x64: {  	_ =	swait.ge [sflag:s12], $0x4000  }
0x65: {  	[sflag:s12] =	ssyncset.done $0x0  }
0x66: {  	s14 =	sadd.s32 $0xA700, s14;
	[sflag:s12] =	ssyncadd.s32 $0xFFFFC000  }
0x67: {  	[tilespmem:s22], [sflag:$0x4] =	stream.indirect.gather [hbm4b:s4+s15], $0x40, s14, s15, $0xb8;
	[tilespmem:$0x1F000] =	vst v63  }
0x68: {  	_ =	swait.ge [sflag:s23], $0x4000  }
0x69: {  	[sflag:s23] =	ssyncset.done $0x0  }
0x6a: {  	[sflag:s23] =	ssyncadd.s32 $0xFFFFC000  }
0x6b: {  	[spmem:s2] =	stream.indirect.scatter.add.f32 [tilespmem:s16], [sflag:$0x5], $0x40, s28, s15, $0xb8;
	[tilespmem:$0x1F000] =	vst v63  }
0x6c: {  	_ =	swait.ge [sflag:s12], $0x4000  }
0x6d: {  	[sflag:s12] =	ssyncset.done $0x0  }
0x6e: {  	[sflag:s12] =	ssyncadd.s32 $0xFFFFC000  }
0x6f: {  	_ =	swait.ge [sflag:s24], $0x4000  }
0x70: {  	[sflag:s24] =	ssyncset.done $0x0  }
0x71: {  	[sflag:s24] =	ssyncadd.s32 $0xFFFFC000  }
0x72: {  	[spmem:s2] =	stream.indirect.scatter.add.f32 [tilespmem:s18], [sflag:$0x5], $0x40, s29, s15, $0xb8;
	[tilespmem:$0x1F000] =	vst v63  }
0x73: {  	_ =	swait.ge [sflag:s12], $0x4000  }
0x74: {  	[sflag:s12] =	ssyncset.done $0x0  }
0x75: {  	[sflag:s12] =	ssyncadd.s32 $0xFFFFC000  }
0x76: {  	_ =	swait.ge [sflag:s25], $0x4000  }
0x77: {  	[sflag:s25] =	ssyncset.done $0x0  }
0x78: {  	[sflag:s25] =	ssyncadd.s32 $0xFFFFC000  }
0x79: {  	[spmem:s2] =	stream.indirect.scatter.add.f32 [tilespmem:s20], [sflag:$0x5], $0x40, s30, s15, $0xb8;
	[tilespmem:$0x1F000] =	vst v63  }
0x7a: {  	_ =	swait.ge [sflag:s12], $0x4000  }
0x7b: {  	[sflag:s12] =	ssyncset.done $0x0  }
0x7c: {  	[sflag:s12] =	ssyncadd.s32 $0xFFFFC000  }
0x7d: {  	_ =	swait.ge [sflag:s26], $0x4000  }
0x7e: {  	[sflag:s26] =	ssyncset.done $0x0  }
0x7f: {  	[sflag:s26] =	ssyncadd.s32 $0xFFFFC000  }
0x80: {  	[spmem:s2] =	stream.indirect.scatter.add.f32 [tilespmem:s22], [sflag:$0x5], $0x40, s31, s15, $0xb8;
	[tilespmem:$0x1F000] =	vst v63  }
0x81: {  	_ =	swait.ge [sflag:s12], $0x4000  }
0x82: {  	s0 =	sadd.s32 $0x1, s0;
	[sflag:s12] =	ssyncset.done $0x0  }
0x83: {  	p0 =	sne.s32 s0, s10;
	[sflag:s12] =	ssyncadd.s32 $0xFFFFC000  }
.Ltmp1:
0x84: {  	[bflag:$0x0] =	sbarrier.arrive $0xFFFF;
	(pc) =	sbr.rel @p0 .LBB2_1-.Ltmp1, $4  }
0x85: {  	[hbm:s9], [sflag:s6] =	dma.local [spmem:s11], $0x1400  }
0x86: {  	_ =	swait.ge [sflag:s12], $0x1400  }
0x87: {  	[sflag:s12] =	ssyncset.done $0x0  }
0x88: {  	[sflag:s12] =	ssyncadd.s32 $0xFFFFEC00  }
0x89: {  	_ =	sfence.sel $0x180000  }
0x8a: {  	[bflag:$0x0] =	sbarrier.arrive $0xFFFF  }
0x8b: {  	_ =	strace $0x9000004D  }
0x8c: {  	s0 =	stileid.u32;
	[bflag:$0x2] =	sbarrier.arrive $0xFFFF  }
0x8d: {  	p0 =	sne.s32 s0, $0x0;
	s0 =	rddreg [dreg:$0x2]  }
0x8e: {  	s0 =	sadd.s32 @!p0 $0x100000, s0  }
0x8f: {  	[sflag:s0] =	ssyncadd.tile.s32 @!p0 $0x1;
	_ =	shalt  }
.Lfunc_end2:
_tile_overlayer_lowered:
.L_overlay_start_2:
0x90: {  	(tag) =	ssettag $0x2  }
0x91: {  	s0 =	rddreg [dreg:$0x0];
	s2 =	stileid.u32  }
0x92: {  	s1 =	rddreg [dreg:$0x1];
	p0 =	sne.s32 s2, $0x0  }
0x93: {  	s3 =	rddreg [dreg:$0x2];
	[bflag:$0x3] =	sbarrier.arrive $0xFFFF;
	s2 =	simm.s32 @!p0 $0x1C05  }
0x94: {  	[timem:s3], [sflag:s2] =	dma.local @!p0 [hbm:s0], s1  }
0x95: {  	s0 =	simm.s32 @!p0 $0x5  }
0x96: {  	_ =	swait.ge @!p0 [sflag:s0], s1  }
0x97: {  	s1 =	ssub.s32 @!p0 $0x0, s1;
	[sflag:s0] =	ssyncset.done @!p0 $0x0  }
0x98: {  	[sflag:s0] =	ssyncadd.s32 @!p0 s1  }
0x99: {  	[bflag:$0x3] =	sbarrier.arrive $0xFFFF  }
0x9a: {  	_ =	shalt  }

// kernel: kernel.19.cloned.1.call-start
scs
__scs_entry_jumppad:
0x0: {  	(pc) =	sbr.rel $0x88, $3  }
0x1: {  	(tag) =	ssettag $0x0;
	lr =	simm.s32 $0x1  }
0x2: {  	[smem:$0x3F95] =	sst lr;
	_ =	strace $0xD0000000  }
0x3: {  	_ = 	snop  }
0x4: {  	_ = 	snop  }
0x5: {  	_ = 	snop  }
0x6: {  	_ = 	snop  }
0x7: {  	_ = 	snop  }
__scs_overlays_trampoline_lowered:
0x8: {  	[smem:$0x3FA4] =	sst s0  }
0x9: {  	[smem:$0x3FA5] =	sst s1  }
0xa: {  	[smem:$0x3FA6] =	sst s2  }
0xb: {  	[smem:$0x3FA7] =	sst s3  }
0xc: {  	[smem:$0x3FA8] =	sst s4  }
0xd: {  	[smem:$0x3FA9] =	sst s5  }
0xe: {  	[smem:$0x3FAA] =	sst s6  }
0xf: {  	[smem:$0x3FAB] =	sst s7  }
0x10: {  	[smem:$0x3FAC] =	sst s8  }
0x11: {  	[smem:$0x3FAD] =	sst s9;
	s0 =	simm.s32 @!p0 $0x0  }
0x12: {  	s1 =	sld [smem:$0x3F93];
	s0 =	simm.s32 @p0 $0x1  }
0x13: {  	[smem:$0x3FAE] =	sst s0;
	s0 =	simm.s32 @!p1 $0x0  }
0x14: {  	s2 =	sld [smem:$0x3F92];
	s0 =	simm.s32 @p1 $0x1  }
0x15: {  	[smem:$0x3FAF] =	sst s0;
	s0 =	simm.s32 @!p2 $0x0  }
0x16: {  	s3 =	sld [smem:$0x3FDB];
	s0 =	simm.s32 @p2 $0x1  }
0x17: {  	s4 =	simm.s32 $0x1BF5;
	[smem:$0x3FB1] =	sst s0  }
0x18: {  	s0 =	sld [smem:$0x3F94];
	_ =	swait.ge [sflag:s4], $0x0  }
0x19: {  	s7 =	sld [smem:$0x3F95]  }
0x1a: {  	s8 =	sadd.s32 $0xFFFFE003, lr  }
0x1b: {  	s9 =	sadd.s32 $0xFFFFFEF7, lr;
	s5 =	simm.s32 $0xFFFFFFFF;
	p2 =	slt.u32 s8, $0xFFFFF086  }
0x1c: {  	p1 =	slt.u32 s9, $0xF7A;
	s5 =	simm.s32 @!p2 $0x0  }
0x1d: {  	s5 =	simm.s32 @p1 $0x1;
	p0 =	seq.s32 s7, s2  }
0x1e: {  	s7 =	smul.u32 @!p0 $0xF7A, s2;
	p2 =	seq.s32 @!p0 s5, $0x0  }
0x1f: {  	s9 =	smul.u32 $0xF7A, s1;
	s8 =	simm.s32 @!p0 $0x1BF5;
	p2 =	por !p2, p0  }
0x20: {  	[sflag:s8] =	ssyncset.s32 @!p0 $0xFFFFF086;
	s6 =	sadd.s32 @!p0 s3, s7;
	s7 =	simm.s32 @!p0 $0x108  }
0x21: {  	s3 =	sadd.s32 s3, s9;
	s6 =	sadd.s32 @!p0 $0x88, s6;
	s7 =	simm.s32 @p2 $0x1082  }
0x22: {  	[simem:s7], [sflag:s8] =	dma.local @!p0 [hbm:s6], $0xF7A  }
0x23: {  	s9 =	sor.u32 $0xD0000000, s2;
	s6 =	simm.s32 $0x108;
	_ =	swait.ge @!p0 [sflag:s8], $0x0  }
0x24: {  	s3 =	sadd.s32 $0x88, s3;
	s6 =	simm.s32 @!p1 $0x1082;
	[sflag:s4] =	ssyncset.s32 $0xFFFFF086  }
0x25: {  	[simem:s6], [sflag:s4] =	dma.local [hbm:s3], $0xF7A  }
0x26: {  	[smem:$0x3F95] =	sst s1;
	(tag) =	ssettag s2;
	_ =	strace s9  }
0x27: {  	s1 =	sld [smem:$0x3FA5]  }
0x28: {  	s2 =	sld [smem:$0x3FA6]  }
0x29: {  	s4 =	sld [smem:$0x3FA8]  }
0x2a: {  	p0 =	seq.s32 s5, $0x0;
	s5 =	sld [smem:$0x3FA9]  }
0x2b: {  	s6 =	sld [smem:$0x3FAA]  }
0x2c: {  	s7 =	sld [smem:$0x3FAB]  }
0x2d: {  	s3 =	simm.s32 $0x108;
	s8 =	sld [smem:$0x3FAC]  }
0x2e: {  	s3 =	simm.s32 @!p0 $0x1082;
	s9 =	sld [smem:$0x3FAD]  }
0x2f: {  	lr =	sadd.s32 s0, s3;
	s0 =	sld [smem:$0x3FA4]  }
0x30: {  	s3 =	sld [smem:$0x3FA7]  }
0x31: {  	[smem:$0x3FB0] =	sst s10  }
0x32: {  	s10 =	sld [smem:$0x3FAE];
	_ =	sdelay $0x3  }
0x33: {  	p0 =	seq.s32 s10, $0x1;
	s10 =	sld [smem:$0x3FB0];
	_ =	sdelay $0x3  }
0x34: {  	[smem:$0x3FB0] =	sst s10  }
0x35: {  	s10 =	sld [smem:$0x3FAF];
	_ =	sdelay $0x3  }
0x36: {  	p1 =	seq.s32 s10, $0x1;
	s10 =	sld [smem:$0x3FB0];
	_ =	sdelay $0x3  }
0x37: {  	[smem:$0x3FB0] =	sst s10  }
0x38: {  	s10 =	sld [smem:$0x3FB1]  }
0x39: {  	_ = 	snop;
	(pc) =	sbr.ind lr, $3  }
0x3a: {  	_ = 	snop  }
0x3b: {  	_ = 	snop  }
0x3c: {  	p2 =	seq.s32 s10, $0x1;
	s10 =	sld [smem:$0x3FB0]  }
0x3d: {  	_ =	shalt  }
0x3e: {  	_ =	shalt  }
0x3f: {  	_ =	shalt  }
0x40: {  	_ =	shalt  }
0x41: {  	_ =	shalt  }
0x42: {  	_ =	shalt  }
0x43: {  	_ =	shalt  }
0x44: {  	_ =	shalt  }
0x45: {  	_ =	shalt  }
0x46: {  	_ =	shalt  }
0x47: {  	_ =	shalt  }
0x48: {  	_ =	shalt  }
0x49: {  	_ =	shalt  }
0x4a: {  	_ =	shalt  }
0x4b: {  	_ =	shalt  }
0x4c: {  	_ =	shalt  }
0x4d: {  	_ =	shalt  }
0x4e: {  	_ =	shalt  }
0x4f: {  	_ =	shalt  }
0x50: {  	_ =	shalt  }
0x51: {  	_ =	shalt  }
0x52: {  	_ =	shalt  }
0x53: {  	_ =	shalt  }
0x54: {  	_ =	shalt  }
0x55: {  	_ =	shalt  }
0x56: {  	_ =	shalt  }
0x57: {  	_ =	shalt  }
0x58: {  	_ =	shalt  }
0x59: {  	_ =	shalt  }
0x5a: {  	_ =	shalt  }
0x5b: {  	_ =	shalt  }
0x5c: {  	_ =	shalt  }
0x5d: {  	_ =	shalt  }
0x5e: {  	_ =	shalt  }
0x5f: {  	_ =	shalt  }
0x60: {  	_ =	shalt  }
0x61: {  	_ =	shalt  }
0x62: {  	_ =	shalt  }
0x63: {  	_ =	shalt  }
0x64: {  	_ =	shalt  }
0x65: {  	_ =	shalt  }
0x66: {  	_ =	shalt  }
0x67: {  	_ =	shalt  }
0x68: {  	_ =	shalt  }
0x69: {  	_ =	shalt  }
0x6a: {  	_ =	shalt  }
0x6b: {  	_ =	shalt  }
0x6c: {  	_ =	shalt  }
0x6d: {  	_ =	shalt  }
0x6e: {  	_ =	shalt  }
0x6f: {  	_ =	shalt  }
0x70: {  	_ =	shalt  }
0x71: {  	_ =	shalt  }
0x72: {  	_ =	shalt  }
0x73: {  	_ =	shalt  }
0x74: {  	_ =	shalt  }
0x75: {  	_ =	shalt  }
0x76: {  	_ =	shalt  }
0x77: {  	_ =	shalt  }
0x78: {  	_ =	shalt  }
0x79: {  	_ =	shalt  }
0x7a: {  	_ =	shalt  }
0x7b: {  	_ =	shalt  }
0x7c: {  	_ =	shalt  }
0x7d: {  	_ =	shalt  }
0x7e: {  	_ =	shalt  }
0x7f: {  	_ =	shalt  }
0x80: {  	_ =	shalt  }
0x81: {  	_ =	shalt  }
0x82: {  	_ =	shalt  }
0x83: {  	_ =	shalt  }
0x84: {  	_ =	shalt  }
0x85: {  	_ =	shalt  }
0x86: {  	_ =	shalt  }
0x87: {  	_ =	shalt  }
.Lfunc_end0:
.L_simem_size_0:
called_computation.3_lowered:
.L_overlay_start_0:
0x88: {  	s2 =	sld [smem:$0x3FD9]  }
0x89: {  	s3 =	sld [smem:$0x3FFE];
	_ =	sdelay $0x1  }
0x8a: {  	s1 =	srdreg.scid  }
0x8b: {  	s0 =	sand.u32 $0x1, s1  }
0x8c: {  	s16 =	sshll.u32 s0, $0xA;
	s2 =	sadd.s32 s3, s2  }
0x8d: {  	s2 =	sadd.s32 s2, s16  }
0x8e: {  	[smem:$0x3FBC] =	sst s2  }
0x8f: {  	_ = 	snop  }
0x90: {  	(tm) =	ssettm $0x1  }
0x91: {  	s17 =	sld [smem:$0x3FFB];
	_ =	sdelay $0x3  }
0x92: {  	_ =	strace s17  }
0x93: {  	s2 =	sld [smem:$0x3FFC];
	_ =	sdelay $0x3  }
0x94: {  	_ =	strace s2  }
0x95: {  	s2 =	sld [smem:$0x3FFD];
	_ =	sdelay $0x3  }
0x96: {  	_ =	strace s2  }
0x97: {  	_ =	strace $0x8FFFFFFF  }
0x98: {  	s18 =	sld [smem:$0x3FDB];
	_ =	sdelay $0x1  }
0x99: {  	s19 =	simm.s32 $_scs_section_size  }
0x9a: {  	s4 =	simm.s32 $_size__tile_overlayer_lowered;
	s5 =	simm.s32 $_tile_overlayer_lowered  }
0x9b: {  	s22 =	simm.s32 $0x1BFF;
	s21 =	sshll.u32 s5, $0x1;
	s2 =	sadd.s32 s19, s18  }
0x9c: {  	s6 =	simm.s32 $0x0;
	s20 =	sshll.u32 s4, $0x1;
	s4 =	sadd.s32 s21, s2  }
0x9d: {  	[timem:s6], [sflag:s22] =	dma.local [hbm:s4], s20  }
0x9e: {  	_ =	swait.ge [sflag:s22], s20  }
0x9f: {  	s3 =	ssub.s32 $0x0, s20;
	[sflag:s22] =	ssyncset.done $0x0  }
0xa0: {  	[sflag:s22] =	ssyncadd.s32 s3;
	_ =	sdelay $0x1  }
0xa1: {  	s23 =	simm.s32 $0x1B8B  }
0xa2: {  	_ =	swait.ge [sflag:s23], $0x1  }
0xa3: {  	[sflag:s23] =	ssyncset.done $0x0  }
0xa4: {  	s25 =	simm.s32 $0x1B8E;
	s24 =	sld [smem:$0x3FFE];
	[sflag:s23] =	ssyncadd.s32 $0xFFFFFFFF  }
0xa5: {  	s26 =	simm.s32 $execute0_lowered;
	[smem:$0x3FD2] =	sst s25  }
0xa6: {  	s4 =	sshll.u32 s26, $0x1;
	_ =	strace $0x8000004F;
	[dreg:$0x1] =	wrdreg $0xFFFFFFFF  }
0xa7: {  	s28 =	simm.s32 $_size_execute0_lowered;
	s2 =	sadd.s32 s2, s4;
	[dreg:$0x0] =	wrdreg $0x0  }
0xa8: {  	s4 =	sshll.u32 s28, $0x1;
	[dreg:$0x2] =	wrdreg s2  }
0xa9: {  	[dreg:$0x3] =	wrdreg s4  }
0xaa: {  	[dreg:$0x4] =	wrdreg $0xC0  }
0xab: {  	_ =	task [dreg:s6], $0x5FFFF  }
0xac: {  	[dreg:$0x1] =	wrdreg $0xFFFFFFFF  }
0xad: {  	[dreg:$0x0] =	wrdreg $0x60  }
0xae: {  	[dreg:$0x2] =	wrdreg s24  }
0xaf: {  	[dreg:$0x3] =	wrdreg $0x0  }
0xb0: {  	[dreg:$0x4] =	wrdreg $0x9  }
0xb1: {  	_ =	task.clear_ibuf [dreg:s6], $0x5FFFF;
	_ =	strace $0x9000004F  }
0xb2: {  	s29 =	simm.s32 $0x9;
	_ =	strace $0x80000051  }
0xb3: {  	_ =	swait.ge [sflag:s29], $0x1  }
0xb4: {  	[sflag:s29] =	ssyncadd.s32 $0xFFFFFFFF  }
0xb5: {  	_ =	strace $0x90000051  }
0xb6: {  	_ =	sfence  }
0xb7: {  	s30 =	sld [smem:$0x0];
	_ =	sdelay $0x2  }
0xb8: {  	s31 =	sshll.u32 s1, $0xD;
	s1 =	sshrl.u32 s1, $0x2  }
0xb9: {  	s3 =	sand.u32 $0x4000, s31;
	s1 =	sadd.s32 s1, s30  }
0xba: {  	s0 =	sor.u32 s3, s0;
	s1 =	sshll.u32 s1, $0x11  }
0xbb: {  	s0 =	sor.u32 s1, s0  }
0xbc: {  	s0 =	sadd.s32 $0x8F2B, s0  }
0xbd: {  	[sflag:s0] =	ssyncadd.remote.s32 $0x1  }
0xbe: {  	_ =	sfence.sel $0xFFFF  }
0xbf: {  	[dreg:$0x0] =	wrdreg $0xFFFFFFFF;
	(pc) =	sbr.abs _section_cstart, $3  }
0xc0: {  	[dreg:$0x1] =	wrdreg $0xFFFFFFFF  }
0xc1: {  	_ =	task.clear_ibuf [dreg:s6], $0x2FFFF;
	_ =	strace $0x9FFFFFFF  }
0xc2: {  	(tm) =	ssettm $0x7FFFFFFF  }
0xc3: {  	_ =	shalt  }
tec
execute0_lowered:
.L_overlay_start_1:
0x0: {  	(tag) =	ssettag $0x1  }
0x1: {  	s0 =	rddreg [dreg:$0x0]  }
0x2: {  	s2 =	rddreg [dreg:$0x1]  }
0x3: {  	s1 =	srdreg.scid;
	s10 =	stileid.u32;
	s3 =	simm.s32 $0x0  }
0x4: {  	s12 =	simm.s32 $0x5;
	s13 =	simm.s32 $0xA000;
	s15 =	simm.s32 $0x100  }
0x5: {  	s16 =	simm.s32 $0xF000;
	s18 =	simm.s32 $0x13000;
	s19 =	simm.s32 $0xA200  }
0x6: {  	s20 =	simm.s32 $0x17000;
	s21 =	simm.s32 $0xA300;
	s22 =	simm.s32 $0x1B000  }
0x7: {  	s23 =	simm.s32 $0x1;
	s24 =	simm.s32 $0x2;
	s25 =	simm.s32 $0x3  }
0x8: {  	s28 =	simm.s32 $0xEC00;
	s29 =	simm.s32 $0xED00;
	s30 =	simm.s32 $0xEE00  }
0x9: {  	s31 =	simm.s32 $0xEF00;
	s1 =	sand.u32 $0x1, s1;
	s5 =	smul.u32 $0xA000, s10  }
0xa: {  	[smem:$0x7FF] =	sst s3;
	s26 =	sshll.u32 s10, $0x6;
	s4 =	sshll.u32 s1, $0x4  }
0xb: {  	s6 =	smul.u32 $0xA0000, s1;
	_ =	strace $0x80000050;
	s1 =	ssub.s32 $0x2, s1  }
0xc: {  	s4 =	sor.u32 s10, s4;
	s8 =	sshrl.u32 s1, $0x1;
	s11 =	sadd.s32 s5, s2  }
0xd: {  	s7 =	smul.u32 $0x2800, s4;
	s4 =	sadd.s32 $0x16E00, s0;
	s6 =	sadd.s32 s5, s6  }
0xe: {  	s1 =	ssub.s32 s1, s8;
	s5 =	sshrl.u32 s5, $0x3;
	s11 =	sshrl.u32 s11, $0x3  }
0xf: {  	s6 =	sshrl.u32 s6, $0x3;
	s5 =	sadd.s32 s4, s5;
	s7 =	sshrl.u32 s7, $0x3  }
0x10: {  	s10 =	smax.u32 s1, $0x1;
	s9 =	sadd.s32 s7, s0;
	s0 =	sadd.s32 s6, s0  }
0x11: {  	s6 =	sor.u32 $0x1C05, s26;
	s26 =	simm.s32 $0x4;
	s7 =	sadd.s32 $0x2E00, s9  }
0x12: {  	s8 =	sadd.s32 $0xCE00, s9;
	s9 =	sadd.s32 $0x2AE00, s0;
	s0 =	simm.s32 $0x0  }
.LBB2_1:
0x13: {  	[spmem:s11], [sflag:s6] =	dma.local [hbm:s5], $0x1400  }
0x14: {  	_ =	swait.ge [sflag:s12], $0x1400  }
0x15: {  	[sflag:s12] =	ssyncset.done $0x0  }
0x16: {  	[sflag:s12] =	ssyncadd.s32 $0xFFFFEC00  }
0x17: {  	[tilespmem:s13], [sflag:$0x5] =	stream.linear.gather [hbm4b:s7+s3], $0x2800, $0x38;
	[tilespmem:$0x1F000] =	vst v63  }
0x18: {  	_ =	swait.ge [sflag:s12], $0x2800  }
0x19: {  	[sflag:s12] =	ssyncset.done $0x0  }
0x1a: {  	s1 =	simm.s32 $0xC800;
	[sflag:s12] =	ssyncadd.s32 $0xFFFFD800  }
0x1b: {  	[tilespmem:s1], [sflag:$0x5] =	stream.linear.gather [hbm4b:s8+s3], $0x2800, $0x38;
	[tilespmem:$0x1F000] =	vst v63  }
0x1c: {  	_ =	swait.ge [sflag:s12], $0x2800  }
0x1d: {  	[sflag:s12] =	ssyncset.done $0x0  }
0x1e: {  	[sflag:s12] =	ssyncadd.s32 $0xFFFFD800  }
0x1f: {  	[bflag:$0x0] =	sbarrier.arrive $0xFFFF  }
0x20: {  	[tilespmem:s16], [sflag:$0x1] =	stream.indirect.gather [hbm4b:s4+s15], $0x40, s13, s15, $0xb8;
	[tilespmem:$0x1F000] =	vst v63  }
0x21: {  	s14 =	simm.s32 $0xA100  }
0x22: {  	[tilespmem:s18], [sflag:$0x2] =	stream.indirect.gather [hbm4b:s4+s15], $0x40, s14, s15, $0xb8;
	[tilespmem:$0x1F000] =	vst v63  }
0x23: {  	_ = 	snop  }
0x24: {  	[tilespmem:s20], [sflag:$0x3] =	stream.indirect.gather [hbm4b:s4+s15], $0x40, s19, s15, $0xb8;
	[tilespmem:$0x1F000] =	vst v63  }
0x25: {  	_ = 	snop  }
0x26: {  	[tilespmem:s22], [sflag:$0x4] =	stream.indirect.gather [hbm4b:s4+s15], $0x40, s21, s15, $0xb8;
	[tilespmem:$0x1F000] =	vst v63  }
0x27: {  	_ =	swait.ge [sflag:s23], $0x4000  }
0x28: {  	[sflag:s23] =	ssyncset.done $0x0  }
0x29: {  	s17 =	simm.s32 $0xC800;
	[sflag:s23] =	ssyncadd.s32 $0xFFFFC000  }
0x2a: {  	[spmem:s2] =	stream.indirect.scatter.add.f32 [tilespmem:s16], [sflag:$0x5], $0x40, s17, s15, $0xb8;
	[tilespmem:$0x1F000] =	vst v63  }
0x2b: {  	_ =	swait.ge [sflag:s12], $0x4000  }
0x2c: {  	[sflag:s12] =	ssyncset.done $0x0  }
0x2d: {  	s14 =	simm.s32 $0xA400;
	[sflag:s12] =	ssyncadd.s32 $0xFFFFC000  }
0x2e: {  	[tilespmem:s16], [sflag:$0x1] =	stream.indirect.gather [hbm4b:s4+s15], $0x40, s14, s15, $0xb8;
	[tilespmem:$0x1F000] =	vst v63  }
0x2f: {  	_ =	swait.ge [sflag:s24], $0x4000  }
0x30: {  	[sflag:s24] =	ssyncset.done $0x0  }
0x31: {  	s17 =	simm.s32 $0xC900;
	[sflag:s24] =	ssyncadd.s32 $0xFFFFC000  }
0x32: {  	[spmem:s2] =	stream.indirect.scatter.add.f32 [tilespmem:s18], [sflag:$0x5], $0x40, s17, s15, $0xb8;
	[tilespmem:$0x1F000] =	vst v63  }
0x33: {  	_ =	swait.ge [sflag:s12], $0x4000  }
0x34: {  	[sflag:s12] =	ssyncset.done $0x0  }
0x35: {  	s14 =	simm.s32 $0xA500;
	[sflag:s12] =	ssyncadd.s32 $0xFFFFC000  }
0x36: {  	[tilespmem:s18], [sflag:$0x2] =	stream.indirect.gather [hbm4b:s4+s15], $0x40, s14, s15, $0xb8;
	[tilespmem:$0x1F000] =	vst v63  }
0x37: {  	_ =	swait.ge [sflag:s25], $0x4000  }
0x38: {  	[sflag:s25] =	ssyncset.done $0x0  }
0x39: {  	s17 =	simm.s32 $0xCA00;
	[sflag:s25] =	ssyncadd.s32 $0xFFFFC000  }
0x3a: {  	[spmem:s2] =	stream.indirect.scatter.add.f32 [tilespmem:s20], [sflag:$0x5], $0x40, s17, s15, $0xb8;
	[tilespmem:$0x1F000] =	vst v63  }
0x3b: {  	_ =	swait.ge [sflag:s12], $0x4000  }
0x3c: {  	[sflag:s12] =	ssyncset.done $0x0  }
0x3d: {  	s14 =	simm.s32 $0xA600;
	[sflag:s12] =	ssyncadd.s32 $0xFFFFC000  }
0x3e: {  	[tilespmem:s20], [sflag:$0x3] =	stream.indirect.gather [hbm4b:s4+s15], $0x40, s14, s15, $0xb8;
	[tilespmem:$0x1F000] =	vst v63  }
0x3f: {  	_ =	swait.ge [sflag:s26], $0x4000  }
0x40: {  	[sflag:s26] =	ssyncset.done $0x0  }
0x41: {  	s17 =	simm.s32 $0xCB00;
	[sflag:s26] =	ssyncadd.s32 $0xFFFFC000  }
0x42: {  	[spmem:s2] =	stream.indirect.scatter.add.f32 [tilespmem:s22], [sflag:$0x5], $0x40, s17, s15, $0xb8;
	[tilespmem:$0x1F000] =	vst v63  }
0x43: {  	_ =	swait.ge [sflag:s12], $0x4000  }
0x44: {  	[sflag:s12] =	ssyncset.done $0x0  }
0x45: {  	s1 =	simm.s32 $0x1000;
	s14 =	simm.s32 $0xA700;
	[sflag:s12] =	ssyncadd.s32 $0xFFFFC000  }
.LBB2_2:
0x46: {  	[tilespmem:s22], [sflag:$0x4] =	stream.indirect.gather [hbm4b:s4+s15], $0x40, s14, s15, $0xb8;
	[tilespmem:$0x1F000] =	vst v63  }
0x47: {  	s14 =	smov.u32 s1  }
0x48: {  	p0 =	sne.s32 s1, $0x8000;
	s1 =	sadd.s32 $0x1000, s1;
	_ =	swait.ge [sflag:s23], $0x4000  }
0x49: {  	s14 =	sshra.s32 s14, $0x2;
	[sflag:s23] =	ssyncset.done $0x0  }
0x4a: {  	s17 =	sadd.s32 $0xC800, s14;
	[sflag:s23] =	ssyncadd.s32 $0xFFFFC000  }
0x4b: {  	[spmem:s2] =	stream.indirect.scatter.add.f32 [tilespmem:s16], [sflag:$0x5], $0x40, s17, s15, $0xb8;
	[tilespmem:$0x1F000] =	vst v63  }
0x4c: {  	_ =	swait.ge [sflag:s12], $0x4000  }
0x4d: {  	[sflag:s12] =	ssyncset.done $0x0  }
0x4e: {  	s17 =	sadd.s32 $0xA400, s14;
	[sflag:s12] =	ssyncadd.s32 $0xFFFFC000  }
0x4f: {  	[tilespmem:s16], [sflag:$0x1] =	stream.indirect.gather [hbm4b:s4+s15], $0x40, s17, s15, $0xb8;
	[tilespmem:$0x1F000] =	vst v63  }
0x50: {  	_ =	swait.ge [sflag:s24], $0x4000  }
0x51: {  	[sflag:s24] =	ssyncset.done $0x0  }
0x52: {  	s17 =	sadd.s32 $0xC900, s14;
	[sflag:s24] =	ssyncadd.s32 $0xFFFFC000  }
0x53: {  	[spmem:s2] =	stream.indirect.scatter.add.f32 [tilespmem:s18], [sflag:$0x5], $0x40, s17, s15, $0xb8;
	[tilespmem:$0x1F000] =	vst v63  }
0x54: {  	_ =	swait.ge [sflag:s12], $0x4000  }
0x55: {  	[sflag:s12] =	ssyncset.done $0x0  }
0x56: {  	s17 =	sadd.s32 $0xA500, s14;
	[sflag:s12] =	ssyncadd.s32 $0xFFFFC000  }
0x57: {  	[tilespmem:s18], [sflag:$0x2] =	stream.indirect.gather [hbm4b:s4+s15], $0x40, s17, s15, $0xb8;
	[tilespmem:$0x1F000] =	vst v63  }
0x58: {  	_ =	swait.ge [sflag:s25], $0x4000  }
0x59: {  	[sflag:s25] =	ssyncset.done $0x0  }
0x5a: {  	s17 =	sadd.s32 $0xCA00, s14;
	[sflag:s25] =	ssyncadd.s32 $0xFFFFC000  }
0x5b: {  	[spmem:s2] =	stream.indirect.scatter.add.f32 [tilespmem:s20], [sflag:$0x5], $0x40, s17, s15, $0xb8;
	[tilespmem:$0x1F000] =	vst v63  }
0x5c: {  	_ =	swait.ge [sflag:s12], $0x4000  }
0x5d: {  	[sflag:s12] =	ssyncset.done $0x0  }
0x5e: {  	s17 =	sadd.s32 $0xA600, s14;
	[sflag:s12] =	ssyncadd.s32 $0xFFFFC000  }
0x5f: {  	[tilespmem:s20], [sflag:$0x3] =	stream.indirect.gather [hbm4b:s4+s15], $0x40, s17, s15, $0xb8;
	[tilespmem:$0x1F000] =	vst v63  }
0x60: {  	_ =	swait.ge [sflag:s26], $0x4000  }
0x61: {  	[sflag:s26] =	ssyncset.done $0x0  }
.Ltmp0:
0x62: {  	s17 =	sadd.s32 $0xCB00, s14;
	[sflag:s26] =	ssyncadd.s32 $0xFFFFC000;
	(pc) =	sbr.rel @p0 .LBB2_2-.Ltmp0, $4  }
0x63: {  	[spmem:s2] =	stream.indirect.scatter.add.f32 [tilespmem:s22], [sflag:$0x5], $0x40, s17, s15, $0xb8;
	[tilespmem:$0x1F000] =	vst v63  }
0x64: {  	_ =	swait.ge [sflag:s12], $0x4000  }
0x65: {  	[sflag:s12] =	ssyncset.done $0x0  }
0x66: {  	s14 =	sadd.s32 $0xA700, s14;
	[sflag:s12] =	ssyncadd.s32 $0xFFFFC000  }
0x67: {  	[tilespmem:s22], [sflag:$0x4] =	stream.indirect.gather [hbm4b:s4+s15], $0x40, s14, s15, $0xb8;
	[tilespmem:$0x1F000] =	vst v63  }
0x68: {  	_ =	swait.ge [sflag:s23], $0x4000  }
0x69: {  	[sflag:s23] =	ssyncset.done $0x0  }
0x6a: {  	[sflag:s23] =	ssyncadd.s32 $0xFFFFC000  }
0x6b: {  	[spmem:s2] =	stream.indirect.scatter.add.f32 [tilespmem:s16], [sflag:$0x5], $0x40, s28, s15, $0xb8;
	[tilespmem:$0x1F000] =	vst v63  }
0x6c: {  	_ =	swait.ge [sflag:s12], $0x4000  }
0x6d: {  	[sflag:s12] =	ssyncset.done $0x0  }
0x6e: {  	[sflag:s12] =	ssyncadd.s32 $0xFFFFC000  }
0x6f: {  	_ =	swait.ge [sflag:s24], $0x4000  }
0x70: {  	[sflag:s24] =	ssyncset.done $0x0  }
0x71: {  	[sflag:s24] =	ssyncadd.s32 $0xFFFFC000  }
0x72: {  	[spmem:s2] =	stream.indirect.scatter.add.f32 [tilespmem:s18], [sflag:$0x5], $0x40, s29, s15, $0xb8;
	[tilespmem:$0x1F000] =	vst v63  }
0x73: {  	_ =	swait.ge [sflag:s12], $0x4000  }
0x74: {  	[sflag:s12] =	ssyncset.done $0x0  }
0x75: {  	[sflag:s12] =	ssyncadd.s32 $0xFFFFC000  }
0x76: {  	_ =	swait.ge [sflag:s25], $0x4000  }
0x77: {  	[sflag:s25] =	ssyncset.done $0x0  }
0x78: {  	[sflag:s25] =	ssyncadd.s32 $0xFFFFC000  }
0x79: {  	[spmem:s2] =	stream.indirect.scatter.add.f32 [tilespmem:s20], [sflag:$0x5], $0x40, s30, s15, $0xb8;
	[tilespmem:$0x1F000] =	vst v63  }
0x7a: {  	_ =	swait.ge [sflag:s12], $0x4000  }
0x7b: {  	[sflag:s12] =	ssyncset.done $0x0  }
0x7c: {  	[sflag:s12] =	ssyncadd.s32 $0xFFFFC000  }
0x7d: {  	_ =	swait.ge [sflag:s26], $0x4000  }
0x7e: {  	[sflag:s26] =	ssyncset.done $0x0  }
0x7f: {  	[sflag:s26] =	ssyncadd.s32 $0xFFFFC000  }
0x80: {  	[spmem:s2] =	stream.indirect.scatter.add.f32 [tilespmem:s22], [sflag:$0x5], $0x40, s31, s15, $0xb8;
	[tilespmem:$0x1F000] =	vst v63  }
0x81: {  	_ =	swait.ge [sflag:s12], $0x4000  }
0x82: {  	s0 =	sadd.s32 $0x1, s0;
	[sflag:s12] =	ssyncset.done $0x0  }
0x83: {  	p0 =	sne.s32 s0, s10;
	[sflag:s12] =	ssyncadd.s32 $0xFFFFC000  }
.Ltmp1:
0x84: {  	[bflag:$0x0] =	sbarrier.arrive $0xFFFF;
	(pc) =	sbr.rel @p0 .LBB2_1-.Ltmp1, $4  }
0x85: {  	[hbm:s9], [sflag:s6] =	dma.local [spmem:s11], $0x1400  }
0x86: {  	_ =	swait.ge [sflag:s12], $0x1400  }
0x87: {  	[sflag:s12] =	ssyncset.done $0x0  }
0x88: {  	[sflag:s12] =	ssyncadd.s32 $0xFFFFEC00  }
0x89: {  	_ =	sfence.sel $0x180000  }
0x8a: {  	[bflag:$0x0] =	sbarrier.arrive $0xFFFF  }
0x8b: {  	_ =	strace $0x90000050  }
0x8c: {  	s0 =	stileid.u32;
	[bflag:$0x2] =	sbarrier.arrive $0xFFFF  }
0x8d: {  	p0 =	sne.s32 s0, $0x0;
	s0 =	rddreg [dreg:$0x2]  }
0x8e: {  	s0 =	sadd.s32 @!p0 $0x100000, s0  }
0x8f: {  	[sflag:s0] =	ssyncadd.tile.s32 @!p0 $0x1;
	_ =	shalt  }
.Lfunc_end2:
_tile_overlayer_lowered:
.L_overlay_start_2:
0x90: {  	(tag) =	ssettag $0x2  }
0x91: {  	s0 =	rddreg [dreg:$0x0];
	s2 =	stileid.u32  }
0x92: {  	s1 =	rddreg [dreg:$0x1];
	p0 =	sne.s32 s2, $0x0  }
0x93: {  	s3 =	rddreg [dreg:$0x2];
	[bflag:$0x3] =	sbarrier.arrive $0xFFFF;
	s2 =	simm.s32 @!p0 $0x1C05  }
0x94: {  	[timem:s3], [sflag:s2] =	dma.local @!p0 [hbm:s0], s1  }
0x95: {  	s0 =	simm.s32 @!p0 $0x5  }
0x96: {  	_ =	swait.ge @!p0 [sflag:s0], s1  }
0x97: {  	s1 =	ssub.s32 @!p0 $0x0, s1;
	[sflag:s0] =	ssyncset.done @!p0 $0x0  }
0x98: {  	[sflag:s0] =	ssyncadd.s32 @!p0 s1  }
0x99: {  	[bflag:$0x3] =	sbarrier.arrive $0xFFFF  }
0x9a: {  	_ =	shalt  }

</sc_bundles>
